<compile_context>
chip_gen: v7x
topology: tpu7x:2x2x1
jax: 0.10.2.dev20260603
libtpu: 0.0.44.dev20260713+nightly
codegen_flags: <defaults>
</compile_context>

<pallas_src>
import jax
import jax.numpy as jnp
from jax import lax
from jax.experimental import pallas as pl
from jax.experimental.pallas import tpu as pltpu
from jax.experimental.pallas import tpu_sc as plsc

B = 1024
S = 200
D = 64
NC = 2
NS = 16
NW = NC * NS
N = B * S
PER_W = N // NW
CHUNK = 320
NCHUNK = PER_W // CHUNK


def _body(tok_hbm, pos_hbm, e_hbm, p_hbm, out_hbm,
          idx_v, pos_v, rows0, rows1, p_sh,
          semG0, semG1, semP, semS0, semS1):
    cid = lax.axis_index("c")
    sid = lax.axis_index("s")
    wid = sid * NC + cid
    base_w = wid * PER_W

    @pl.when(sid == 0)
    def _():
        pltpu.sync_copy(p_hbm, p_sh)

    plsc.subcore_barrier()

    pltpu.sync_copy(tok_hbm.at[pl.ds(base_w, PER_W)], idx_v)
    pltpu.sync_copy(pos_hbm.at[pl.ds(base_w, PER_W)], pos_v)

    rows = [rows0, rows1]
    semG = [semG0, semG1]
    semS = [semS0, semS1]

    def gather(c, b):
        def q_body(q, _):
            toks = idx_v[pl.ds(c * CHUNK + q * 16, 16)]
            for l in range(16):
                pltpu.async_copy(
                    e_hbm.at[toks[l]],
                    rows[b].at[q * 16 + l, pl.ds(0, D)], semG[b])
            return 0
        lax.fori_loop(0, CHUNK // 16, q_body, 0, unroll=False)

    def gather_wait(b):
        pltpu.make_async_copy(
            out_hbm.at[pl.ds(0, CHUNK // 2)],
            rows[b].at[pl.ds(0, CHUNK // 2)], semG[b]).wait()

    def padd(c, b):
        return pltpu.async_copy(
            p_sh.at[pos_v.at[pl.ds(c * CHUNK, CHUNK)]], rows[b],
            semP, add=True)

    def store(c, b):
        return pltpu.async_copy(
            rows[b], out_hbm.at[pl.ds(base_w + c * CHUNK, CHUNK)], semS[b])

    def store_wait(b):
        pltpu.make_async_copy(
            rows[b], out_hbm.at[pl.ds(0, CHUNK)], semS[b]).wait()

    gather(0, 0)

    def c_body(g, _):
        for b in range(2):
            c = g * 2 + b
            gather_wait(b)
            pa = padd(c, b)

            @pl.when(c + 1 < NCHUNK)
            def _():
                @pl.when(c >= 1)
                def _():
                    store_wait((b + 1) % 2)
                gather(c + 1, (b + 1) % 2)

            pa.wait()
            store(c, b)
        return 0

    lax.fori_loop(0, NCHUNK // 2, c_body, 0, unroll=False)
    store_wait(0)
    store_wait(1)


def kernel(tokens, E, P):
    p128 = jnp.pad(P, ((0, 0), (0, 64)))
    mesh = plsc.VectorSubcoreMesh(
        core_axis_name="c", subcore_axis_name="s", num_cores=NC, num_subcores=NS
    )
    run = pl.kernel(
        _body,
        out_type=jax.ShapeDtypeStruct((N, 128), jnp.float32),
        mesh=mesh,
        compiler_params=pltpu.CompilerParams(
            use_tc_tiling_on_sc=True, needs_layout_passes=False),
        scratch_types=[
            pltpu.VMEM((PER_W,), jnp.int32),
            pltpu.VMEM((PER_W,), jnp.int32),
            pltpu.VMEM((CHUNK, 128), jnp.float32),
            pltpu.VMEM((CHUNK, 128), jnp.float32),
            pltpu.VMEM_SHARED((S, 128), jnp.float32),
            pltpu.SemaphoreType.DMA,
            pltpu.SemaphoreType.DMA,
            pltpu.SemaphoreType.DMA,
            pltpu.SemaphoreType.DMA,
            pltpu.SemaphoreType.DMA,
        ],
    )
    pos = jnp.broadcast_to(jnp.arange(S, dtype=jnp.int32)[None, :], (B, S))
    out = run(tokens.reshape(N), pos.reshape(N), E, p128)
    return out[:, :D].reshape(B, S, D)

# --- scband reference (transcript-rebuilt; emitter-appended) ---
"""Pipeline reference for scband-embedding-layer-3530463117492 (READ-ONLY COPY).

The authoritative reference and input builder live on the scoring server;
editing this copy changes nothing except your own understanding.
"""

import jax, jax.numpy as jnp
import numpy as np

VOCAB = 1000000
BLOCK = 200
D = 64
B = 1024
S = 200

def setup_inputs(seed: int = 0) -> dict:
    key = jax.random.key(seed)
    k1, k2, k3 = jax.random.split(key, 3)
    tokens = jax.random.randint(k1, (B, S), 0, VOCAB, dtype=jnp.int64) if jax.config.jax_enable_x64 else jax.random.randint(k1, (B, S), 0, VOCAB, dtype=jnp.int32)
    E = jax.random.normal(k2, (VOCAB, D), dtype=jnp.float32)
    P = jax.random.normal(k3, (BLOCK, D), dtype=jnp.float32)
    return {"tokens": tokens, "E": E, "P": P}

def reference(tokens, E, P):
    batch_size, seq_len = tokens.shape
    positions = jnp.broadcast_to(jnp.arange(seq_len)[None, :], (batch_size, seq_len))
    X = jnp.take(E, tokens, axis=0) + jnp.take(P, positions, axis=0)
    return X

if __name__ == "__main__":
    import jax
    _d = setup_inputs()
    print(jax.jit(kernel)(*tuple(_d.values())))

</pallas_src>

<mosaic_0001>
#map = affine_map<(d0, d1) -> (0)>
#map1 = affine_map<(d0, d1) -> (0, 0)>
module attributes {stable_mosaic.version = 14 : i64} {
  func.func @_body(%arg0: i32, %arg1: i32, %arg2: memref<204800xi32, #tpu.memory_space<hbm>>, %arg3: memref<204800xi32, #tpu.memory_space<hbm>>, %arg4: memref<1000000x64xf32, #tpu.memory_space<hbm>>, %arg5: memref<200x128xf32, #tpu.memory_space<hbm>>, %arg6: memref<204800x128xf32, #tpu.memory_space<hbm>>, %arg7: memref<6400xi32, #tpu.memory_space<vmem>>, %arg8: memref<6400xi32, #tpu.memory_space<vmem>>, %arg9: memref<320x128xf32, #tpu.memory_space<vmem>>, %arg10: memref<320x128xf32, #tpu.memory_space<vmem>>, %arg11: memref<200x128xf32, #tpu.memory_space<vmem_shared>>, %arg12: memref<!tpu.dma_semaphore, #tpu.memory_space<semaphore_mem>>, %arg13: memref<!tpu.dma_semaphore, #tpu.memory_space<semaphore_mem>>, %arg14: memref<!tpu.dma_semaphore, #tpu.memory_space<semaphore_mem>>, %arg15: memref<!tpu.dma_semaphore, #tpu.memory_space<semaphore_mem>>, %arg16: memref<!tpu.dma_semaphore, #tpu.memory_space<semaphore_mem>>) attributes {dimension_semantics = [#tpu.dimension_semantics<core_parallel>, #tpu.dimension_semantics<subcore_parallel>], iteration_bounds = array<i64: 2, 16>, scalar_prefetch = 0 : i64, scratch_operands = 10 : i64, tpu.core_type = #tpu.core_type<sc_vector_subcore>, window_params = [{transform_indices = #map}, {transform_indices = #map}, {transform_indices = #map1}, {transform_indices = #map1}, {transform_indices = #map1}]} {
    %mul3A = arith.constant 2 : i32
    %mul3A_0 = arith.muli %arg1, %mul3A : i32
    %add3A = arith.addi %mul3A_0, %arg0 : i32
    %mul3A_1 = arith.constant 6400 : i32
    %mul3A_2 = arith.muli %add3A, %mul3A_1 : i32
    %eq3A = arith.constant 0 : i32
    %eq3A_3 = arith.cmpi eq, %arg1, %eq3A : i32
    %convert_element_type3A = arith.extui %eq3A_3 : i1 to i32
    %cond3A = arith.constant 0 : i32
    %cond3A_4 = arith.cmpi ne, %convert_element_type3A, %cond3A : i32
    scf.if %cond3A_4 {
      "tpu.region"() ({
        %run_scoped3A = tpu.sem_alloc : memref<!tpu.dma_semaphore, #tpu.memory_space<semaphore_mem>>
        tpu.enqueue_dma source(%arg5 : memref<200x128xf32, #tpu.memory_space<hbm>>) target(%arg11 : memref<200x128xf32, #tpu.memory_space<vmem_shared>>) target_semaphore(%run_scoped3A : memref<!tpu.dma_semaphore, #tpu.memory_space<semaphore_mem>>)
        tpu.wait_dma2 semaphore(%run_scoped3A : memref<!tpu.dma_semaphore, #tpu.memory_space<semaphore_mem>>) src(%arg5 : memref<200x128xf32, #tpu.memory_space<hbm>>) dst(%arg11 : memref<200x128xf32, #tpu.memory_space<vmem_shared>>)
        tpu.yield
      }) : () -> ()
    } else {
    }
    %barrier3A = arith.constant 0 : index
    tpu.barrier barrier_id(%barrier3A)
    "tpu.region"() ({
      %run_scoped3A = tpu.sem_alloc : memref<!tpu.dma_semaphore, #tpu.memory_space<semaphore_mem>>
      %dma_start3A = tpu.memref_slice %arg2[%mul3A_2] : memref<204800xi32, #tpu.memory_space<hbm>> -> memref<6400xi32, #tpu.memory_space<hbm>>
      %dma_start3A_29 = tpu.memref_slice %arg2[%mul3A_2] : memref<204800xi32, #tpu.memory_space<hbm>> -> memref<6400xi32, #tpu.memory_space<hbm>>
      tpu.enqueue_dma source(%dma_start3A_29 : memref<6400xi32, #tpu.memory_space<hbm>>) target(%arg7 : memref<6400xi32, #tpu.memory_space<vmem>>) target_semaphore(%run_scoped3A : memref<!tpu.dma_semaphore, #tpu.memory_space<semaphore_mem>>)
      %dma_wait3A_30 = tpu.memref_slice %arg2[%mul3A_2] : memref<204800xi32, #tpu.memory_space<hbm>> -> memref<6400xi32, #tpu.memory_space<hbm>>
      %dma_wait3A_31 = tpu.memref_slice %arg2[%mul3A_2] : memref<204800xi32, #tpu.memory_space<hbm>> -> memref<6400xi32, #tpu.memory_space<hbm>>
      tpu.wait_dma2 semaphore(%run_scoped3A : memref<!tpu.dma_semaphore, #tpu.memory_space<semaphore_mem>>) src(%dma_wait3A_31 : memref<6400xi32, #tpu.memory_space<hbm>>) dst(%arg7 : memref<6400xi32, #tpu.memory_space<vmem>>)
      tpu.yield
    }) : () -> ()
    "tpu.region"() ({
      %run_scoped3A = tpu.sem_alloc : memref<!tpu.dma_semaphore, #tpu.memory_space<semaphore_mem>>
      %dma_start3A = tpu.memref_slice %arg3[%mul3A_2] : memref<204800xi32, #tpu.memory_space<hbm>> -> memref<6400xi32, #tpu.memory_space<hbm>>
      %dma_start3A_29 = tpu.memref_slice %arg3[%mul3A_2] : memref<204800xi32, #tpu.memory_space<hbm>> -> memref<6400xi32, #tpu.memory_space<hbm>>
      tpu.enqueue_dma source(%dma_start3A_29 : memref<6400xi32, #tpu.memory_space<hbm>>) target(%arg8 : memref<6400xi32, #tpu.memory_space<vmem>>) target_semaphore(%run_scoped3A : memref<!tpu.dma_semaphore, #tpu.memory_space<semaphore_mem>>)
      %dma_wait3A_30 = tpu.memref_slice %arg3[%mul3A_2] : memref<204800xi32, #tpu.memory_space<hbm>> -> memref<6400xi32, #tpu.memory_space<hbm>>
      %dma_wait3A_31 = tpu.memref_slice %arg3[%mul3A_2] : memref<204800xi32, #tpu.memory_space<hbm>> -> memref<6400xi32, #tpu.memory_space<hbm>>
      tpu.wait_dma2 semaphore(%run_scoped3A : memref<!tpu.dma_semaphore, #tpu.memory_space<semaphore_mem>>) src(%dma_wait3A_31 : memref<6400xi32, #tpu.memory_space<hbm>>) dst(%arg8 : memref<6400xi32, #tpu.memory_space<vmem>>)
      tpu.yield
    }) : () -> ()
    %scan3A = arith.constant 0 : i32
    %scan3A_5 = arith.constant 0 : i32
    %scan3A_6 = arith.constant 20 : i32
    %scan3A_7 = arith.addi %scan3A_5, %scan3A_6 : i32
    %scan3A_8 = arith.constant 1 : i32
    %scan3A_9 = scf.for %scan3A_29 = %scan3A_5 to %scan3A_7 step %scan3A_8 iter_args(%scan3A_30 = %scan3A) -> (i32)  : i32 {
      %mul3A_31 = arith.constant 16 : i32
      %mul3A_32 = arith.muli %scan3A_29, %mul3A_31 : i32
      %add3A_33 = arith.constant 0 : i32
      %add3A_34 = arith.addi %add3A_33, %mul3A_32 : i32
      %get3A = arith.index_cast %add3A_34 : i32 to index
      %get3A_35 = tpu.vector_load %arg7[%get3A] {strides = array<i32>} : memref<6400xi32, #tpu.memory_space<vmem>>, vector<16xi32>,
      %slice3A = vector.extract_strided_slice %get3A_35 {offsets = [0], sizes = [1], strides = [1]} : vector<16xi32> to vector<1xi32>
      %squeeze3A = vector.extract %slice3A[0] : i32 from vector<1xi32>
      %mul3A_36 = arith.constant 16 : i32
      %mul3A_37 = arith.muli %scan3A_29, %mul3A_36 : i32
      %add3A_38 = arith.constant 0 : i32
      %add3A_39 = arith.addi %mul3A_37, %add3A_38 : i32
      %dma_start3A = arith.constant 0 : i32
      %dma_start3A_40 = tpu.memref_slice %arg9[%add3A_39, %dma_start3A] : memref<320x128xf32, #tpu.memory_space<vmem>> -> memref<1x64xf32, #tpu.memory_space<vmem>>
      %dma_start3A_41 = tpu.memref_squeeze %dma_start3A_40 : memref<1x64xf32, #tpu.memory_space<vmem>> -> memref<64xf32, #tpu.memory_space<vmem>>
      %dma_start3A_42 = arith.constant 0 : i32
      %dma_start3A_43 = tpu.memref_slice %arg4[%squeeze3A, %dma_start3A_42] : memref<1000000x64xf32, #tpu.memory_space<hbm>> -> memref<1x64xf32, #tpu.memory_space<hbm>>
      %dma_start3A_44 = tpu.memref_squeeze %dma_start3A_43 : memref<1x64xf32, #tpu.memory_space<hbm>> -> memref<64xf32, #tpu.memory_space<hbm>>
      %dma_start3A_45 = arith.constant 0 : i32
      %dma_start3A_46 = tpu.memref_slice %arg9[%add3A_39, %dma_start3A_45] : memref<320x128xf32, #tpu.memory_space<vmem>> -> memref<1x64xf32, #tpu.memory_space<vmem>>
      %dma_start3A_47 = tpu.memref_squeeze %dma_start3A_46 : memref<1x64xf32, #tpu.memory_space<vmem>> -> memref<64xf32, #tpu.memory_space<vmem>>
      %dma_start3A_48 = arith.constant 0 : i32
      %dma_start3A_49 = tpu.memref_slice %arg4[%squeeze3A, %dma_start3A_48] : memref<1000000x64xf32, #tpu.memory_space<hbm>> -> memref<1x64xf32, #tpu.memory_space<hbm>>
      %dma_start3A_50 = tpu.memref_squeeze %dma_start3A_49 : memref<1x64xf32, #tpu.memory_space<hbm>> -> memref<64xf32, #tpu.memory_space<hbm>>
      tpu.enqueue_dma source(%dma_start3A_50 : memref<64xf32, #tpu.memory_space<hbm>>) target(%dma_start3A_47 : memref<64xf32, #tpu.memory_space<vmem>>) target_semaphore(%arg12 : memref<!tpu.dma_semaphore, #tpu.memory_space<semaphore_mem>>)
      %slice3A_51 = vector.extract_strided_slice %get3A_35 {offsets = [1], sizes = [1], strides = [1]} : vector<16xi32> to vector<1xi32>
      %squeeze3A_52 = vector.extract %slice3A_51[0] : i32 from vector<1xi32>
      %mul3A_53 = arith.constant 16 : i32
      %mul3A_54 = arith.muli %scan3A_29, %mul3A_53 : i32
      %add3A_55 = arith.constant 1 : i32
      %add3A_56 = arith.addi %mul3A_54, %add3A_55 : i32
      %dma_start3A_57 = arith.constant 0 : i32
      %dma_start3A_58 = tpu.memref_slice %arg9[%add3A_56, %dma_start3A_57] : memref<320x128xf32, #tpu.memory_space<vmem>> -> memref<1x64xf32, #tpu.memory_space<vmem>>
      %dma_start3A_59 = tpu.memref_squeeze %dma_start3A_58 : memref<1x64xf32, #tpu.memory_space<vmem>> -> memref<64xf32, #tpu.memory_space<vmem>>
      %dma_start3A_60 = arith.constant 0 : i32
      %dma_start3A_61 = tpu.memref_slice %arg4[%squeeze3A_52, %dma_start3A_60] : memref<1000000x64xf32, #tpu.memory_space<hbm>> -> memref<1x64xf32, #tpu.memory_space<hbm>>
      %dma_start3A_62 = tpu.memref_squeeze %dma_start3A_61 : memref<1x64xf32, #tpu.memory_space<hbm>> -> memref<64xf32, #tpu.memory_space<hbm>>
      %dma_start3A_63 = arith.constant 0 : i32
      %dma_start3A_64 = tpu.memref_slice %arg9[%add3A_56, %dma_start3A_63] : memref<320x128xf32, #tpu.memory_space<vmem>> -> memref<1x64xf32, #tpu.memory_space<vmem>>
      %dma_start3A_65 = tpu.memref_squeeze %dma_start3A_64 : memref<1x64xf32, #tpu.memory_space<vmem>> -> memref<64xf32, #tpu.memory_space<vmem>>
      %dma_start3A_66 = arith.constant 0 : i32
      %dma_start3A_67 = tpu.memref_slice %arg4[%squeeze3A_52, %dma_start3A_66] : memref<1000000x64xf32, #tpu.memory_space<hbm>> -> memref<1x64xf32, #tpu.memory_space<hbm>>
      %dma_start3A_68 = tpu.memref_squeeze %dma_start3A_67 : memref<1x64xf32, #tpu.memory_space<hbm>> -> memref<64xf32, #tpu.memory_space<hbm>>
      tpu.enqueue_dma source(%dma_start3A_68 : memref<64xf32, #tpu.memory_space<hbm>>) target(%dma_start3A_65 : memref<64xf32, #tpu.memory_space<vmem>>) target_semaphore(%arg12 : memref<!tpu.dma_semaphore, #tpu.memory_space<semaphore_mem>>)
      %slice3A_69 = vector.extract_strided_slice %get3A_35 {offsets = [2], sizes = [1], strides = [1]} : vector<16xi32> to vector<1xi32>
      %squeeze3A_70 = vector.extract %slice3A_69[0] : i32 from vector<1xi32>
      %mul3A_71 = arith.constant 16 : i32
      %mul3A_72 = arith.muli %scan3A_29, %mul3A_71 : i32
      %add3A_73 = arith.constant 2 : i32
      %add3A_74 = arith.addi %mul3A_72, %add3A_73 : i32
      %dma_start3A_75 = arith.constant 0 : i32
      %dma_start3A_76 = tpu.memref_slice %arg9[%add3A_74, %dma_start3A_75] : memref<320x128xf32, #tpu.memory_space<vmem>> -> memref<1x64xf32, #tpu.memory_space<vmem>>
      %dma_start3A_77 = tpu.memref_squeeze %dma_start3A_76 : memref<1x64xf32, #tpu.memory_space<vmem>> -> memref<64xf32, #tpu.memory_space<vmem>>
      %dma_start3A_78 = arith.constant 0 : i32
      %dma_start3A_79 = tpu.memref_slice %arg4[%squeeze3A_70, %dma_start3A_78] : memref<1000000x64xf32, #tpu.memory_space<hbm>> -> memref<1x64xf32, #tpu.memory_space<hbm>>
      %dma_start3A_80 = tpu.memref_squeeze %dma_start3A_79 : memref<1x64xf32, #tpu.memory_space<hbm>> -> memref<64xf32, #tpu.memory_space<hbm>>
      %dma_start3A_81 = arith.constant 0 : i32
      %dma_start3A_82 = tpu.memref_slice %arg9[%add3A_74, %dma_start3A_81] : memref<320x128xf32, #tpu.memory_space<vmem>> -> memref<1x64xf32, #tpu.memory_space<vmem>>
      %dma_start3A_83 = tpu.memref_squeeze %dma_start3A_82 : memref<1x64xf32, #tpu.memory_space<vmem>> -> memref<64xf32, #tpu.memory_space<vmem>>
      %dma_start3A_84 = arith.constant 0 : i32
      %dma_start3A_85 = tpu.memref_slice %arg4[%squeeze3A_70, %dma_start3A_84] : memref<1000000x64xf32, #tpu.memory_space<hbm>> -> memref<1x64xf32, #tpu.memory_space<hbm>>
      %dma_start3A_86 = tpu.memref_squeeze %dma_start3A_85 : memref<1x64xf32, #tpu.memory_space<hbm>> -> memref<64xf32, #tpu.memory_space<hbm>>
      tpu.enqueue_dma source(%dma_start3A_86 : memref<64xf32, #tpu.memory_space<hbm>>) target(%dma_start3A_83 : memref<64xf32, #tpu.memory_space<vmem>>) target_semaphore(%arg12 : memref<!tpu.dma_semaphore, #tpu.memory_space<semaphore_mem>>)
      %slice3A_87 = vector.extract_strided_slice %get3A_35 {offsets = [3], sizes = [1], strides = [1]} : vector<16xi32> to vector<1xi32>
      %squeeze3A_88 = vector.extract %slice3A_87[0] : i32 from vector<1xi32>
      %mul3A_89 = arith.constant 16 : i32
      %mul3A_90 = arith.muli %scan3A_29, %mul3A_89 : i32
      %add3A_91 = arith.constant 3 : i32
      %add3A_92 = arith.addi %mul3A_90, %add3A_91 : i32
      %dma_start3A_93 = arith.constant 0 : i32
      %dma_start3A_94 = tpu.memref_slice %arg9[%add3A_92, %dma_start3A_93] : memref<320x128xf32, #tpu.memory_space<vmem>> -> memref<1x64xf32, #tpu.memory_space<vmem>>
      %dma_start3A_95 = tpu.memref_squeeze %dma_start3A_94 : memref<1x64xf32, #tpu.memory_space<vmem>> -> memref<64xf32, #tpu.memory_space<vmem>>
      %dma_start3A_96 = arith.constant 0 : i32
      %dma_start3A_97 = tpu.memref_slice %arg4[%squeeze3A_88, %dma_start3A_96] : memref<1000000x64xf32, #tpu.memory_space<hbm>> -> memref<1x64xf32, #tpu.memory_space<hbm>>
      %dma_start3A_98 = tpu.memref_squeeze %dma_start3A_97 : memref<1x64xf32, #tpu.memory_space<hbm>> -> memref<64xf32, #tpu.memory_space<hbm>>
      %dma_start3A_99 = arith.constant 0 : i32
      %dma_start3A_100 = tpu.memref_slice %arg9[%add3A_92, %dma_start3A_99] : memref<320x128xf32, #tpu.memory_space<vmem>> -> memref<1x64xf32, #tpu.memory_space<vmem>>
      %dma_start3A_101 = tpu.memref_squeeze %dma_start3A_100 : memref<1x64xf32, #tpu.memory_space<vmem>> -> memref<64xf32, #tpu.memory_space<vmem>>
      %dma_start3A_102 = arith.constant 0 : i32
      %dma_start3A_103 = tpu.memref_slice %arg4[%squeeze3A_88, %dma_start3A_102] : memref<1000000x64xf32, #tpu.memory_space<hbm>> -> memref<1x64xf32, #tpu.memory_space<hbm>>
      %dma_start3A_104 = tpu.memref_squeeze %dma_start3A_103 : memref<1x64xf32, #tpu.memory_space<hbm>> -> memref<64xf32, #tpu.memory_space<hbm>>
      tpu.enqueue_dma source(%dma_start3A_104 : memref<64xf32, #tpu.memory_space<hbm>>) target(%dma_start3A_101 : memref<64xf32, #tpu.memory_space<vmem>>) target_semaphore(%arg12 : memref<!tpu.dma_semaphore, #tpu.memory_space<semaphore_mem>>)
      %slice3A_105 = vector.extract_strided_slice %get3A_35 {offsets = [4], sizes = [1], strides = [1]} : vector<16xi32> to vector<1xi32>
      %squeeze3A_106 = vector.extract %slice3A_105[0] : i32 from vector<1xi32>
      %mul3A_107 = arith.constant 16 : i32
      %mul3A_108 = arith.muli %scan3A_29, %mul3A_107 : i32
      %add3A_109 = arith.constant 4 : i32
      %add3A_110 = arith.addi %mul3A_108, %add3A_109 : i32
      %dma_start3A_111 = arith.constant 0 : i32
      %dma_start3A_112 = tpu.memref_slice %arg9[%add3A_110, %dma_start3A_111] : memref<320x128xf32, #tpu.memory_space<vmem>> -> memref<1x64xf32, #tpu.memory_space<vmem>>
      %dma_start3A_113 = tpu.memref_squeeze %dma_start3A_112 : memref<1x64xf32, #tpu.memory_space<vmem>> -> memref<64xf32, #tpu.memory_space<vmem>>
      %dma_start3A_114 = arith.constant 0 : i32
      %dma_start3A_115 = tpu.memref_slice %arg4[%squeeze3A_106, %dma_start3A_114] : memref<1000000x64xf32, #tpu.memory_space<hbm>> -> memref<1x64xf32, #tpu.memory_space<hbm>>
      %dma_start3A_116 = tpu.memref_squeeze %dma_start3A_115 : memref<1x64xf32, #tpu.memory_space<hbm>> -> memref<64xf32, #tpu.memory_space<hbm>>
      %dma_start3A_117 = arith.constant 0 : i32
      %dma_start3A_118 = tpu.memref_slice %arg9[%add3A_110, %dma_start3A_117] : memref<320x128xf32, #tpu.memory_space<vmem>> -> memref<1x64xf32, #tpu.memory_space<vmem>>
      %dma_start3A_119 = tpu.memref_squeeze %dma_start3A_118 : memref<1x64xf32, #tpu.memory_space<vmem>> -> memref<64xf32, #tpu.memory_space<vmem>>
      %dma_start3A_120 = arith.constant 0 : i32
      %dma_start3A_121 = tpu.memref_slice %arg4[%squeeze3A_106, %dma_start3A_120] : memref<1000000x64xf32, #tpu.memory_space<hbm>> -> memref<1x64xf32, #tpu.memory_space<hbm>>
      %dma_start3A_122 = tpu.memref_squeeze %dma_start3A_121 : memref<1x64xf32, #tpu.memory_space<hbm>> -> memref<64xf32, #tpu.memory_space<hbm>>
      tpu.enqueue_dma source(%dma_start3A_122 : memref<64xf32, #tpu.memory_space<hbm>>) target(%dma_start3A_119 : memref<64xf32, #tpu.memory_space<vmem>>) target_semaphore(%arg12 : memref<!tpu.dma_semaphore, #tpu.memory_space<semaphore_mem>>)
      %slice3A_123 = vector.extract_strided_slice %get3A_35 {offsets = [5], sizes = [1], strides = [1]} : vector<16xi32> to vector<1xi32>
      %squeeze3A_124 = vector.extract %slice3A_123[0] : i32 from vector<1xi32>
      %mul3A_125 = arith.constant 16 : i32
      %mul3A_126 = arith.muli %scan3A_29, %mul3A_125 : i32
      %add3A_127 = arith.constant 5 : i32
      %add3A_128 = arith.addi %mul3A_126, %add3A_127 : i32
      %dma_start3A_129 = arith.constant 0 : i32
      %dma_start3A_130 = tpu.memref_slice %arg9[%add3A_128, %dma_start3A_129] : memref<320x128xf32, #tpu.memory_space<vmem>> -> memref<1x64xf32, #tpu.memory_space<vmem>>
      %dma_start3A_131 = tpu.memref_squeeze %dma_start3A_130 : memref<1x64xf32, #tpu.memory_space<vmem>> -> memref<64xf32, #tpu.memory_space<vmem>>
      %dma_start3A_132 = arith.constant 0 : i32
      %dma_start3A_133 = tpu.memref_slice %arg4[%squeeze3A_124, %dma_start3A_132] : memref<1000000x64xf32, #tpu.memory_space<hbm>> -> memref<1x64xf32, #tpu.memory_space<hbm>>
      %dma_start3A_134 = tpu.memref_squeeze %dma_start3A_133 : memref<1x64xf32, #tpu.memory_space<hbm>> -> memref<64xf32, #tpu.memory_space<hbm>>
      %dma_start3A_135 = arith.constant 0 : i32
      %dma_start3A_136 = tpu.memref_slice %arg9[%add3A_128, %dma_start3A_135] : memref<320x128xf32, #tpu.memory_space<vmem>> -> memref<1x64xf32, #tpu.memory_space<vmem>>
      %dma_start3A_137 = tpu.memref_squeeze %dma_start3A_136 : memref<1x64xf32, #tpu.memory_space<vmem>> -> memref<64xf32, #tpu.memory_space<vmem>>
      %dma_start3A_138 = arith.constant 0 : i32
      %dma_start3A_139 = tpu.memref_slice %arg4[%squeeze3A_124, %dma_start3A_138] : memref<1000000x64xf32, #tpu.memory_space<hbm>> -> memref<1x64xf32, #tpu.memory_space<hbm>>
      %dma_start3A_140 = tpu.memref_squeeze %dma_start3A_139 : memref<1x64xf32, #tpu.memory_space<hbm>> -> memref<64xf32, #tpu.memory_space<hbm>>
      tpu.enqueue_dma source(%dma_start3A_140 : memref<64xf32, #tpu.memory_space<hbm>>) target(%dma_start3A_137 : memref<64xf32, #tpu.memory_space<vmem>>) target_semaphore(%arg12 : memref<!tpu.dma_semaphore, #tpu.memory_space<semaphore_mem>>)
      %slice3A_141 = vector.extract_strided_slice %get3A_35 {offsets = [6], sizes = [1], strides = [1]} : vector<16xi32> to vector<1xi32>
      %squeeze3A_142 = vector.extract %slice3A_141[0] : i32 from vector<1xi32>
      %mul3A_143 = arith.constant 16 : i32
      %mul3A_144 = arith.muli %scan3A_29, %mul3A_143 : i32
      %add3A_145 = arith.constant 6 : i32
      %add3A_146 = arith.addi %mul3A_144, %add3A_145 : i32
      %dma_start3A_147 = arith.constant 0 : i32
      %dma_start3A_148 = tpu.memref_slice %arg9[%add3A_146, %dma_start3A_147] : memref<320x128xf32, #tpu.memory_space<vmem>> -> memref<1x64xf32, #tpu.memory_space<vmem>>
      %dma_start3A_149 = tpu.memref_squeeze %dma_start3A_148 : memref<1x64xf32, #tpu.memory_space<vmem>> -> memref<64xf32, #tpu.memory_space<vmem>>
      %dma_start3A_150 = arith.constant 0 : i32
      %dma_start3A_151 = tpu.memref_slice %arg4[%squeeze3A_142, %dma_start3A_150] : memref<1000000x64xf32, #tpu.memory_space<hbm>> -> memref<1x64xf32, #tpu.memory_space<hbm>>
      %dma_start3A_152 = tpu.memref_squeeze %dma_start3A_151 : memref<1x64xf32, #tpu.memory_space<hbm>> -> memref<64xf32, #tpu.memory_space<hbm>>
      %dma_start3A_153 = arith.constant 0 : i32
      %dma_start3A_154 = tpu.memref_slice %arg9[%add3A_146, %dma_start3A_153] : memref<320x128xf32, #tpu.memory_space<vmem>> -> memref<1x64xf32, #tpu.memory_space<vmem>>
      %dma_start3A_155 = tpu.memref_squeeze %dma_start3A_154 : memref<1x64xf32, #tpu.memory_space<vmem>> -> memref<64xf32, #tpu.memory_space<vmem>>
      %dma_start3A_156 = arith.constant 0 : i32
      %dma_start3A_157 = tpu.memref_slice %arg4[%squeeze3A_142, %dma_start3A_156] : memref<1000000x64xf32, #tpu.memory_space<hbm>> -> memref<1x64xf32, #tpu.memory_space<hbm>>
      %dma_start3A_158 = tpu.memref_squeeze %dma_start3A_157 : memref<1x64xf32, #tpu.memory_space<hbm>> -> memref<64xf32, #tpu.memory_space<hbm>>
      tpu.enqueue_dma source(%dma_start3A_158 : memref<64xf32, #tpu.memory_space<hbm>>) target(%dma_start3A_155 : memref<64xf32, #tpu.memory_space<vmem>>) target_semaphore(%arg12 : memref<!tpu.dma_semaphore, #tpu.memory_space<semaphore_mem>>)
      %slice3A_159 = vector.extract_strided_slice %get3A_35 {offsets = [7], sizes = [1], strides = [1]} : vector<16xi32> to vector<1xi32>
      %squeeze3A_160 = vector.extract %slice3A_159[0] : i32 from vector<1xi32>
      %mul3A_161 = arith.constant 16 : i32
      %mul3A_162 = arith.muli %scan3A_29, %mul3A_161 : i32
      %add3A_163 = arith.constant 7 : i32
      %add3A_164 = arith.addi %mul3A_162, %add3A_163 : i32
      %dma_start3A_165 = arith.constant 0 : i32
      %dma_start3A_166 = tpu.memref_slice %arg9[%add3A_164, %dma_start3A_165] : memref<320x128xf32, #tpu.memory_space<vmem>> -> memref<1x64xf32, #tpu.memory_space<vmem>>
      %dma_start3A_167 = tpu.memref_squeeze %dma_start3A_166 : memref<1x64xf32, #tpu.memory_space<vmem>> -> memref<64xf32, #tpu.memory_space<vmem>>
      %dma_start3A_168 = arith.constant 0 : i32
      %dma_start3A_169 = tpu.memref_slice %arg4[%squeeze3A_160, %dma_start3A_168] : memref<1000000x64xf32, #tpu.memory_space<hbm>> -> memref<1x64xf32, #tpu.memory_space<hbm>>
      %dma_start3A_170 = tpu.memref_squeeze %dma_start3A_169 : memref<1x64xf32, #tpu.memory_space<hbm>> -> memref<64xf32, #tpu.memory_space<hbm>>
      %dma_start3A_171 = arith.constant 0 : i32
      %dma_start3A_172 = tpu.memref_slice %arg9[%add3A_164, %dma_start3A_171] : memref<320x128xf32, #tpu.memory_space<vmem>> -> memref<1x64xf32, #tpu.memory_space<vmem>>
      %dma_start3A_173 = tpu.memref_squeeze %dma_start3A_172 : memref<1x64xf32, #tpu.memory_space<vmem>> -> memref<64xf32, #tpu.memory_space<vmem>>
      %dma_start3A_174 = arith.constant 0 : i32
      %dma_start3A_175 = tpu.memref_slice %arg4[%squeeze3A_160, %dma_start3A_174] : memref<1000000x64xf32, #tpu.memory_space<hbm>> -> memref<1x64xf32, #tpu.memory_space<hbm>>
      %dma_start3A_176 = tpu.memref_squeeze %dma_start3A_175 : memref<1x64xf32, #tpu.memory_space<hbm>> -> memref<64xf32, #tpu.memory_space<hbm>>
      tpu.enqueue_dma source(%dma_start3A_176 : memref<64xf32, #tpu.memory_space<hbm>>) target(%dma_start3A_173 : memref<64xf32, #tpu.memory_space<vmem>>) target_semaphore(%arg12 : memref<!tpu.dma_semaphore, #tpu.memory_space<semaphore_mem>>)
      %slice3A_177 = vector.extract_strided_slice %get3A_35 {offsets = [8], sizes = [1], strides = [1]} : vector<16xi32> to vector<1xi32>
      %squeeze3A_178 = vector.extract %slice3A_177[0] : i32 from vector<1xi32>
      %mul3A_179 = arith.constant 16 : i32
      %mul3A_180 = arith.muli %scan3A_29, %mul3A_179 : i32
      %add3A_181 = arith.constant 8 : i32
      %add3A_182 = arith.addi %mul3A_180, %add3A_181 : i32
      %dma_start3A_183 = arith.constant 0 : i32
      %dma_start3A_184 = tpu.memref_slice %arg9[%add3A_182, %dma_start3A_183] : memref<320x128xf32, #tpu.memory_space<vmem>> -> memref<1x64xf32, #tpu.memory_space<vmem>>
      %dma_start3A_185 = tpu.memref_squeeze %dma_start3A_184 : memref<1x64xf32, #tpu.memory_space<vmem>> -> memref<64xf32, #tpu.memory_space<vmem>>
      %dma_start3A_186 = arith.constant 0 : i32
      %dma_start3A_187 = tpu.memref_slice %arg4[%squeeze3A_178, %dma_start3A_186] : memref<1000000x64xf32, #tpu.memory_space<hbm>> -> memref<1x64xf32, #tpu.memory_space<hbm>>
      %dma_start3A_188 = tpu.memref_squeeze %dma_start3A_187 : memref<1x64xf32, #tpu.memory_space<hbm>> -> memref<64xf32, #tpu.memory_space<hbm>>
      %dma_start3A_189 = arith.constant 0 : i32
      %dma_start3A_190 = tpu.memref_slice %arg9[%add3A_182, %dma_start3A_189] : memref<320x128xf32, #tpu.memory_space<vmem>> -> memref<1x64xf32, #tpu.memory_space<vmem>>
      %dma_start3A_191 = tpu.memref_squeeze %dma_start3A_190 : memref<1x64xf32, #tpu.memory_space<vmem>> -> memref<64xf32, #tpu.memory_space<vmem>>
      %dma_start3A_192 = arith.constant 0 : i32
      %dma_start3A_193 = tpu.memref_slice %arg4[%squeeze3A_178, %dma_start3A_192] : memref<1000000x64xf32, #tpu.memory_space<hbm>> -> memref<1x64xf32, #tpu.memory_space<hbm>>
      %dma_start3A_194 = tpu.memref_squeeze %dma_start3A_193 : memref<1x64xf32, #tpu.memory_space<hbm>> -> memref<64xf32, #tpu.memory_space<hbm>>
      tpu.enqueue_dma source(%dma_start3A_194 : memref<64xf32, #tpu.memory_space<hbm>>) target(%dma_start3A_191 : memref<64xf32, #tpu.memory_space<vmem>>) target_semaphore(%arg12 : memref<!tpu.dma_semaphore, #tpu.memory_space<semaphore_mem>>)
      %slice3A_195 = vector.extract_strided_slice %get3A_35 {offsets = [9], sizes = [1], strides = [1]} : vector<16xi32> to vector<1xi32>
      %squeeze3A_196 = vector.extract %slice3A_195[0] : i32 from vector<1xi32>
      %mul3A_197 = arith.constant 16 : i32
      %mul3A_198 = arith.muli %scan3A_29, %mul3A_197 : i32
      %add3A_199 = arith.constant 9 : i32
      %add3A_200 = arith.addi %mul3A_198, %add3A_199 : i32
      %dma_start3A_201 = arith.constant 0 : i32
      %dma_start3A_202 = tpu.memref_slice %arg9[%add3A_200, %dma_start3A_201] : memref<320x128xf32, #tpu.memory_space<vmem>> -> memref<1x64xf32, #tpu.memory_space<vmem>>
      %dma_start3A_203 = tpu.memref_squeeze %dma_start3A_202 : memref<1x64xf32, #tpu.memory_space<vmem>> -> memref<64xf32, #tpu.memory_space<vmem>>
      %dma_start3A_204 = arith.constant 0 : i32
      %dma_start3A_205 = tpu.memref_slice %arg4[%squeeze3A_196, %dma_start3A_204] : memref<1000000x64xf32, #tpu.memory_space<hbm>> -> memref<1x64xf32, #tpu.memory_space<hbm>>
      %dma_start3A_206 = tpu.memref_squeeze %dma_start3A_205 : memref<1x64xf32, #tpu.memory_space<hbm>> -> memref<64xf32, #tpu.memory_space<hbm>>
      %dma_start3A_207 = arith.constant 0 : i32
      %dma_start3A_208 = tpu.memref_slice %arg9[%add3A_200, %dma_start3A_207] : memref<320x128xf32, #tpu.memory_space<vmem>> -> memref<1x64xf32, #tpu.memory_space<vmem>>
      %dma_start3A_209 = tpu.memref_squeeze %dma_start3A_208 : memref<1x64xf32, #tpu.memory_space<vmem>> -> memref<64xf32, #tpu.memory_space<vmem>>
      %dma_start3A_210 = arith.constant 0 : i32
      %dma_start3A_211 = tpu.memref_slice %arg4[%squeeze3A_196, %dma_start3A_210] : memref<1000000x64xf32, #tpu.memory_space<hbm>> -> memref<1x64xf32, #tpu.memory_space<hbm>>
      %dma_start3A_212 = tpu.memref_squeeze %dma_start3A_211 : memref<1x64xf32, #tpu.memory_space<hbm>> -> memref<64xf32, #tpu.memory_space<hbm>>
      tpu.enqueue_dma source(%dma_start3A_212 : memref<64xf32, #tpu.memory_space<hbm>>) target(%dma_start3A_209 : memref<64xf32, #tpu.memory_space<vmem>>) target_semaphore(%arg12 : memref<!tpu.dma_semaphore, #tpu.memory_space<semaphore_mem>>)
      %slice3A_213 = vector.extract_strided_slice %get3A_35 {offsets = [10], sizes = [1], strides = [1]} : vector<16xi32> to vector<1xi32>
      %squeeze3A_214 = vector.extract %slice3A_213[0] : i32 from vector<1xi32>
      %mul3A_215 = arith.constant 16 : i32
      %mul3A_216 = arith.muli %scan3A_29, %mul3A_215 : i32
      %add3A_217 = arith.constant 10 : i32
      %add3A_218 = arith.addi %mul3A_216, %add3A_217 : i32
      %dma_start3A_219 = arith.constant 0 : i32
      %dma_start3A_220 = tpu.memref_slice %arg9[%add3A_218, %dma_start3A_219] : memref<320x128xf32, #tpu.memory_space<vmem>> -> memref<1x64xf32, #tpu.memory_space<vmem>>
      %dma_start3A_221 = tpu.memref_squeeze %dma_start3A_220 : memref<1x64xf32, #tpu.memory_space<vmem>> -> memref<64xf32, #tpu.memory_space<vmem>>
      %dma_start3A_222 = arith.constant 0 : i32
      %dma_start3A_223 = tpu.memref_slice %arg4[%squeeze3A_214, %dma_start3A_222] : memref<1000000x64xf32, #tpu.memory_space<hbm>> -> memref<1x64xf32, #tpu.memory_space<hbm>>
      %dma_start3A_224 = tpu.memref_squeeze %dma_start3A_223 : memref<1x64xf32, #tpu.memory_space<hbm>> -> memref<64xf32, #tpu.memory_space<hbm>>
      %dma_start3A_225 = arith.constant 0 : i32
      %dma_start3A_226 = tpu.memref_slice %arg9[%add3A_218, %dma_start3A_225] : memref<320x128xf32, #tpu.memory_space<vmem>> -> memref<1x64xf32, #tpu.memory_space<vmem>>
      %dma_start3A_227 = tpu.memref_squeeze %dma_start3A_226 : memref<1x64xf32, #tpu.memory_space<vmem>> -> memref<64xf32, #tpu.memory_space<vmem>>
      %dma_start3A_228 = arith.constant 0 : i32
      %dma_start3A_229 = tpu.memref_slice %arg4[%squeeze3A_214, %dma_start3A_228] : memref<1000000x64xf32, #tpu.memory_space<hbm>> -> memref<1x64xf32, #tpu.memory_space<hbm>>
      %dma_start3A_230 = tpu.memref_squeeze %dma_start3A_229 : memref<1x64xf32, #tpu.memory_space<hbm>> -> memref<64xf32, #tpu.memory_space<hbm>>
      tpu.enqueue_dma source(%dma_start3A_230 : memref<64xf32, #tpu.memory_space<hbm>>) target(%dma_start3A_227 : memref<64xf32, #tpu.memory_space<vmem>>) target_semaphore(%arg12 : memref<!tpu.dma_semaphore, #tpu.memory_space<semaphore_mem>>)
      %slice3A_231 = vector.extract_strided_slice %get3A_35 {offsets = [11], sizes = [1], strides = [1]} : vector<16xi32> to vector<1xi32>
      %squeeze3A_232 = vector.extract %slice3A_231[0] : i32 from vector<1xi32>
      %mul3A_233 = arith.constant 16 : i32
      %mul3A_234 = arith.muli %scan3A_29, %mul3A_233 : i32
      %add3A_235 = arith.constant 11 : i32
      %add3A_236 = arith.addi %mul3A_234, %add3A_235 : i32
      %dma_start3A_237 = arith.constant 0 : i32
      %dma_start3A_238 = tpu.memref_slice %arg9[%add3A_236, %dma_start3A_237] : memref<320x128xf32, #tpu.memory_space<vmem>> -> memref<1x64xf32, #tpu.memory_space<vmem>>
      %dma_start3A_239 = tpu.memref_squeeze %dma_start3A_238 : memref<1x64xf32, #tpu.memory_space<vmem>> -> memref<64xf32, #tpu.memory_space<vmem>>
      %dma_start3A_240 = arith.constant 0 : i32
      %dma_start3A_241 = tpu.memref_slice %arg4[%squeeze3A_232, %dma_start3A_240] : memref<1000000x64xf32, #tpu.memory_space<hbm>> -> memref<1x64xf32, #tpu.memory_space<hbm>>
      %dma_start3A_242 = tpu.memref_squeeze %dma_start3A_241 : memref<1x64xf32, #tpu.memory_space<hbm>> -> memref<64xf32, #tpu.memory_space<hbm>>
      %dma_start3A_243 = arith.constant 0 : i32
      %dma_start3A_244 = tpu.memref_slice %arg9[%add3A_236, %dma_start3A_243] : memref<320x128xf32, #tpu.memory_space<vmem>> -> memref<1x64xf32, #tpu.memory_space<vmem>>
      %dma_start3A_245 = tpu.memref_squeeze %dma_start3A_244 : memref<1x64xf32, #tpu.memory_space<vmem>> -> memref<64xf32, #tpu.memory_space<vmem>>
      %dma_start3A_246 = arith.constant 0 : i32
      %dma_start3A_247 = tpu.memref_slice %arg4[%squeeze3A_232, %dma_start3A_246] : memref<1000000x64xf32, #tpu.memory_space<hbm>> -> memref<1x64xf32, #tpu.memory_space<hbm>>
      %dma_start3A_248 = tpu.memref_squeeze %dma_start3A_247 : memref<1x64xf32, #tpu.memory_space<hbm>> -> memref<64xf32, #tpu.memory_space<hbm>>
      tpu.enqueue_dma source(%dma_start3A_248 : memref<64xf32, #tpu.memory_space<hbm>>) target(%dma_start3A_245 : memref<64xf32, #tpu.memory_space<vmem>>) target_semaphore(%arg12 : memref<!tpu.dma_semaphore, #tpu.memory_space<semaphore_mem>>)
      %slice3A_249 = vector.extract_strided_slice %get3A_35 {offsets = [12], sizes = [1], strides = [1]} : vector<16xi32> to vector<1xi32>
      %squeeze3A_250 = vector.extract %slice3A_249[0] : i32 from vector<1xi32>
      %mul3A_251 = arith.constant 16 : i32
      %mul3A_252 = arith.muli %scan3A_29, %mul3A_251 : i32
      %add3A_253 = arith.constant 12 : i32
      %add3A_254 = arith.addi %mul3A_252, %add3A_253 : i32
      %dma_start3A_255 = arith.constant 0 : i32
      %dma_start3A_256 = tpu.memref_slice %arg9[%add3A_254, %dma_start3A_255] : memref<320x128xf32, #tpu.memory_space<vmem>> -> memref<1x64xf32, #tpu.memory_space<vmem>>
      %dma_start3A_257 = tpu.memref_squeeze %dma_start3A_256 : memref<1x64xf32, #tpu.memory_space<vmem>> -> memref<64xf32, #tpu.memory_space<vmem>>
      %dma_start3A_258 = arith.constant 0 : i32
      %dma_start3A_259 = tpu.memref_slice %arg4[%squeeze3A_250, %dma_start3A_258] : memref<1000000x64xf32, #tpu.memory_space<hbm>> -> memref<1x64xf32, #tpu.memory_space<hbm>>
      %dma_start3A_260 = tpu.memref_squeeze %dma_start3A_259 : memref<1x64xf32, #tpu.memory_space<hbm>> -> memref<64xf32, #tpu.memory_space<hbm>>
      %dma_start3A_261 = arith.constant 0 : i32
      %dma_start3A_262 = tpu.memref_slice %arg9[%add3A_254, %dma_start3A_261] : memref<320x128xf32, #tpu.memory_space<vmem>> -> memref<1x64xf32, #tpu.memory_space<vmem>>
      %dma_start3A_263 = tpu.memref_squeeze %dma_start3A_262 : memref<1x64xf32, #tpu.memory_space<vmem>> -> memref<64xf32, #tpu.memory_space<vmem>>
      %dma_start3A_264 = arith.constant 0 : i32
      %dma_start3A_265 = tpu.memref_slice %arg4[%squeeze3A_250, %dma_start3A_264] : memref<1000000x64xf32, #tpu.memory_space<hbm>> -> memref<1x64xf32, #tpu.memory_space<hbm>>
      %dma_start3A_266 = tpu.memref_squeeze %dma_start3A_265 : memref<1x64xf32, #tpu.memory_space<hbm>> -> memref<64xf32, #tpu.memory_space<hbm>>
      tpu.enqueue_dma source(%dma_start3A_266 : memref<64xf32, #tpu.memory_space<hbm>>) target(%dma_start3A_263 : memref<64xf32, #tpu.memory_space<vmem>>) target_semaphore(%arg12 : memref<!tpu.dma_semaphore, #tpu.memory_space<semaphore_mem>>)
      %slice3A_267 = vector.extract_strided_slice %get3A_35 {offsets = [13], sizes = [1], strides = [1]} : vector<16xi32> to vector<1xi32>
      %squeeze3A_268 = vector.extract %slice3A_267[0] : i32 from vector<1xi32>
      %mul3A_269 = arith.constant 16 : i32
      %mul3A_270 = arith.muli %scan3A_29, %mul3A_269 : i32
      %add3A_271 = arith.constant 13 : i32
      %add3A_272 = arith.addi %mul3A_270, %add3A_271 : i32
      %dma_start3A_273 = arith.constant 0 : i32
      %dma_start3A_274 = tpu.memref_slice %arg9[%add3A_272, %dma_start3A_273] : memref<320x128xf32, #tpu.memory_space<vmem>> -> memref<1x64xf32, #tpu.memory_space<vmem>>
      %dma_start3A_275 = tpu.memref_squeeze %dma_start3A_274 : memref<1x64xf32, #tpu.memory_space<vmem>> -> memref<64xf32, #tpu.memory_space<vmem>>
      %dma_start3A_276 = arith.constant 0 : i32
      %dma_start3A_277 = tpu.memref_slice %arg4[%squeeze3A_268, %dma_start3A_276] : memref<1000000x64xf32, #tpu.memory_space<hbm>> -> memref<1x64xf32, #tpu.memory_space<hbm>>
      %dma_start3A_278 = tpu.memref_squeeze %dma_start3A_277 : memref<1x64xf32, #tpu.memory_space<hbm>> -> memref<64xf32, #tpu.memory_space<hbm>>
      %dma_start3A_279 = arith.constant 0 : i32
      %dma_start3A_280 = tpu.memref_slice %arg9[%add3A_272, %dma_start3A_279] : memref<320x128xf32, #tpu.memory_space<vmem>> -> memref<1x64xf32, #tpu.memory_space<vmem>>
      %dma_start3A_281 = tpu.memref_squeeze %dma_start3A_280 : memref<1x64xf32, #tpu.memory_space<vmem>> -> memref<64xf32, #tpu.memory_space<vmem>>
      %dma_start3A_282 = arith.constant 0 : i32
      %dma_start3A_283 = tpu.memref_slice %arg4[%squeeze3A_268, %dma_start3A_282] : memref<1000000x64xf32, #tpu.memory_space<hbm>> -> memref<1x64xf32, #tpu.memory_space<hbm>>
      %dma_start3A_284 = tpu.memref_squeeze %dma_start3A_283 : memref<1x64xf32, #tpu.memory_space<hbm>> -> memref<64xf32, #tpu.memory_space<hbm>>
      tpu.enqueue_dma source(%dma_start3A_284 : memref<64xf32, #tpu.memory_space<hbm>>) target(%dma_start3A_281 : memref<64xf32, #tpu.memory_space<vmem>>) target_semaphore(%arg12 : memref<!tpu.dma_semaphore, #tpu.memory_space<semaphore_mem>>)
      %slice3A_285 = vector.extract_strided_slice %get3A_35 {offsets = [14], sizes = [1], strides = [1]} : vector<16xi32> to vector<1xi32>
      %squeeze3A_286 = vector.extract %slice3A_285[0] : i32 from vector<1xi32>
      %mul3A_287 = arith.constant 16 : i32
      %mul3A_288 = arith.muli %scan3A_29, %mul3A_287 : i32
      %add3A_289 = arith.constant 14 : i32
      %add3A_290 = arith.addi %mul3A_288, %add3A_289 : i32
      %dma_start3A_291 = arith.constant 0 : i32
      %dma_start3A_292 = tpu.memref_slice %arg9[%add3A_290, %dma_start3A_291] : memref<320x128xf32, #tpu.memory_space<vmem>> -> memref<1x64xf32, #tpu.memory_space<vmem>>
      %dma_start3A_293 = tpu.memref_squeeze %dma_start3A_292 : memref<1x64xf32, #tpu.memory_space<vmem>> -> memref<64xf32, #tpu.memory_space<vmem>>
      %dma_start3A_294 = arith.constant 0 : i32
      %dma_start3A_295 = tpu.memref_slice %arg4[%squeeze3A_286, %dma_start3A_294] : memref<1000000x64xf32, #tpu.memory_space<hbm>> -> memref<1x64xf32, #tpu.memory_space<hbm>>
      %dma_start3A_296 = tpu.memref_squeeze %dma_start3A_295 : memref<1x64xf32, #tpu.memory_space<hbm>> -> memref<64xf32, #tpu.memory_space<hbm>>
      %dma_start3A_297 = arith.constant 0 : i32
      %dma_start3A_298 = tpu.memref_slice %arg9[%add3A_290, %dma_start3A_297] : memref<320x128xf32, #tpu.memory_space<vmem>> -> memref<1x64xf32, #tpu.memory_space<vmem>>
      %dma_start3A_299 = tpu.memref_squeeze %dma_start3A_298 : memref<1x64xf32, #tpu.memory_space<vmem>> -> memref<64xf32, #tpu.memory_space<vmem>>
      %dma_start3A_300 = arith.constant 0 : i32
      %dma_start3A_301 = tpu.memref_slice %arg4[%squeeze3A_286, %dma_start3A_300] : memref<1000000x64xf32, #tpu.memory_space<hbm>> -> memref<1x64xf32, #tpu.memory_space<hbm>>
      %dma_start3A_302 = tpu.memref_squeeze %dma_start3A_301 : memref<1x64xf32, #tpu.memory_space<hbm>> -> memref<64xf32, #tpu.memory_space<hbm>>
      tpu.enqueue_dma source(%dma_start3A_302 : memref<64xf32, #tpu.memory_space<hbm>>) target(%dma_start3A_299 : memref<64xf32, #tpu.memory_space<vmem>>) target_semaphore(%arg12 : memref<!tpu.dma_semaphore, #tpu.memory_space<semaphore_mem>>)
      %slice3A_303 = vector.extract_strided_slice %get3A_35 {offsets = [15], sizes = [1], strides = [1]} : vector<16xi32> to vector<1xi32>
      %squeeze3A_304 = vector.extract %slice3A_303[0] : i32 from vector<1xi32>
      %mul3A_305 = arith.constant 16 : i32
      %mul3A_306 = arith.muli %scan3A_29, %mul3A_305 : i32
      %add3A_307 = arith.constant 15 : i32
      %add3A_308 = arith.addi %mul3A_306, %add3A_307 : i32
      %dma_start3A_309 = arith.constant 0 : i32
      %dma_start3A_310 = tpu.memref_slice %arg9[%add3A_308, %dma_start3A_309] : memref<320x128xf32, #tpu.memory_space<vmem>> -> memref<1x64xf32, #tpu.memory_space<vmem>>
      %dma_start3A_311 = tpu.memref_squeeze %dma_start3A_310 : memref<1x64xf32, #tpu.memory_space<vmem>> -> memref<64xf32, #tpu.memory_space<vmem>>
      %dma_start3A_312 = arith.constant 0 : i32
      %dma_start3A_313 = tpu.memref_slice %arg4[%squeeze3A_304, %dma_start3A_312] : memref<1000000x64xf32, #tpu.memory_space<hbm>> -> memref<1x64xf32, #tpu.memory_space<hbm>>
      %dma_start3A_314 = tpu.memref_squeeze %dma_start3A_313 : memref<1x64xf32, #tpu.memory_space<hbm>> -> memref<64xf32, #tpu.memory_space<hbm>>
      %dma_start3A_315 = arith.constant 0 : i32
      %dma_start3A_316 = tpu.memref_slice %arg9[%add3A_308, %dma_start3A_315] : memref<320x128xf32, #tpu.memory_space<vmem>> -> memref<1x64xf32, #tpu.memory_space<vmem>>
      %dma_start3A_317 = tpu.memref_squeeze %dma_start3A_316 : memref<1x64xf32, #tpu.memory_space<vmem>> -> memref<64xf32, #tpu.memory_space<vmem>>
      %dma_start3A_318 = arith.constant 0 : i32
      %dma_start3A_319 = tpu.memref_slice %arg4[%squeeze3A_304, %dma_start3A_318] : memref<1000000x64xf32, #tpu.memory_space<hbm>> -> memref<1x64xf32, #tpu.memory_space<hbm>>
      %dma_start3A_320 = tpu.memref_squeeze %dma_start3A_319 : memref<1x64xf32, #tpu.memory_space<hbm>> -> memref<64xf32, #tpu.memory_space<hbm>>
      tpu.enqueue_dma source(%dma_start3A_320 : memref<64xf32, #tpu.memory_space<hbm>>) target(%dma_start3A_317 : memref<64xf32, #tpu.memory_space<vmem>>) target_semaphore(%arg12 : memref<!tpu.dma_semaphore, #tpu.memory_space<semaphore_mem>>)
      %scan3A_321 = arith.constant 0 : i32
      scf.yield %scan3A_321 : i32
    }
    %scan3A_10 = arith.constant 20 : i32
    %scan3A_11 = arith.constant 0 : i32
    %scan3A_12 = arith.constant 0 : i32
    %scan3A_13 = arith.constant 10 : i32
    %scan3A_14 = arith.addi %scan3A_12, %scan3A_13 : i32
    %scan3A_15 = arith.constant 1 : i32
    %scan3A_16 = scf.for %scan3A_29 = %scan3A_12 to %scan3A_14 step %scan3A_15 iter_args(%scan3A_30 = %scan3A_11) -> (i32)  : i32 {
      %mul3A_31 = arith.constant 2 : i32
      %mul3A_32 = arith.muli %scan3A_29, %mul3A_31 : i32
      %add3A_33 = arith.constant 0 : i32
      %add3A_34 = arith.addi %mul3A_32, %add3A_33 : i32
      %dma_wait3A_35 = arith.constant 0 : i32
      %dma_wait3A_36 = arith.constant 0 : i32
      %dma_wait3A_37 = tpu.memref_slice %arg9[%dma_wait3A_35, %dma_wait3A_36] : memref<320x128xf32, #tpu.memory_space<vmem>> -> memref<160x128xf32, #tpu.memory_space<vmem>>
      %dma_wait3A_38 = arith.constant 0 : i32
      %dma_wait3A_39 = arith.constant 0 : i32
      %dma_wait3A_40 = tpu.memref_slice %arg6[%dma_wait3A_38, %dma_wait3A_39] : memref<204800x128xf32, #tpu.memory_space<hbm>> -> memref<160x128xf32, #tpu.memory_space<hbm>>
      %dma_wait3A_41 = arith.constant 0 : i32
      %dma_wait3A_42 = arith.constant 0 : i32
      %dma_wait3A_43 = tpu.memref_slice %arg9[%dma_wait3A_41, %dma_wait3A_42] : memref<320x128xf32, #tpu.memory_space<vmem>> -> memref<160x128xf32, #tpu.memory_space<vmem>>
      %dma_wait3A_44 = arith.constant 0 : i32
      %dma_wait3A_45 = arith.constant 0 : i32
      %dma_wait3A_46 = tpu.memref_slice %arg6[%dma_wait3A_44, %dma_wait3A_45] : memref<204800x128xf32, #tpu.memory_space<hbm>> -> memref<160x128xf32, #tpu.memory_space<hbm>>
      tpu.wait_dma2 semaphore(%arg12 : memref<!tpu.dma_semaphore, #tpu.memory_space<semaphore_mem>>) src(%dma_wait3A_46 : memref<160x128xf32, #tpu.memory_space<hbm>>) dst(%dma_wait3A_43 : memref<160x128xf32, #tpu.memory_space<vmem>>)
      %mul3A_47 = arith.constant 320 : i32
      %mul3A_48 = arith.muli %add3A_34, %mul3A_47 : i32
      %dma_start3A = tpu.memref_slice %arg8[%mul3A_48] : memref<6400xi32, #tpu.memory_space<vmem>> -> memref<320xi32, #tpu.memory_space<vmem>>
      %dma_start3A_49 = arith.constant 0 : i32
      %dma_start3A_50 = arith.constant 0 : i32
      %dma_start3A_51 = tpu.memref_slice %arg11[%dma_start3A_49, %dma_start3A_50] : memref<200x128xf32, #tpu.memory_space<vmem_shared>> -> memref<200x128xf32, #tpu.memory_space<vmem_shared>>
      tpu.enqueue_indirect_dma source(%dma_start3A_51 : memref<200x128xf32, #tpu.memory_space<vmem_shared>>) target(%arg9 : memref<320x128xf32, #tpu.memory_space<vmem>>) offsets(%dma_start3A : memref<320xi32, #tpu.memory_space<vmem>>) semaphore(%arg14 : memref<!tpu.dma_semaphore, #tpu.memory_space<semaphore_mem>>) {add = true}
      %add3A_52 = arith.constant 1 : i32
      %add3A_53 = arith.addi %add3A_34, %add3A_52 : i32
      %lt3A = arith.constant 20 : i32
      %lt3A_54 = arith.cmpi slt, %add3A_53, %lt3A : i32
      %convert_element_type3A_55 = arith.extui %lt3A_54 : i1 to i32
      %cond3A_56 = arith.constant 0 : i32
      %cond3A_57 = arith.cmpi ne, %convert_element_type3A_55, %cond3A_56 : i32
      scf.if %cond3A_57 {
        %ge3A = arith.constant 1 : i32
        %ge3A_110 = arith.cmpi sge, %add3A_34, %ge3A : i32
        %convert_element_type3A_111 = arith.extui %ge3A_110 : i1 to i32
        %cond3A_112 = arith.constant 0 : i32
        %cond3A_113 = arith.cmpi ne, %convert_element_type3A_111, %cond3A_112 : i32
        scf.if %cond3A_113 {
          %dma_wait3A_123 = arith.constant 0 : i32
          %dma_wait3A_124 = arith.constant 0 : i32
          %dma_wait3A_125 = tpu.memref_slice %arg6[%dma_wait3A_123, %dma_wait3A_124] : memref<204800x128xf32, #tpu.memory_space<hbm>> -> memref<320x128xf32, #tpu.memory_space<hbm>>
          %dma_wait3A_126 = arith.constant 0 : i32
          %dma_wait3A_127 = arith.constant 0 : i32
          %dma_wait3A_128 = tpu.memref_slice %arg6[%dma_wait3A_126, %dma_wait3A_127] : memref<204800x128xf32, #tpu.memory_space<hbm>> -> memref<320x128xf32, #tpu.memory_space<hbm>>
          tpu.wait_dma2 semaphore(%arg16 : memref<!tpu.dma_semaphore, #tpu.memory_space<semaphore_mem>>) src(%arg10 : memref<320x128xf32, #tpu.memory_space<vmem>>) dst(%dma_wait3A_128 : memref<320x128xf32, #tpu.memory_space<hbm>>)
        } else {
        }
        %add3A_114 = arith.constant 1 : i32
        %add3A_115 = arith.addi %add3A_34, %add3A_114 : i32
        %scan3A_116 = arith.constant 0 : i32
        %scan3A_117 = arith.constant 0 : i32
        %scan3A_118 = arith.constant 20 : i32
        %scan3A_119 = arith.addi %scan3A_117, %scan3A_118 : i32
        %scan3A_120 = arith.constant 1 : i32
        %scan3A_121 = scf.for %scan3A_123 = %scan3A_117 to %scan3A_119 step %scan3A_120 iter_args(%scan3A_124 = %scan3A_116) -> (i32)  : i32 {
          %mul3A_125 = arith.constant 320 : i32
          %mul3A_126 = arith.muli %add3A_115, %mul3A_125 : i32
          %mul3A_127 = arith.constant 16 : i32
          %mul3A_128 = arith.muli %scan3A_123, %mul3A_127 : i32
          %add3A_129 = arith.addi %mul3A_126, %mul3A_128 : i32
          %get3A = arith.index_cast %add3A_129 : i32 to index
          %get3A_130 = tpu.vector_load %arg7[%get3A] {strides = array<i32>} : memref<6400xi32, #tpu.memory_space<vmem>>, vector<16xi32>,
          %slice3A = vector.extract_strided_slice %get3A_130 {offsets = [0], sizes = [1], strides = [1]} : vector<16xi32> to vector<1xi32>
          %squeeze3A = vector.extract %slice3A[0] : i32 from vector<1xi32>
          %mul3A_131 = arith.constant 16 : i32
          %mul3A_132 = arith.muli %scan3A_123, %mul3A_131 : i32
          %add3A_133 = arith.constant 0 : i32
          %add3A_134 = arith.addi %mul3A_132, %add3A_133 : i32
          %dma_start3A_135 = arith.constant 0 : i32
          %dma_start3A_136 = tpu.memref_slice %arg10[%add3A_134, %dma_start3A_135] : memref<320x128xf32, #tpu.memory_space<vmem>> -> memref<1x64xf32, #tpu.memory_space<vmem>>
          %dma_start3A_137 = tpu.memref_squeeze %dma_start3A_136 : memref<1x64xf32, #tpu.memory_space<vmem>> -> memref<64xf32, #tpu.memory_space<vmem>>
          %dma_start3A_138 = arith.constant 0 : i32
          %dma_start3A_139 = tpu.memref_slice %arg4[%squeeze3A, %dma_start3A_138] : memref<1000000x64xf32, #tpu.memory_space<hbm>> -> memref<1x64xf32, #tpu.memory_space<hbm>>
          %dma_start3A_140 = tpu.memref_squeeze %dma_start3A_139 : memref<1x64xf32, #tpu.memory_space<hbm>> -> memref<64xf32, #tpu.memory_space<hbm>>
          %dma_start3A_141 = arith.constant 0 : i32
          %dma_start3A_142 = tpu.memref_slice %arg10[%add3A_134, %dma_start3A_141] : memref<320x128xf32, #tpu.memory_space<vmem>> -> memref<1x64xf32, #tpu.memory_space<vmem>>
          %dma_start3A_143 = tpu.memref_squeeze %dma_start3A_142 : memref<1x64xf32, #tpu.memory_space<vmem>> -> memref<64xf32, #tpu.memory_space<vmem>>
          %dma_start3A_144 = arith.constant 0 : i32
          %dma_start3A_145 = tpu.memref_slice %arg4[%squeeze3A, %dma_start3A_144] : memref<1000000x64xf32, #tpu.memory_space<hbm>> -> memref<1x64xf32, #tpu.memory_space<hbm>>
          %dma_start3A_146 = tpu.memref_squeeze %dma_start3A_145 : memref<1x64xf32, #tpu.memory_space<hbm>> -> memref<64xf32, #tpu.memory_space<hbm>>
          tpu.enqueue_dma source(%dma_start3A_146 : memref<64xf32, #tpu.memory_space<hbm>>) target(%dma_start3A_143 : memref<64xf32, #tpu.memory_space<vmem>>) target_semaphore(%arg13 : memref<!tpu.dma_semaphore, #tpu.memory_space<semaphore_mem>>)
          %slice3A_147 = vector.extract_strided_slice %get3A_130 {offsets = [1], sizes = [1], strides = [1]} : vector<16xi32> to vector<1xi32>
          %squeeze3A_148 = vector.extract %slice3A_147[0] : i32 from vector<1xi32>
          %mul3A_149 = arith.constant 16 : i32
          %mul3A_150 = arith.muli %scan3A_123, %mul3A_149 : i32
          %add3A_151 = arith.constant 1 : i32
          %add3A_152 = arith.addi %mul3A_150, %add3A_151 : i32
          %dma_start3A_153 = arith.constant 0 : i32
          %dma_start3A_154 = tpu.memref_slice %arg10[%add3A_152, %dma_start3A_153] : memref<320x128xf32, #tpu.memory_space<vmem>> -> memref<1x64xf32, #tpu.memory_space<vmem>>
          %dma_start3A_155 = tpu.memref_squeeze %dma_start3A_154 : memref<1x64xf32, #tpu.memory_space<vmem>> -> memref<64xf32, #tpu.memory_space<vmem>>
          %dma_start3A_156 = arith.constant 0 : i32
          %dma_start3A_157 = tpu.memref_slice %arg4[%squeeze3A_148, %dma_start3A_156] : memref<1000000x64xf32, #tpu.memory_space<hbm>> -> memref<1x64xf32, #tpu.memory_space<hbm>>
          %dma_start3A_158 = tpu.memref_squeeze %dma_start3A_157 : memref<1x64xf32, #tpu.memory_space<hbm>> -> memref<64xf32, #tpu.memory_space<hbm>>
          %dma_start3A_159 = arith.constant 0 : i32
          %dma_start3A_160 = tpu.memref_slice %arg10[%add3A_152, %dma_start3A_159] : memref<320x128xf32, #tpu.memory_space<vmem>> -> memref<1x64xf32, #tpu.memory_space<vmem>>
          %dma_start3A_161 = tpu.memref_squeeze %dma_start3A_160 : memref<1x64xf32, #tpu.memory_space<vmem>> -> memref<64xf32, #tpu.memory_space<vmem>>
          %dma_start3A_162 = arith.constant 0 : i32
          %dma_start3A_163 = tpu.memref_slice %arg4[%squeeze3A_148, %dma_start3A_162] : memref<1000000x64xf32, #tpu.memory_space<hbm>> -> memref<1x64xf32, #tpu.memory_space<hbm>>
          %dma_start3A_164 = tpu.memref_squeeze %dma_start3A_163 : memref<1x64xf32, #tpu.memory_space<hbm>> -> memref<64xf32, #tpu.memory_space<hbm>>
          tpu.enqueue_dma source(%dma_start3A_164 : memref<64xf32, #tpu.memory_space<hbm>>) target(%dma_start3A_161 : memref<64xf32, #tpu.memory_space<vmem>>) target_semaphore(%arg13 : memref<!tpu.dma_semaphore, #tpu.memory_space<semaphore_mem>>)
          %slice3A_165 = vector.extract_strided_slice %get3A_130 {offsets = [2], sizes = [1], strides = [1]} : vector<16xi32> to vector<1xi32>
          %squeeze3A_166 = vector.extract %slice3A_165[0] : i32 from vector<1xi32>
          %mul3A_167 = arith.constant 16 : i32
          %mul3A_168 = arith.muli %scan3A_123, %mul3A_167 : i32
          %add3A_169 = arith.constant 2 : i32
          %add3A_170 = arith.addi %mul3A_168, %add3A_169 : i32
          %dma_start3A_171 = arith.constant 0 : i32
          %dma_start3A_172 = tpu.memref_slice %arg10[%add3A_170, %dma_start3A_171] : memref<320x128xf32, #tpu.memory_space<vmem>> -> memref<1x64xf32, #tpu.memory_space<vmem>>
          %dma_start3A_173 = tpu.memref_squeeze %dma_start3A_172 : memref<1x64xf32, #tpu.memory_space<vmem>> -> memref<64xf32, #tpu.memory_space<vmem>>
          %dma_start3A_174 = arith.constant 0 : i32
          %dma_start3A_175 = tpu.memref_slice %arg4[%squeeze3A_166, %dma_start3A_174] : memref<1000000x64xf32, #tpu.memory_space<hbm>> -> memref<1x64xf32, #tpu.memory_space<hbm>>
          %dma_start3A_176 = tpu.memref_squeeze %dma_start3A_175 : memref<1x64xf32, #tpu.memory_space<hbm>> -> memref<64xf32, #tpu.memory_space<hbm>>
          %dma_start3A_177 = arith.constant 0 : i32
          %dma_start3A_178 = tpu.memref_slice %arg10[%add3A_170, %dma_start3A_177] : memref<320x128xf32, #tpu.memory_space<vmem>> -> memref<1x64xf32, #tpu.memory_space<vmem>>
          %dma_start3A_179 = tpu.memref_squeeze %dma_start3A_178 : memref<1x64xf32, #tpu.memory_space<vmem>> -> memref<64xf32, #tpu.memory_space<vmem>>
          %dma_start3A_180 = arith.constant 0 : i32
          %dma_start3A_181 = tpu.memref_slice %arg4[%squeeze3A_166, %dma_start3A_180] : memref<1000000x64xf32, #tpu.memory_space<hbm>> -> memref<1x64xf32, #tpu.memory_space<hbm>>
          %dma_start3A_182 = tpu.memref_squeeze %dma_start3A_181 : memref<1x64xf32, #tpu.memory_space<hbm>> -> memref<64xf32, #tpu.memory_space<hbm>>
          tpu.enqueue_dma source(%dma_start3A_182 : memref<64xf32, #tpu.memory_space<hbm>>) target(%dma_start3A_179 : memref<64xf32, #tpu.memory_space<vmem>>) target_semaphore(%arg13 : memref<!tpu.dma_semaphore, #tpu.memory_space<semaphore_mem>>)
          %slice3A_183 = vector.extract_strided_slice %get3A_130 {offsets = [3], sizes = [1], strides = [1]} : vector<16xi32> to vector<1xi32>
          %squeeze3A_184 = vector.extract %slice3A_183[0] : i32 from vector<1xi32>
          %mul3A_185 = arith.constant 16 : i32
          %mul3A_186 = arith.muli %scan3A_123, %mul3A_185 : i32
          %add3A_187 = arith.constant 3 : i32
          %add3A_188 = arith.addi %mul3A_186, %add3A_187 : i32
          %dma_start3A_189 = arith.constant 0 : i32
          %dma_start3A_190 = tpu.memref_slice %arg10[%add3A_188, %dma_start3A_189] : memref<320x128xf32, #tpu.memory_space<vmem>> -> memref<1x64xf32, #tpu.memory_space<vmem>>
          %dma_start3A_191 = tpu.memref_squeeze %dma_start3A_190 : memref<1x64xf32, #tpu.memory_space<vmem>> -> memref<64xf32, #tpu.memory_space<vmem>>
          %dma_start3A_192 = arith.constant 0 : i32
          %dma_start3A_193 = tpu.memref_slice %arg4[%squeeze3A_184, %dma_start3A_192] : memref<1000000x64xf32, #tpu.memory_space<hbm>> -> memref<1x64xf32, #tpu.memory_space<hbm>>
          %dma_start3A_194 = tpu.memref_squeeze %dma_start3A_193 : memref<1x64xf32, #tpu.memory_space<hbm>> -> memref<64xf32, #tpu.memory_space<hbm>>
          %dma_start3A_195 = arith.constant 0 : i32
          %dma_start3A_196 = tpu.memref_slice %arg10[%add3A_188, %dma_start3A_195] : memref<320x128xf32, #tpu.memory_space<vmem>> -> memref<1x64xf32, #tpu.memory_space<vmem>>
          %dma_start3A_197 = tpu.memref_squeeze %dma_start3A_196 : memref<1x64xf32, #tpu.memory_space<vmem>> -> memref<64xf32, #tpu.memory_space<vmem>>
          %dma_start3A_198 = arith.constant 0 : i32
          %dma_start3A_199 = tpu.memref_slice %arg4[%squeeze3A_184, %dma_start3A_198] : memref<1000000x64xf32, #tpu.memory_space<hbm>> -> memref<1x64xf32, #tpu.memory_space<hbm>>
          %dma_start3A_200 = tpu.memref_squeeze %dma_start3A_199 : memref<1x64xf32, #tpu.memory_space<hbm>> -> memref<64xf32, #tpu.memory_space<hbm>>
          tpu.enqueue_dma source(%dma_start3A_200 : memref<64xf32, #tpu.memory_space<hbm>>) target(%dma_start3A_197 : memref<64xf32, #tpu.memory_space<vmem>>) target_semaphore(%arg13 : memref<!tpu.dma_semaphore, #tpu.memory_space<semaphore_mem>>)
          %slice3A_201 = vector.extract_strided_slice %get3A_130 {offsets = [4], sizes = [1], strides = [1]} : vector<16xi32> to vector<1xi32>
          %squeeze3A_202 = vector.extract %slice3A_201[0] : i32 from vector<1xi32>
          %mul3A_203 = arith.constant 16 : i32
          %mul3A_204 = arith.muli %scan3A_123, %mul3A_203 : i32
          %add3A_205 = arith.constant 4 : i32
          %add3A_206 = arith.addi %mul3A_204, %add3A_205 : i32
          %dma_start3A_207 = arith.constant 0 : i32
          %dma_start3A_208 = tpu.memref_slice %arg10[%add3A_206, %dma_start3A_207] : memref<320x128xf32, #tpu.memory_space<vmem>> -> memref<1x64xf32, #tpu.memory_space<vmem>>
          %dma_start3A_209 = tpu.memref_squeeze %dma_start3A_208 : memref<1x64xf32, #tpu.memory_space<vmem>> -> memref<64xf32, #tpu.memory_space<vmem>>
          %dma_start3A_210 = arith.constant 0 : i32
          %dma_start3A_211 = tpu.memref_slice %arg4[%squeeze3A_202, %dma_start3A_210] : memref<1000000x64xf32, #tpu.memory_space<hbm>> -> memref<1x64xf32, #tpu.memory_space<hbm>>
          %dma_start3A_212 = tpu.memref_squeeze %dma_start3A_211 : memref<1x64xf32, #tpu.memory_space<hbm>> -> memref<64xf32, #tpu.memory_space<hbm>>
          %dma_start3A_213 = arith.constant 0 : i32
          %dma_start3A_214 = tpu.memref_slice %arg10[%add3A_206, %dma_start3A_213] : memref<320x128xf32, #tpu.memory_space<vmem>> -> memref<1x64xf32, #tpu.memory_space<vmem>>
          %dma_start3A_215 = tpu.memref_squeeze %dma_start3A_214 : memref<1x64xf32, #tpu.memory_space<vmem>> -> memref<64xf32, #tpu.memory_space<vmem>>
          %dma_start3A_216 = arith.constant 0 : i32
          %dma_start3A_217 = tpu.memref_slice %arg4[%squeeze3A_202, %dma_start3A_216] : memref<1000000x64xf32, #tpu.memory_space<hbm>> -> memref<1x64xf32, #tpu.memory_space<hbm>>
          %dma_start3A_218 = tpu.memref_squeeze %dma_start3A_217 : memref<1x64xf32, #tpu.memory_space<hbm>> -> memref<64xf32, #tpu.memory_space<hbm>>
          tpu.enqueue_dma source(%dma_start3A_218 : memref<64xf32, #tpu.memory_space<hbm>>) target(%dma_start3A_215 : memref<64xf32, #tpu.memory_space<vmem>>) target_semaphore(%arg13 : memref<!tpu.dma_semaphore, #tpu.memory_space<semaphore_mem>>)
          %slice3A_219 = vector.extract_strided_slice %get3A_130 {offsets = [5], sizes = [1], strides = [1]} : vector<16xi32> to vector<1xi32>
          %squeeze3A_220 = vector.extract %slice3A_219[0] : i32 from vector<1xi32>
          %mul3A_221 = arith.constant 16 : i32
          %mul3A_222 = arith.muli %scan3A_123, %mul3A_221 : i32
          %add3A_223 = arith.constant 5 : i32
          %add3A_224 = arith.addi %mul3A_222, %add3A_223 : i32
          %dma_start3A_225 = arith.constant 0 : i32
          %dma_start3A_226 = tpu.memref_slice %arg10[%add3A_224, %dma_start3A_225] : memref<320x128xf32, #tpu.memory_space<vmem>> -> memref<1x64xf32, #tpu.memory_space<vmem>>
          %dma_start3A_227 = tpu.memref_squeeze %dma_start3A_226 : memref<1x64xf32, #tpu.memory_space<vmem>> -> memref<64xf32, #tpu.memory_space<vmem>>
          %dma_start3A_228 = arith.constant 0 : i32
          %dma_start3A_229 = tpu.memref_slice %arg4[%squeeze3A_220, %dma_start3A_228] : memref<1000000x64xf32, #tpu.memory_space<hbm>> -> memref<1x64xf32, #tpu.memory_space<hbm>>
          %dma_start3A_230 = tpu.memref_squeeze %dma_start3A_229 : memref<1x64xf32, #tpu.memory_space<hbm>> -> memref<64xf32, #tpu.memory_space<hbm>>
          %dma_start3A_231 = arith.constant 0 : i32
          %dma_start3A_232 = tpu.memref_slice %arg10[%add3A_224, %dma_start3A_231] : memref<320x128xf32, #tpu.memory_space<vmem>> -> memref<1x64xf32, #tpu.memory_space<vmem>>
          %dma_start3A_233 = tpu.memref_squeeze %dma_start3A_232 : memref<1x64xf32, #tpu.memory_space<vmem>> -> memref<64xf32, #tpu.memory_space<vmem>>
          %dma_start3A_234 = arith.constant 0 : i32
          %dma_start3A_235 = tpu.memref_slice %arg4[%squeeze3A_220, %dma_start3A_234] : memref<1000000x64xf32, #tpu.memory_space<hbm>> -> memref<1x64xf32, #tpu.memory_space<hbm>>
          %dma_start3A_236 = tpu.memref_squeeze %dma_start3A_235 : memref<1x64xf32, #tpu.memory_space<hbm>> -> memref<64xf32, #tpu.memory_space<hbm>>
          tpu.enqueue_dma source(%dma_start3A_236 : memref<64xf32, #tpu.memory_space<hbm>>) target(%dma_start3A_233 : memref<64xf32, #tpu.memory_space<vmem>>) target_semaphore(%arg13 : memref<!tpu.dma_semaphore, #tpu.memory_space<semaphore_mem>>)
          %slice3A_237 = vector.extract_strided_slice %get3A_130 {offsets = [6], sizes = [1], strides = [1]} : vector<16xi32> to vector<1xi32>
          %squeeze3A_238 = vector.extract %slice3A_237[0] : i32 from vector<1xi32>
          %mul3A_239 = arith.constant 16 : i32
          %mul3A_240 = arith.muli %scan3A_123, %mul3A_239 : i32
          %add3A_241 = arith.constant 6 : i32
          %add3A_242 = arith.addi %mul3A_240, %add3A_241 : i32
          %dma_start3A_243 = arith.constant 0 : i32
          %dma_start3A_244 = tpu.memref_slice %arg10[%add3A_242, %dma_start3A_243] : memref<320x128xf32, #tpu.memory_space<vmem>> -> memref<1x64xf32, #tpu.memory_space<vmem>>
          %dma_start3A_245 = tpu.memref_squeeze %dma_start3A_244 : memref<1x64xf32, #tpu.memory_space<vmem>> -> memref<64xf32, #tpu.memory_space<vmem>>
          %dma_start3A_246 = arith.constant 0 : i32
          %dma_start3A_247 = tpu.memref_slice %arg4[%squeeze3A_238, %dma_start3A_246] : memref<1000000x64xf32, #tpu.memory_space<hbm>> -> memref<1x64xf32, #tpu.memory_space<hbm>>
          %dma_start3A_248 = tpu.memref_squeeze %dma_start3A_247 : memref<1x64xf32, #tpu.memory_space<hbm>> -> memref<64xf32, #tpu.memory_space<hbm>>
          %dma_start3A_249 = arith.constant 0 : i32
          %dma_start3A_250 = tpu.memref_slice %arg10[%add3A_242, %dma_start3A_249] : memref<320x128xf32, #tpu.memory_space<vmem>> -> memref<1x64xf32, #tpu.memory_space<vmem>>
          %dma_start3A_251 = tpu.memref_squeeze %dma_start3A_250 : memref<1x64xf32, #tpu.memory_space<vmem>> -> memref<64xf32, #tpu.memory_space<vmem>>
          %dma_start3A_252 = arith.constant 0 : i32
          %dma_start3A_253 = tpu.memref_slice %arg4[%squeeze3A_238, %dma_start3A_252] : memref<1000000x64xf32, #tpu.memory_space<hbm>> -> memref<1x64xf32, #tpu.memory_space<hbm>>
          %dma_start3A_254 = tpu.memref_squeeze %dma_start3A_253 : memref<1x64xf32, #tpu.memory_space<hbm>> -> memref<64xf32, #tpu.memory_space<hbm>>
          tpu.enqueue_dma source(%dma_start3A_254 : memref<64xf32, #tpu.memory_space<hbm>>) target(%dma_start3A_251 : memref<64xf32, #tpu.memory_space<vmem>>) target_semaphore(%arg13 : memref<!tpu.dma_semaphore, #tpu.memory_space<semaphore_mem>>)
          %slice3A_255 = vector.extract_strided_slice %get3A_130 {offsets = [7], sizes = [1], strides = [1]} : vector<16xi32> to vector<1xi32>
          %squeeze3A_256 = vector.extract %slice3A_255[0] : i32 from vector<1xi32>
          %mul3A_257 = arith.constant 16 : i32
          %mul3A_258 = arith.muli %scan3A_123, %mul3A_257 : i32
          %add3A_259 = arith.constant 7 : i32
          %add3A_260 = arith.addi %mul3A_258, %add3A_259 : i32
          %dma_start3A_261 = arith.constant 0 : i32
          %dma_start3A_262 = tpu.memref_slice %arg10[%add3A_260, %dma_start3A_261] : memref<320x128xf32, #tpu.memory_space<vmem>> -> memref<1x64xf32, #tpu.memory_space<vmem>>
          %dma_start3A_263 = tpu.memref_squeeze %dma_start3A_262 : memref<1x64xf32, #tpu.memory_space<vmem>> -> memref<64xf32, #tpu.memory_space<vmem>>
          %dma_start3A_264 = arith.constant 0 : i32
          %dma_start3A_265 = tpu.memref_slice %arg4[%squeeze3A_256, %dma_start3A_264] : memref<1000000x64xf32, #tpu.memory_space<hbm>> -> memref<1x64xf32, #tpu.memory_space<hbm>>
          %dma_start3A_266 = tpu.memref_squeeze %dma_start3A_265 : memref<1x64xf32, #tpu.memory_space<hbm>> -> memref<64xf32, #tpu.memory_space<hbm>>
          %dma_start3A_267 = arith.constant 0 : i32
          %dma_start3A_268 = tpu.memref_slice %arg10[%add3A_260, %dma_start3A_267] : memref<320x128xf32, #tpu.memory_space<vmem>> -> memref<1x64xf32, #tpu.memory_space<vmem>>
          %dma_start3A_269 = tpu.memref_squeeze %dma_start3A_268 : memref<1x64xf32, #tpu.memory_space<vmem>> -> memref<64xf32, #tpu.memory_space<vmem>>
          %dma_start3A_270 = arith.constant 0 : i32
          %dma_start3A_271 = tpu.memref_slice %arg4[%squeeze3A_256, %dma_start3A_270] : memref<1000000x64xf32, #tpu.memory_space<hbm>> -> memref<1x64xf32, #tpu.memory_space<hbm>>
          %dma_start3A_272 = tpu.memref_squeeze %dma_start3A_271 : memref<1x64xf32, #tpu.memory_space<hbm>> -> memref<64xf32, #tpu.memory_space<hbm>>
          tpu.enqueue_dma source(%dma_start3A_272 : memref<64xf32, #tpu.memory_space<hbm>>) target(%dma_start3A_269 : memref<64xf32, #tpu.memory_space<vmem>>) target_semaphore(%arg13 : memref<!tpu.dma_semaphore, #tpu.memory_space<semaphore_mem>>)
          %slice3A_273 = vector.extract_strided_slice %get3A_130 {offsets = [8], sizes = [1], strides = [1]} : vector<16xi32> to vector<1xi32>
          %squeeze3A_274 = vector.extract %slice3A_273[0] : i32 from vector<1xi32>
          %mul3A_275 = arith.constant 16 : i32
          %mul3A_276 = arith.muli %scan3A_123, %mul3A_275 : i32
          %add3A_277 = arith.constant 8 : i32
          %add3A_278 = arith.addi %mul3A_276, %add3A_277 : i32
          %dma_start3A_279 = arith.constant 0 : i32
          %dma_start3A_280 = tpu.memref_slice %arg10[%add3A_278, %dma_start3A_279] : memref<320x128xf32, #tpu.memory_space<vmem>> -> memref<1x64xf32, #tpu.memory_space<vmem>>
          %dma_start3A_281 = tpu.memref_squeeze %dma_start3A_280 : memref<1x64xf32, #tpu.memory_space<vmem>> -> memref<64xf32, #tpu.memory_space<vmem>>
          %dma_start3A_282 = arith.constant 0 : i32
          %dma_start3A_283 = tpu.memref_slice %arg4[%squeeze3A_274, %dma_start3A_282] : memref<1000000x64xf32, #tpu.memory_space<hbm>> -> memref<1x64xf32, #tpu.memory_space<hbm>>
          %dma_start3A_284 = tpu.memref_squeeze %dma_start3A_283 : memref<1x64xf32, #tpu.memory_space<hbm>> -> memref<64xf32, #tpu.memory_space<hbm>>
          %dma_start3A_285 = arith.constant 0 : i32
          %dma_start3A_286 = tpu.memref_slice %arg10[%add3A_278, %dma_start3A_285] : memref<320x128xf32, #tpu.memory_space<vmem>> -> memref<1x64xf32, #tpu.memory_space<vmem>>
          %dma_start3A_287 = tpu.memref_squeeze %dma_start3A_286 : memref<1x64xf32, #tpu.memory_space<vmem>> -> memref<64xf32, #tpu.memory_space<vmem>>
          %dma_start3A_288 = arith.constant 0 : i32
          %dma_start3A_289 = tpu.memref_slice %arg4[%squeeze3A_274, %dma_start3A_288] : memref<1000000x64xf32, #tpu.memory_space<hbm>> -> memref<1x64xf32, #tpu.memory_space<hbm>>
          %dma_start3A_290 = tpu.memref_squeeze %dma_start3A_289 : memref<1x64xf32, #tpu.memory_space<hbm>> -> memref<64xf32, #tpu.memory_space<hbm>>
          tpu.enqueue_dma source(%dma_start3A_290 : memref<64xf32, #tpu.memory_space<hbm>>) target(%dma_start3A_287 : memref<64xf32, #tpu.memory_space<vmem>>) target_semaphore(%arg13 : memref<!tpu.dma_semaphore, #tpu.memory_space<semaphore_mem>>)
          %slice3A_291 = vector.extract_strided_slice %get3A_130 {offsets = [9], sizes = [1], strides = [1]} : vector<16xi32> to vector<1xi32>
          %squeeze3A_292 = vector.extract %slice3A_291[0] : i32 from vector<1xi32>
          %mul3A_293 = arith.constant 16 : i32
          %mul3A_294 = arith.muli %scan3A_123, %mul3A_293 : i32
          %add3A_295 = arith.constant 9 : i32
          %add3A_296 = arith.addi %mul3A_294, %add3A_295 : i32
          %dma_start3A_297 = arith.constant 0 : i32
          %dma_start3A_298 = tpu.memref_slice %arg10[%add3A_296, %dma_start3A_297] : memref<320x128xf32, #tpu.memory_space<vmem>> -> memref<1x64xf32, #tpu.memory_space<vmem>>
          %dma_start3A_299 = tpu.memref_squeeze %dma_start3A_298 : memref<1x64xf32, #tpu.memory_space<vmem>> -> memref<64xf32, #tpu.memory_space<vmem>>
          %dma_start3A_300 = arith.constant 0 : i32
          %dma_start3A_301 = tpu.memref_slice %arg4[%squeeze3A_292, %dma_start3A_300] : memref<1000000x64xf32, #tpu.memory_space<hbm>> -> memref<1x64xf32, #tpu.memory_space<hbm>>
          %dma_start3A_302 = tpu.memref_squeeze %dma_start3A_301 : memref<1x64xf32, #tpu.memory_space<hbm>> -> memref<64xf32, #tpu.memory_space<hbm>>
          %dma_start3A_303 = arith.constant 0 : i32
          %dma_start3A_304 = tpu.memref_slice %arg10[%add3A_296, %dma_start3A_303] : memref<320x128xf32, #tpu.memory_space<vmem>> -> memref<1x64xf32, #tpu.memory_space<vmem>>
          %dma_start3A_305 = tpu.memref_squeeze %dma_start3A_304 : memref<1x64xf32, #tpu.memory_space<vmem>> -> memref<64xf32, #tpu.memory_space<vmem>>
          %dma_start3A_306 = arith.constant 0 : i32
          %dma_start3A_307 = tpu.memref_slice %arg4[%squeeze3A_292, %dma_start3A_306] : memref<1000000x64xf32, #tpu.memory_space<hbm>> -> memref<1x64xf32, #tpu.memory_space<hbm>>
          %dma_start3A_308 = tpu.memref_squeeze %dma_start3A_307 : memref<1x64xf32, #tpu.memory_space<hbm>> -> memref<64xf32, #tpu.memory_space<hbm>>
          tpu.enqueue_dma source(%dma_start3A_308 : memref<64xf32, #tpu.memory_space<hbm>>) target(%dma_start3A_305 : memref<64xf32, #tpu.memory_space<vmem>>) target_semaphore(%arg13 : memref<!tpu.dma_semaphore, #tpu.memory_space<semaphore_mem>>)
          %slice3A_309 = vector.extract_strided_slice %get3A_130 {offsets = [10], sizes = [1], strides = [1]} : vector<16xi32> to vector<1xi32>
          %squeeze3A_310 = vector.extract %slice3A_309[0] : i32 from vector<1xi32>
          %mul3A_311 = arith.constant 16 : i32
          %mul3A_312 = arith.muli %scan3A_123, %mul3A_311 : i32
          %add3A_313 = arith.constant 10 : i32
          %add3A_314 = arith.addi %mul3A_312, %add3A_313 : i32
          %dma_start3A_315 = arith.constant 0 : i32
          %dma_start3A_316 = tpu.memref_slice %arg10[%add3A_314, %dma_start3A_315] : memref<320x128xf32, #tpu.memory_space<vmem>> -> memref<1x64xf32, #tpu.memory_space<vmem>>
          %dma_start3A_317 = tpu.memref_squeeze %dma_start3A_316 : memref<1x64xf32, #tpu.memory_space<vmem>> -> memref<64xf32, #tpu.memory_space<vmem>>
          %dma_start3A_318 = arith.constant 0 : i32
          %dma_start3A_319 = tpu.memref_slice %arg4[%squeeze3A_310, %dma_start3A_318] : memref<1000000x64xf32, #tpu.memory_space<hbm>> -> memref<1x64xf32, #tpu.memory_space<hbm>>
          %dma_start3A_320 = tpu.memref_squeeze %dma_start3A_319 : memref<1x64xf32, #tpu.memory_space<hbm>> -> memref<64xf32, #tpu.memory_space<hbm>>
          %dma_start3A_321 = arith.constant 0 : i32
          %dma_start3A_322 = tpu.memref_slice %arg10[%add3A_314, %dma_start3A_321] : memref<320x128xf32, #tpu.memory_space<vmem>> -> memref<1x64xf32, #tpu.memory_space<vmem>>
          %dma_start3A_323 = tpu.memref_squeeze %dma_start3A_322 : memref<1x64xf32, #tpu.memory_space<vmem>> -> memref<64xf32, #tpu.memory_space<vmem>>
          %dma_start3A_324 = arith.constant 0 : i32
          %dma_start3A_325 = tpu.memref_slice %arg4[%squeeze3A_310, %dma_start3A_324] : memref<1000000x64xf32, #tpu.memory_space<hbm>> -> memref<1x64xf32, #tpu.memory_space<hbm>>
          %dma_start3A_326 = tpu.memref_squeeze %dma_start3A_325 : memref<1x64xf32, #tpu.memory_space<hbm>> -> memref<64xf32, #tpu.memory_space<hbm>>
          tpu.enqueue_dma source(%dma_start3A_326 : memref<64xf32, #tpu.memory_space<hbm>>) target(%dma_start3A_323 : memref<64xf32, #tpu.memory_space<vmem>>) target_semaphore(%arg13 : memref<!tpu.dma_semaphore, #tpu.memory_space<semaphore_mem>>)
          %slice3A_327 = vector.extract_strided_slice %get3A_130 {offsets = [11], sizes = [1], strides = [1]} : vector<16xi32> to vector<1xi32>
          %squeeze3A_328 = vector.extract %slice3A_327[0] : i32 from vector<1xi32>
          %mul3A_329 = arith.constant 16 : i32
          %mul3A_330 = arith.muli %scan3A_123, %mul3A_329 : i32
          %add3A_331 = arith.constant 11 : i32
          %add3A_332 = arith.addi %mul3A_330, %add3A_331 : i32
          %dma_start3A_333 = arith.constant 0 : i32
          %dma_start3A_334 = tpu.memref_slice %arg10[%add3A_332, %dma_start3A_333] : memref<320x128xf32, #tpu.memory_space<vmem>> -> memref<1x64xf32, #tpu.memory_space<vmem>>
          %dma_start3A_335 = tpu.memref_squeeze %dma_start3A_334 : memref<1x64xf32, #tpu.memory_space<vmem>> -> memref<64xf32, #tpu.memory_space<vmem>>
          %dma_start3A_336 = arith.constant 0 : i32
          %dma_start3A_337 = tpu.memref_slice %arg4[%squeeze3A_328, %dma_start3A_336] : memref<1000000x64xf32, #tpu.memory_space<hbm>> -> memref<1x64xf32, #tpu.memory_space<hbm>>
          %dma_start3A_338 = tpu.memref_squeeze %dma_start3A_337 : memref<1x64xf32, #tpu.memory_space<hbm>> -> memref<64xf32, #tpu.memory_space<hbm>>
          %dma_start3A_339 = arith.constant 0 : i32
          %dma_start3A_340 = tpu.memref_slice %arg10[%add3A_332, %dma_start3A_339] : memref<320x128xf32, #tpu.memory_space<vmem>> -> memref<1x64xf32, #tpu.memory_space<vmem>>
          %dma_start3A_341 = tpu.memref_squeeze %dma_start3A_340 : memref<1x64xf32, #tpu.memory_space<vmem>> -> memref<64xf32, #tpu.memory_space<vmem>>
          %dma_start3A_342 = arith.constant 0 : i32
          %dma_start3A_343 = tpu.memref_slice %arg4[%squeeze3A_328, %dma_start3A_342] : memref<1000000x64xf32, #tpu.memory_space<hbm>> -> memref<1x64xf32, #tpu.memory_space<hbm>>
          %dma_start3A_344 = tpu.memref_squeeze %dma_start3A_343 : memref<1x64xf32, #tpu.memory_space<hbm>> -> memref<64xf32, #tpu.memory_space<hbm>>
          tpu.enqueue_dma source(%dma_start3A_344 : memref<64xf32, #tpu.memory_space<hbm>>) target(%dma_start3A_341 : memref<64xf32, #tpu.memory_space<vmem>>) target_semaphore(%arg13 : memref<!tpu.dma_semaphore, #tpu.memory_space<semaphore_mem>>)
          %slice3A_345 = vector.extract_strided_slice %get3A_130 {offsets = [12], sizes = [1], strides = [1]} : vector<16xi32> to vector<1xi32>
          %squeeze3A_346 = vector.extract %slice3A_345[0] : i32 from vector<1xi32>
          %mul3A_347 = arith.constant 16 : i32
          %mul3A_348 = arith.muli %scan3A_123, %mul3A_347 : i32
          %add3A_349 = arith.constant 12 : i32
          %add3A_350 = arith.addi %mul3A_348, %add3A_349 : i32
          %dma_start3A_351 = arith.constant 0 : i32
          %dma_start3A_352 = tpu.memref_slice %arg10[%add3A_350, %dma_start3A_351] : memref<320x128xf32, #tpu.memory_space<vmem>> -> memref<1x64xf32, #tpu.memory_space<vmem>>
          %dma_start3A_353 = tpu.memref_squeeze %dma_start3A_352 : memref<1x64xf32, #tpu.memory_space<vmem>> -> memref<64xf32, #tpu.memory_space<vmem>>
          %dma_start3A_354 = arith.constant 0 : i32
          %dma_start3A_355 = tpu.memref_slice %arg4[%squeeze3A_346, %dma_start3A_354] : memref<1000000x64xf32, #tpu.memory_space<hbm>> -> memref<1x64xf32, #tpu.memory_space<hbm>>
          %dma_start3A_356 = tpu.memref_squeeze %dma_start3A_355 : memref<1x64xf32, #tpu.memory_space<hbm>> -> memref<64xf32, #tpu.memory_space<hbm>>
          %dma_start3A_357 = arith.constant 0 : i32
          %dma_start3A_358 = tpu.memref_slice %arg10[%add3A_350, %dma_start3A_357] : memref<320x128xf32, #tpu.memory_space<vmem>> -> memref<1x64xf32, #tpu.memory_space<vmem>>
          %dma_start3A_359 = tpu.memref_squeeze %dma_start3A_358 : memref<1x64xf32, #tpu.memory_space<vmem>> -> memref<64xf32, #tpu.memory_space<vmem>>
          %dma_start3A_360 = arith.constant 0 : i32
          %dma_start3A_361 = tpu.memref_slice %arg4[%squeeze3A_346, %dma_start3A_360] : memref<1000000x64xf32, #tpu.memory_space<hbm>> -> memref<1x64xf32, #tpu.memory_space<hbm>>
          %dma_start3A_362 = tpu.memref_squeeze %dma_start3A_361 : memref<1x64xf32, #tpu.memory_space<hbm>> -> memref<64xf32, #tpu.memory_space<hbm>>
          tpu.enqueue_dma source(%dma_start3A_362 : memref<64xf32, #tpu.memory_space<hbm>>) target(%dma_start3A_359 : memref<64xf32, #tpu.memory_space<vmem>>) target_semaphore(%arg13 : memref<!tpu.dma_semaphore, #tpu.memory_space<semaphore_mem>>)
          %slice3A_363 = vector.extract_strided_slice %get3A_130 {offsets = [13], sizes = [1], strides = [1]} : vector<16xi32> to vector<1xi32>
          %squeeze3A_364 = vector.extract %slice3A_363[0] : i32 from vector<1xi32>
          %mul3A_365 = arith.constant 16 : i32
          %mul3A_366 = arith.muli %scan3A_123, %mul3A_365 : i32
          %add3A_367 = arith.constant 13 : i32
          %add3A_368 = arith.addi %mul3A_366, %add3A_367 : i32
          %dma_start3A_369 = arith.constant 0 : i32
          %dma_start3A_370 = tpu.memref_slice %arg10[%add3A_368, %dma_start3A_369] : memref<320x128xf32, #tpu.memory_space<vmem>> -> memref<1x64xf32, #tpu.memory_space<vmem>>
          %dma_start3A_371 = tpu.memref_squeeze %dma_start3A_370 : memref<1x64xf32, #tpu.memory_space<vmem>> -> memref<64xf32, #tpu.memory_space<vmem>>
          %dma_start3A_372 = arith.constant 0 : i32
          %dma_start3A_373 = tpu.memref_slice %arg4[%squeeze3A_364, %dma_start3A_372] : memref<1000000x64xf32, #tpu.memory_space<hbm>> -> memref<1x64xf32, #tpu.memory_space<hbm>>
          %dma_start3A_374 = tpu.memref_squeeze %dma_start3A_373 : memref<1x64xf32, #tpu.memory_space<hbm>> -> memref<64xf32, #tpu.memory_space<hbm>>
          %dma_start3A_375 = arith.constant 0 : i32
          %dma_start3A_376 = tpu.memref_slice %arg10[%add3A_368, %dma_start3A_375] : memref<320x128xf32, #tpu.memory_space<vmem>> -> memref<1x64xf32, #tpu.memory_space<vmem>>
          %dma_start3A_377 = tpu.memref_squeeze %dma_start3A_376 : memref<1x64xf32, #tpu.memory_space<vmem>> -> memref<64xf32, #tpu.memory_space<vmem>>
          %dma_start3A_378 = arith.constant 0 : i32
          %dma_start3A_379 = tpu.memref_slice %arg4[%squeeze3A_364, %dma_start3A_378] : memref<1000000x64xf32, #tpu.memory_space<hbm>> -> memref<1x64xf32, #tpu.memory_space<hbm>>
          %dma_start3A_380 = tpu.memref_squeeze %dma_start3A_379 : memref<1x64xf32, #tpu.memory_space<hbm>> -> memref<64xf32, #tpu.memory_space<hbm>>
          tpu.enqueue_dma source(%dma_start3A_380 : memref<64xf32, #tpu.memory_space<hbm>>) target(%dma_start3A_377 : memref<64xf32, #tpu.memory_space<vmem>>) target_semaphore(%arg13 : memref<!tpu.dma_semaphore, #tpu.memory_space<semaphore_mem>>)
          %slice3A_381 = vector.extract_strided_slice %get3A_130 {offsets = [14], sizes = [1], strides = [1]} : vector<16xi32> to vector<1xi32>
          %squeeze3A_382 = vector.extract %slice3A_381[0] : i32 from vector<1xi32>
          %mul3A_383 = arith.constant 16 : i32
          %mul3A_384 = arith.muli %scan3A_123, %mul3A_383 : i32
          %add3A_385 = arith.constant 14 : i32
          %add3A_386 = arith.addi %mul3A_384, %add3A_385 : i32
          %dma_start3A_387 = arith.constant 0 : i32
          %dma_start3A_388 = tpu.memref_slice %arg10[%add3A_386, %dma_start3A_387] : memref<320x128xf32, #tpu.memory_space<vmem>> -> memref<1x64xf32, #tpu.memory_space<vmem>>
          %dma_start3A_389 = tpu.memref_squeeze %dma_start3A_388 : memref<1x64xf32, #tpu.memory_space<vmem>> -> memref<64xf32, #tpu.memory_space<vmem>>
          %dma_start3A_390 = arith.constant 0 : i32
          %dma_start3A_391 = tpu.memref_slice %arg4[%squeeze3A_382, %dma_start3A_390] : memref<1000000x64xf32, #tpu.memory_space<hbm>> -> memref<1x64xf32, #tpu.memory_space<hbm>>
          %dma_start3A_392 = tpu.memref_squeeze %dma_start3A_391 : memref<1x64xf32, #tpu.memory_space<hbm>> -> memref<64xf32, #tpu.memory_space<hbm>>
          %dma_start3A_393 = arith.constant 0 : i32
          %dma_start3A_394 = tpu.memref_slice %arg10[%add3A_386, %dma_start3A_393] : memref<320x128xf32, #tpu.memory_space<vmem>> -> memref<1x64xf32, #tpu.memory_space<vmem>>
          %dma_start3A_395 = tpu.memref_squeeze %dma_start3A_394 : memref<1x64xf32, #tpu.memory_space<vmem>> -> memref<64xf32, #tpu.memory_space<vmem>>
          %dma_start3A_396 = arith.constant 0 : i32
          %dma_start3A_397 = tpu.memref_slice %arg4[%squeeze3A_382, %dma_start3A_396] : memref<1000000x64xf32, #tpu.memory_space<hbm>> -> memref<1x64xf32, #tpu.memory_space<hbm>>
          %dma_start3A_398 = tpu.memref_squeeze %dma_start3A_397 : memref<1x64xf32, #tpu.memory_space<hbm>> -> memref<64xf32, #tpu.memory_space<hbm>>
          tpu.enqueue_dma source(%dma_start3A_398 : memref<64xf32, #tpu.memory_space<hbm>>) target(%dma_start3A_395 : memref<64xf32, #tpu.memory_space<vmem>>) target_semaphore(%arg13 : memref<!tpu.dma_semaphore, #tpu.memory_space<semaphore_mem>>)
          %slice3A_399 = vector.extract_strided_slice %get3A_130 {offsets = [15], sizes = [1], strides = [1]} : vector<16xi32> to vector<1xi32>
          %squeeze3A_400 = vector.extract %slice3A_399[0] : i32 from vector<1xi32>
          %mul3A_401 = arith.constant 16 : i32
          %mul3A_402 = arith.muli %scan3A_123, %mul3A_401 : i32
          %add3A_403 = arith.constant 15 : i32
          %add3A_404 = arith.addi %mul3A_402, %add3A_403 : i32
          %dma_start3A_405 = arith.constant 0 : i32
          %dma_start3A_406 = tpu.memref_slice %arg10[%add3A_404, %dma_start3A_405] : memref<320x128xf32, #tpu.memory_space<vmem>> -> memref<1x64xf32, #tpu.memory_space<vmem>>
          %dma_start3A_407 = tpu.memref_squeeze %dma_start3A_406 : memref<1x64xf32, #tpu.memory_space<vmem>> -> memref<64xf32, #tpu.memory_space<vmem>>
          %dma_start3A_408 = arith.constant 0 : i32
          %dma_start3A_409 = tpu.memref_slice %arg4[%squeeze3A_400, %dma_start3A_408] : memref<1000000x64xf32, #tpu.memory_space<hbm>> -> memref<1x64xf32, #tpu.memory_space<hbm>>
          %dma_start3A_410 = tpu.memref_squeeze %dma_start3A_409 : memref<1x64xf32, #tpu.memory_space<hbm>> -> memref<64xf32, #tpu.memory_space<hbm>>
          %dma_start3A_411 = arith.constant 0 : i32
          %dma_start3A_412 = tpu.memref_slice %arg10[%add3A_404, %dma_start3A_411] : memref<320x128xf32, #tpu.memory_space<vmem>> -> memref<1x64xf32, #tpu.memory_space<vmem>>
          %dma_start3A_413 = tpu.memref_squeeze %dma_start3A_412 : memref<1x64xf32, #tpu.memory_space<vmem>> -> memref<64xf32, #tpu.memory_space<vmem>>
          %dma_start3A_414 = arith.constant 0 : i32
          %dma_start3A_415 = tpu.memref_slice %arg4[%squeeze3A_400, %dma_start3A_414] : memref<1000000x64xf32, #tpu.memory_space<hbm>> -> memref<1x64xf32, #tpu.memory_space<hbm>>
          %dma_start3A_416 = tpu.memref_squeeze %dma_start3A_415 : memref<1x64xf32, #tpu.memory_space<hbm>> -> memref<64xf32, #tpu.memory_space<hbm>>
          tpu.enqueue_dma source(%dma_start3A_416 : memref<64xf32, #tpu.memory_space<hbm>>) target(%dma_start3A_413 : memref<64xf32, #tpu.memory_space<vmem>>) target_semaphore(%arg13 : memref<!tpu.dma_semaphore, #tpu.memory_space<semaphore_mem>>)
          %scan3A_417 = arith.constant 0 : i32
          scf.yield %scan3A_417 : i32
        }
        %scan3A_122 = arith.constant 20 : i32
      } else {
      }
      %dma_wait3A_58 = tpu.memref_slice %arg8[%mul3A_48] : memref<6400xi32, #tpu.memory_space<vmem>> -> memref<320xi32, #tpu.memory_space<vmem>>
      %dma_wait3A_59 = arith.constant 0 : i32
      %dma_wait3A_60 = arith.constant 0 : i32
      %dma_wait3A_61 = tpu.memref_slice %arg11[%dma_wait3A_59, %dma_wait3A_60] : memref<200x128xf32, #tpu.memory_space<vmem_shared>> -> memref<200x128xf32, #tpu.memory_space<vmem_shared>>
      tpu.wait_indirect_dma semaphore(%arg14 : memref<!tpu.dma_semaphore, #tpu.memory_space<semaphore_mem>>) src(%dma_wait3A_61 : memref<200x128xf32, #tpu.memory_space<vmem_shared>>) dst(%arg9 : memref<320x128xf32, #tpu.memory_space<vmem>>)
      %mul3A_62 = arith.constant 320 : i32
      %mul3A_63 = arith.muli %add3A_34, %mul3A_62 : i32
      %add3A_64 = arith.addi %mul3A_2, %mul3A_63 : i32
      %dma_start3A_65 = arith.constant 0 : i32
      %dma_start3A_66 = tpu.memref_slice %arg6[%add3A_64, %dma_start3A_65] : memref<204800x128xf32, #tpu.memory_space<hbm>> -> memref<320x128xf32, #tpu.memory_space<hbm>>
      %dma_start3A_67 = arith.constant 0 : i32
      %dma_start3A_68 = tpu.memref_slice %arg6[%add3A_64, %dma_start3A_67] : memref<204800x128xf32, #tpu.memory_space<hbm>> -> memref<320x128xf32, #tpu.memory_space<hbm>>
      tpu.enqueue_dma source(%arg9 : memref<320x128xf32, #tpu.memory_space<vmem>>) target(%dma_start3A_68 : memref<320x128xf32, #tpu.memory_space<hbm>>) target_semaphore(%arg15 : memref<!tpu.dma_semaphore, #tpu.memory_space<semaphore_mem>>)
      %mul3A_69 = arith.constant 2 : i32
      %mul3A_70 = arith.muli %scan3A_29, %mul3A_69 : i32
      %add3A_71 = arith.constant 1 : i32
      %add3A_72 = arith.addi %mul3A_70, %add3A_71 : i32
      %dma_wait3A_73 = arith.constant 0 : i32
      %dma_wait3A_74 = arith.constant 0 : i32
      %dma_wait3A_75 = tpu.memref_slice %arg10[%dma_wait3A_73, %dma_wait3A_74] : memref<320x128xf32, #tpu.memory_space<vmem>> -> memref<160x128xf32, #tpu.memory_space<vmem>>
      %dma_wait3A_76 = arith.constant 0 : i32
      %dma_wait3A_77 = arith.constant 0 : i32
      %dma_wait3A_78 = tpu.memref_slice %arg6[%dma_wait3A_76, %dma_wait3A_77] : memref<204800x128xf32, #tpu.memory_space<hbm>> -> memref<160x128xf32, #tpu.memory_space<hbm>>
      %dma_wait3A_79 = arith.constant 0 : i32
      %dma_wait3A_80 = arith.constant 0 : i32
      %dma_wait3A_81 = tpu.memref_slice %arg10[%dma_wait3A_79, %dma_wait3A_80] : memref<320x128xf32, #tpu.memory_space<vmem>> -> memref<160x128xf32, #tpu.memory_space<vmem>>
      %dma_wait3A_82 = arith.constant 0 : i32
      %dma_wait3A_83 = arith.constant 0 : i32
      %dma_wait3A_84 = tpu.memref_slice %arg6[%dma_wait3A_82, %dma_wait3A_83] : memref<204800x128xf32, #tpu.memory_space<hbm>> -> memref<160x128xf32, #tpu.memory_space<hbm>>
      tpu.wait_dma2 semaphore(%arg13 : memref<!tpu.dma_semaphore, #tpu.memory_space<semaphore_mem>>) src(%dma_wait3A_84 : memref<160x128xf32, #tpu.memory_space<hbm>>) dst(%dma_wait3A_81 : memref<160x128xf32, #tpu.memory_space<vmem>>)
      %mul3A_85 = arith.constant 320 : i32
      %mul3A_86 = arith.muli %add3A_72, %mul3A_85 : i32
      %dma_start3A_87 = tpu.memref_slice %arg8[%mul3A_86] : memref<6400xi32, #tpu.memory_space<vmem>> -> memref<320xi32, #tpu.memory_space<vmem>>
      %dma_start3A_88 = arith.constant 0 : i32
      %dma_start3A_89 = arith.constant 0 : i32
      %dma_start3A_90 = tpu.memref_slice %arg11[%dma_start3A_88, %dma_start3A_89] : memref<200x128xf32, #tpu.memory_space<vmem_shared>> -> memref<200x128xf32, #tpu.memory_space<vmem_shared>>
      tpu.enqueue_indirect_dma source(%dma_start3A_90 : memref<200x128xf32, #tpu.memory_space<vmem_shared>>) target(%arg10 : memref<320x128xf32, #tpu.memory_space<vmem>>) offsets(%dma_start3A_87 : memref<320xi32, #tpu.memory_space<vmem>>) semaphore(%arg14 : memref<!tpu.dma_semaphore, #tpu.memory_space<semaphore_mem>>) {add = true}
      %add3A_91 = arith.constant 1 : i32
      %add3A_92 = arith.addi %add3A_72, %add3A_91 : i32
      %lt3A_93 = arith.constant 20 : i32
      %lt3A_94 = arith.cmpi slt, %add3A_92, %lt3A_93 : i32
      %convert_element_type3A_95 = arith.extui %lt3A_94 : i1 to i32
      %cond3A_96 = arith.constant 0 : i32
      %cond3A_97 = arith.cmpi ne, %convert_element_type3A_95, %cond3A_96 : i32
      scf.if %cond3A_97 {
        %ge3A = arith.constant 1 : i32
        %ge3A_110 = arith.cmpi sge, %add3A_72, %ge3A : i32
        %convert_element_type3A_111 = arith.extui %ge3A_110 : i1 to i32
        %cond3A_112 = arith.constant 0 : i32
        %cond3A_113 = arith.cmpi ne, %convert_element_type3A_111, %cond3A_112 : i32
        scf.if %cond3A_113 {
          %dma_wait3A_123 = arith.constant 0 : i32
          %dma_wait3A_124 = arith.constant 0 : i32
          %dma_wait3A_125 = tpu.memref_slice %arg6[%dma_wait3A_123, %dma_wait3A_124] : memref<204800x128xf32, #tpu.memory_space<hbm>> -> memref<320x128xf32, #tpu.memory_space<hbm>>
          %dma_wait3A_126 = arith.constant 0 : i32
          %dma_wait3A_127 = arith.constant 0 : i32
          %dma_wait3A_128 = tpu.memref_slice %arg6[%dma_wait3A_126, %dma_wait3A_127] : memref<204800x128xf32, #tpu.memory_space<hbm>> -> memref<320x128xf32, #tpu.memory_space<hbm>>
          tpu.wait_dma2 semaphore(%arg15 : memref<!tpu.dma_semaphore, #tpu.memory_space<semaphore_mem>>) src(%arg9 : memref<320x128xf32, #tpu.memory_space<vmem>>) dst(%dma_wait3A_128 : memref<320x128xf32, #tpu.memory_space<hbm>>)
        } else {
        }
        %add3A_114 = arith.constant 1 : i32
        %add3A_115 = arith.addi %add3A_72, %add3A_114 : i32
        %scan3A_116 = arith.constant 0 : i32
        %scan3A_117 = arith.constant 0 : i32
        %scan3A_118 = arith.constant 20 : i32
        %scan3A_119 = arith.addi %scan3A_117, %scan3A_118 : i32
        %scan3A_120 = arith.constant 1 : i32
        %scan3A_121 = scf.for %scan3A_123 = %scan3A_117 to %scan3A_119 step %scan3A_120 iter_args(%scan3A_124 = %scan3A_116) -> (i32)  : i32 {
          %mul3A_125 = arith.constant 320 : i32
          %mul3A_126 = arith.muli %add3A_115, %mul3A_125 : i32
          %mul3A_127 = arith.constant 16 : i32
          %mul3A_128 = arith.muli %scan3A_123, %mul3A_127 : i32
          %add3A_129 = arith.addi %mul3A_126, %mul3A_128 : i32
          %get3A = arith.index_cast %add3A_129 : i32 to index
          %get3A_130 = tpu.vector_load %arg7[%get3A] {strides = array<i32>} : memref<6400xi32, #tpu.memory_space<vmem>>, vector<16xi32>,
          %slice3A = vector.extract_strided_slice %get3A_130 {offsets = [0], sizes = [1], strides = [1]} : vector<16xi32> to vector<1xi32>
          %squeeze3A = vector.extract %slice3A[0] : i32 from vector<1xi32>
          %mul3A_131 = arith.constant 16 : i32
          %mul3A_132 = arith.muli %scan3A_123, %mul3A_131 : i32
          %add3A_133 = arith.constant 0 : i32
          %add3A_134 = arith.addi %mul3A_132, %add3A_133 : i32
          %dma_start3A_135 = arith.constant 0 : i32
          %dma_start3A_136 = tpu.memref_slice %arg9[%add3A_134, %dma_start3A_135] : memref<320x128xf32, #tpu.memory_space<vmem>> -> memref<1x64xf32, #tpu.memory_space<vmem>>
          %dma_start3A_137 = tpu.memref_squeeze %dma_start3A_136 : memref<1x64xf32, #tpu.memory_space<vmem>> -> memref<64xf32, #tpu.memory_space<vmem>>
          %dma_start3A_138 = arith.constant 0 : i32
          %dma_start3A_139 = tpu.memref_slice %arg4[%squeeze3A, %dma_start3A_138] : memref<1000000x64xf32, #tpu.memory_space<hbm>> -> memref<1x64xf32, #tpu.memory_space<hbm>>
          %dma_start3A_140 = tpu.memref_squeeze %dma_start3A_139 : memref<1x64xf32, #tpu.memory_space<hbm>> -> memref<64xf32, #tpu.memory_space<hbm>>
          %dma_start3A_141 = arith.constant 0 : i32
          %dma_start3A_142 = tpu.memref_slice %arg9[%add3A_134, %dma_start3A_141] : memref<320x128xf32, #tpu.memory_space<vmem>> -> memref<1x64xf32, #tpu.memory_space<vmem>>
          %dma_start3A_143 = tpu.memref_squeeze %dma_start3A_142 : memref<1x64xf32, #tpu.memory_space<vmem>> -> memref<64xf32, #tpu.memory_space<vmem>>
          %dma_start3A_144 = arith.constant 0 : i32
          %dma_start3A_145 = tpu.memref_slice %arg4[%squeeze3A, %dma_start3A_144] : memref<1000000x64xf32, #tpu.memory_space<hbm>> -> memref<1x64xf32, #tpu.memory_space<hbm>>
          %dma_start3A_146 = tpu.memref_squeeze %dma_start3A_145 : memref<1x64xf32, #tpu.memory_space<hbm>> -> memref<64xf32, #tpu.memory_space<hbm>>
          tpu.enqueue_dma source(%dma_start3A_146 : memref<64xf32, #tpu.memory_space<hbm>>) target(%dma_start3A_143 : memref<64xf32, #tpu.memory_space<vmem>>) target_semaphore(%arg12 : memref<!tpu.dma_semaphore, #tpu.memory_space<semaphore_mem>>)
          %slice3A_147 = vector.extract_strided_slice %get3A_130 {offsets = [1], sizes = [1], strides = [1]} : vector<16xi32> to vector<1xi32>
          %squeeze3A_148 = vector.extract %slice3A_147[0] : i32 from vector<1xi32>
          %mul3A_149 = arith.constant 16 : i32
          %mul3A_150 = arith.muli %scan3A_123, %mul3A_149 : i32
          %add3A_151 = arith.constant 1 : i32
          %add3A_152 = arith.addi %mul3A_150, %add3A_151 : i32
          %dma_start3A_153 = arith.constant 0 : i32
          %dma_start3A_154 = tpu.memref_slice %arg9[%add3A_152, %dma_start3A_153] : memref<320x128xf32, #tpu.memory_space<vmem>> -> memref<1x64xf32, #tpu.memory_space<vmem>>
          %dma_start3A_155 = tpu.memref_squeeze %dma_start3A_154 : memref<1x64xf32, #tpu.memory_space<vmem>> -> memref<64xf32, #tpu.memory_space<vmem>>
          %dma_start3A_156 = arith.constant 0 : i32
          %dma_start3A_157 = tpu.memref_slice %arg4[%squeeze3A_148, %dma_start3A_156] : memref<1000000x64xf32, #tpu.memory_space<hbm>> -> memref<1x64xf32, #tpu.memory_space<hbm>>
          %dma_start3A_158 = tpu.memref_squeeze %dma_start3A_157 : memref<1x64xf32, #tpu.memory_space<hbm>> -> memref<64xf32, #tpu.memory_space<hbm>>
          %dma_start3A_159 = arith.constant 0 : i32
          %dma_start3A_160 = tpu.memref_slice %arg9[%add3A_152, %dma_start3A_159] : memref<320x128xf32, #tpu.memory_space<vmem>> -> memref<1x64xf32, #tpu.memory_space<vmem>>
          %dma_start3A_161 = tpu.memref_squeeze %dma_start3A_160 : memref<1x64xf32, #tpu.memory_space<vmem>> -> memref<64xf32, #tpu.memory_space<vmem>>
          %dma_start3A_162 = arith.constant 0 : i32
          %dma_start3A_163 = tpu.memref_slice %arg4[%squeeze3A_148, %dma_start3A_162] : memref<1000000x64xf32, #tpu.memory_space<hbm>> -> memref<1x64xf32, #tpu.memory_space<hbm>>
          %dma_start3A_164 = tpu.memref_squeeze %dma_start3A_163 : memref<1x64xf32, #tpu.memory_space<hbm>> -> memref<64xf32, #tpu.memory_space<hbm>>
          tpu.enqueue_dma source(%dma_start3A_164 : memref<64xf32, #tpu.memory_space<hbm>>) target(%dma_start3A_161 : memref<64xf32, #tpu.memory_space<vmem>>) target_semaphore(%arg12 : memref<!tpu.dma_semaphore, #tpu.memory_space<semaphore_mem>>)
          %slice3A_165 = vector.extract_strided_slice %get3A_130 {offsets = [2], sizes = [1], strides = [1]} : vector<16xi32> to vector<1xi32>
          %squeeze3A_166 = vector.extract %slice3A_165[0] : i32 from vector<1xi32>
          %mul3A_167 = arith.constant 16 : i32
          %mul3A_168 = arith.muli %scan3A_123, %mul3A_167 : i32
          %add3A_169 = arith.constant 2 : i32
          %add3A_170 = arith.addi %mul3A_168, %add3A_169 : i32
          %dma_start3A_171 = arith.constant 0 : i32
          %dma_start3A_172 = tpu.memref_slice %arg9[%add3A_170, %dma_start3A_171] : memref<320x128xf32, #tpu.memory_space<vmem>> -> memref<1x64xf32, #tpu.memory_space<vmem>>
          %dma_start3A_173 = tpu.memref_squeeze %dma_start3A_172 : memref<1x64xf32, #tpu.memory_space<vmem>> -> memref<64xf32, #tpu.memory_space<vmem>>
          %dma_start3A_174 = arith.constant 0 : i32
          %dma_start3A_175 = tpu.memref_slice %arg4[%squeeze3A_166, %dma_start3A_174] : memref<1000000x64xf32, #tpu.memory_space<hbm>> -> memref<1x64xf32, #tpu.memory_space<hbm>>
          %dma_start3A_176 = tpu.memref_squeeze %dma_start3A_175 : memref<1x64xf32, #tpu.memory_space<hbm>> -> memref<64xf32, #tpu.memory_space<hbm>>
          %dma_start3A_177 = arith.constant 0 : i32
          %dma_start3A_178 = tpu.memref_slice %arg9[%add3A_170, %dma_start3A_177] : memref<320x128xf32, #tpu.memory_space<vmem>> -> memref<1x64xf32, #tpu.memory_space<vmem>>
          %dma_start3A_179 = tpu.memref_squeeze %dma_start3A_178 : memref<1x64xf32, #tpu.memory_space<vmem>> -> memref<64xf32, #tpu.memory_space<vmem>>
          %dma_start3A_180 = arith.constant 0 : i32
          %dma_start3A_181 = tpu.memref_slice %arg4[%squeeze3A_166, %dma_start3A_180] : memref<1000000x64xf32, #tpu.memory_space<hbm>> -> memref<1x64xf32, #tpu.memory_space<hbm>>
          %dma_start3A_182 = tpu.memref_squeeze %dma_start3A_181 : memref<1x64xf32, #tpu.memory_space<hbm>> -> memref<64xf32, #tpu.memory_space<hbm>>
          tpu.enqueue_dma source(%dma_start3A_182 : memref<64xf32, #tpu.memory_space<hbm>>) target(%dma_start3A_179 : memref<64xf32, #tpu.memory_space<vmem>>) target_semaphore(%arg12 : memref<!tpu.dma_semaphore, #tpu.memory_space<semaphore_mem>>)
          %slice3A_183 = vector.extract_strided_slice %get3A_130 {offsets = [3], sizes = [1], strides = [1]} : vector<16xi32> to vector<1xi32>
          %squeeze3A_184 = vector.extract %slice3A_183[0] : i32 from vector<1xi32>
          %mul3A_185 = arith.constant 16 : i32
          %mul3A_186 = arith.muli %scan3A_123, %mul3A_185 : i32
          %add3A_187 = arith.constant 3 : i32
          %add3A_188 = arith.addi %mul3A_186, %add3A_187 : i32
          %dma_start3A_189 = arith.constant 0 : i32
          %dma_start3A_190 = tpu.memref_slice %arg9[%add3A_188, %dma_start3A_189] : memref<320x128xf32, #tpu.memory_space<vmem>> -> memref<1x64xf32, #tpu.memory_space<vmem>>
          %dma_start3A_191 = tpu.memref_squeeze %dma_start3A_190 : memref<1x64xf32, #tpu.memory_space<vmem>> -> memref<64xf32, #tpu.memory_space<vmem>>
          %dma_start3A_192 = arith.constant 0 : i32
          %dma_start3A_193 = tpu.memref_slice %arg4[%squeeze3A_184, %dma_start3A_192] : memref<1000000x64xf32, #tpu.memory_space<hbm>> -> memref<1x64xf32, #tpu.memory_space<hbm>>
          %dma_start3A_194 = tpu.memref_squeeze %dma_start3A_193 : memref<1x64xf32, #tpu.memory_space<hbm>> -> memref<64xf32, #tpu.memory_space<hbm>>
          %dma_start3A_195 = arith.constant 0 : i32
          %dma_start3A_196 = tpu.memref_slice %arg9[%add3A_188, %dma_start3A_195] : memref<320x128xf32, #tpu.memory_space<vmem>> -> memref<1x64xf32, #tpu.memory_space<vmem>>
          %dma_start3A_197 = tpu.memref_squeeze %dma_start3A_196 : memref<1x64xf32, #tpu.memory_space<vmem>> -> memref<64xf32, #tpu.memory_space<vmem>>
          %dma_start3A_198 = arith.constant 0 : i32
          %dma_start3A_199 = tpu.memref_slice %arg4[%squeeze3A_184, %dma_start3A_198] : memref<1000000x64xf32, #tpu.memory_space<hbm>> -> memref<1x64xf32, #tpu.memory_space<hbm>>
          %dma_start3A_200 = tpu.memref_squeeze %dma_start3A_199 : memref<1x64xf32, #tpu.memory_space<hbm>> -> memref<64xf32, #tpu.memory_space<hbm>>
          tpu.enqueue_dma source(%dma_start3A_200 : memref<64xf32, #tpu.memory_space<hbm>>) target(%dma_start3A_197 : memref<64xf32, #tpu.memory_space<vmem>>) target_semaphore(%arg12 : memref<!tpu.dma_semaphore, #tpu.memory_space<semaphore_mem>>)
          %slice3A_201 = vector.extract_strided_slice %get3A_130 {offsets = [4], sizes = [1], strides = [1]} : vector<16xi32> to vector<1xi32>
          %squeeze3A_202 = vector.extract %slice3A_201[0] : i32 from vector<1xi32>
          %mul3A_203 = arith.constant 16 : i32
          %mul3A_204 = arith.muli %scan3A_123, %mul3A_203 : i32
          %add3A_205 = arith.constant 4 : i32
          %add3A_206 = arith.addi %mul3A_204, %add3A_205 : i32
          %dma_start3A_207 = arith.constant 0 : i32
          %dma_start3A_208 = tpu.memref_slice %arg9[%add3A_206, %dma_start3A_207] : memref<320x128xf32, #tpu.memory_space<vmem>> -> memref<1x64xf32, #tpu.memory_space<vmem>>
          %dma_start3A_209 = tpu.memref_squeeze %dma_start3A_208 : memref<1x64xf32, #tpu.memory_space<vmem>> -> memref<64xf32, #tpu.memory_space<vmem>>
          %dma_start3A_210 = arith.constant 0 : i32
          %dma_start3A_211 = tpu.memref_slice %arg4[%squeeze3A_202, %dma_start3A_210] : memref<1000000x64xf32, #tpu.memory_space<hbm>> -> memref<1x64xf32, #tpu.memory_space<hbm>>
          %dma_start3A_212 = tpu.memref_squeeze %dma_start3A_211 : memref<1x64xf32, #tpu.memory_space<hbm>> -> memref<64xf32, #tpu.memory_space<hbm>>
          %dma_start3A_213 = arith.constant 0 : i32
          %dma_start3A_214 = tpu.memref_slice %arg9[%add3A_206, %dma_start3A_213] : memref<320x128xf32, #tpu.memory_space<vmem>> -> memref<1x64xf32, #tpu.memory_space<vmem>>
          %dma_start3A_215 = tpu.memref_squeeze %dma_start3A_214 : memref<1x64xf32, #tpu.memory_space<vmem>> -> memref<64xf32, #tpu.memory_space<vmem>>
          %dma_start3A_216 = arith.constant 0 : i32
          %dma_start3A_217 = tpu.memref_slice %arg4[%squeeze3A_202, %dma_start3A_216] : memref<1000000x64xf32, #tpu.memory_space<hbm>> -> memref<1x64xf32, #tpu.memory_space<hbm>>
          %dma_start3A_218 = tpu.memref_squeeze %dma_start3A_217 : memref<1x64xf32, #tpu.memory_space<hbm>> -> memref<64xf32, #tpu.memory_space<hbm>>
          tpu.enqueue_dma source(%dma_start3A_218 : memref<64xf32, #tpu.memory_space<hbm>>) target(%dma_start3A_215 : memref<64xf32, #tpu.memory_space<vmem>>) target_semaphore(%arg12 : memref<!tpu.dma_semaphore, #tpu.memory_space<semaphore_mem>>)
          %slice3A_219 = vector.extract_strided_slice %get3A_130 {offsets = [5], sizes = [1], strides = [1]} : vector<16xi32> to vector<1xi32>
          %squeeze3A_220 = vector.extract %slice3A_219[0] : i32 from vector<1xi32>
          %mul3A_221 = arith.constant 16 : i32
          %mul3A_222 = arith.muli %scan3A_123, %mul3A_221 : i32
          %add3A_223 = arith.constant 5 : i32
          %add3A_224 = arith.addi %mul3A_222, %add3A_223 : i32
          %dma_start3A_225 = arith.constant 0 : i32
          %dma_start3A_226 = tpu.memref_slice %arg9[%add3A_224, %dma_start3A_225] : memref<320x128xf32, #tpu.memory_space<vmem>> -> memref<1x64xf32, #tpu.memory_space<vmem>>
          %dma_start3A_227 = tpu.memref_squeeze %dma_start3A_226 : memref<1x64xf32, #tpu.memory_space<vmem>> -> memref<64xf32, #tpu.memory_space<vmem>>
          %dma_start3A_228 = arith.constant 0 : i32
          %dma_start3A_229 = tpu.memref_slice %arg4[%squeeze3A_220, %dma_start3A_228] : memref<1000000x64xf32, #tpu.memory_space<hbm>> -> memref<1x64xf32, #tpu.memory_space<hbm>>
          %dma_start3A_230 = tpu.memref_squeeze %dma_start3A_229 : memref<1x64xf32, #tpu.memory_space<hbm>> -> memref<64xf32, #tpu.memory_space<hbm>>
          %dma_start3A_231 = arith.constant 0 : i32
          %dma_start3A_232 = tpu.memref_slice %arg9[%add3A_224, %dma_start3A_231] : memref<320x128xf32, #tpu.memory_space<vmem>> -> memref<1x64xf32, #tpu.memory_space<vmem>>
          %dma_start3A_233 = tpu.memref_squeeze %dma_start3A_232 : memref<1x64xf32, #tpu.memory_space<vmem>> -> memref<64xf32, #tpu.memory_space<vmem>>
          %dma_start3A_234 = arith.constant 0 : i32
          %dma_start3A_235 = tpu.memref_slice %arg4[%squeeze3A_220, %dma_start3A_234] : memref<1000000x64xf32, #tpu.memory_space<hbm>> -> memref<1x64xf32, #tpu.memory_space<hbm>>
          %dma_start3A_236 = tpu.memref_squeeze %dma_start3A_235 : memref<1x64xf32, #tpu.memory_space<hbm>> -> memref<64xf32, #tpu.memory_space<hbm>>
          tpu.enqueue_dma source(%dma_start3A_236 : memref<64xf32, #tpu.memory_space<hbm>>) target(%dma_start3A_233 : memref<64xf32, #tpu.memory_space<vmem>>) target_semaphore(%arg12 : memref<!tpu.dma_semaphore, #tpu.memory_space<semaphore_mem>>)
          %slice3A_237 = vector.extract_strided_slice %get3A_130 {offsets = [6], sizes = [1], strides = [1]} : vector<16xi32> to vector<1xi32>
          %squeeze3A_238 = vector.extract %slice3A_237[0] : i32 from vector<1xi32>
          %mul3A_239 = arith.constant 16 : i32
          %mul3A_240 = arith.muli %scan3A_123, %mul3A_239 : i32
          %add3A_241 = arith.constant 6 : i32
          %add3A_242 = arith.addi %mul3A_240, %add3A_241 : i32
          %dma_start3A_243 = arith.constant 0 : i32
          %dma_start3A_244 = tpu.memref_slice %arg9[%add3A_242, %dma_start3A_243] : memref<320x128xf32, #tpu.memory_space<vmem>> -> memref<1x64xf32, #tpu.memory_space<vmem>>
          %dma_start3A_245 = tpu.memref_squeeze %dma_start3A_244 : memref<1x64xf32, #tpu.memory_space<vmem>> -> memref<64xf32, #tpu.memory_space<vmem>>
          %dma_start3A_246 = arith.constant 0 : i32
          %dma_start3A_247 = tpu.memref_slice %arg4[%squeeze3A_238, %dma_start3A_246] : memref<1000000x64xf32, #tpu.memory_space<hbm>> -> memref<1x64xf32, #tpu.memory_space<hbm>>
          %dma_start3A_248 = tpu.memref_squeeze %dma_start3A_247 : memref<1x64xf32, #tpu.memory_space<hbm>> -> memref<64xf32, #tpu.memory_space<hbm>>
          %dma_start3A_249 = arith.constant 0 : i32
          %dma_start3A_250 = tpu.memref_slice %arg9[%add3A_242, %dma_start3A_249] : memref<320x128xf32, #tpu.memory_space<vmem>> -> memref<1x64xf32, #tpu.memory_space<vmem>>
          %dma_start3A_251 = tpu.memref_squeeze %dma_start3A_250 : memref<1x64xf32, #tpu.memory_space<vmem>> -> memref<64xf32, #tpu.memory_space<vmem>>
          %dma_start3A_252 = arith.constant 0 : i32
          %dma_start3A_253 = tpu.memref_slice %arg4[%squeeze3A_238, %dma_start3A_252] : memref<1000000x64xf32, #tpu.memory_space<hbm>> -> memref<1x64xf32, #tpu.memory_space<hbm>>
          %dma_start3A_254 = tpu.memref_squeeze %dma_start3A_253 : memref<1x64xf32, #tpu.memory_space<hbm>> -> memref<64xf32, #tpu.memory_space<hbm>>
          tpu.enqueue_dma source(%dma_start3A_254 : memref<64xf32, #tpu.memory_space<hbm>>) target(%dma_start3A_251 : memref<64xf32, #tpu.memory_space<vmem>>) target_semaphore(%arg12 : memref<!tpu.dma_semaphore, #tpu.memory_space<semaphore_mem>>)
          %slice3A_255 = vector.extract_strided_slice %get3A_130 {offsets = [7], sizes = [1], strides = [1]} : vector<16xi32> to vector<1xi32>
          %squeeze3A_256 = vector.extract %slice3A_255[0] : i32 from vector<1xi32>
          %mul3A_257 = arith.constant 16 : i32
          %mul3A_258 = arith.muli %scan3A_123, %mul3A_257 : i32
          %add3A_259 = arith.constant 7 : i32
          %add3A_260 = arith.addi %mul3A_258, %add3A_259 : i32
          %dma_start3A_261 = arith.constant 0 : i32
          %dma_start3A_262 = tpu.memref_slice %arg9[%add3A_260, %dma_start3A_261] : memref<320x128xf32, #tpu.memory_space<vmem>> -> memref<1x64xf32, #tpu.memory_space<vmem>>
          %dma_start3A_263 = tpu.memref_squeeze %dma_start3A_262 : memref<1x64xf32, #tpu.memory_space<vmem>> -> memref<64xf32, #tpu.memory_space<vmem>>
          %dma_start3A_264 = arith.constant 0 : i32
          %dma_start3A_265 = tpu.memref_slice %arg4[%squeeze3A_256, %dma_start3A_264] : memref<1000000x64xf32, #tpu.memory_space<hbm>> -> memref<1x64xf32, #tpu.memory_space<hbm>>
          %dma_start3A_266 = tpu.memref_squeeze %dma_start3A_265 : memref<1x64xf32, #tpu.memory_space<hbm>> -> memref<64xf32, #tpu.memory_space<hbm>>
          %dma_start3A_267 = arith.constant 0 : i32
          %dma_start3A_268 = tpu.memref_slice %arg9[%add3A_260, %dma_start3A_267] : memref<320x128xf32, #tpu.memory_space<vmem>> -> memref<1x64xf32, #tpu.memory_space<vmem>>
          %dma_start3A_269 = tpu.memref_squeeze %dma_start3A_268 : memref<1x64xf32, #tpu.memory_space<vmem>> -> memref<64xf32, #tpu.memory_space<vmem>>
          %dma_start3A_270 = arith.constant 0 : i32
          %dma_start3A_271 = tpu.memref_slice %arg4[%squeeze3A_256, %dma_start3A_270] : memref<1000000x64xf32, #tpu.memory_space<hbm>> -> memref<1x64xf32, #tpu.memory_space<hbm>>
          %dma_start3A_272 = tpu.memref_squeeze %dma_start3A_271 : memref<1x64xf32, #tpu.memory_space<hbm>> -> memref<64xf32, #tpu.memory_space<hbm>>
          tpu.enqueue_dma source(%dma_start3A_272 : memref<64xf32, #tpu.memory_space<hbm>>) target(%dma_start3A_269 : memref<64xf32, #tpu.memory_space<vmem>>) target_semaphore(%arg12 : memref<!tpu.dma_semaphore, #tpu.memory_space<semaphore_mem>>)
          %slice3A_273 = vector.extract_strided_slice %get3A_130 {offsets = [8], sizes = [1], strides = [1]} : vector<16xi32> to vector<1xi32>
          %squeeze3A_274 = vector.extract %slice3A_273[0] : i32 from vector<1xi32>
          %mul3A_275 = arith.constant 16 : i32
          %mul3A_276 = arith.muli %scan3A_123, %mul3A_275 : i32
          %add3A_277 = arith.constant 8 : i32
          %add3A_278 = arith.addi %mul3A_276, %add3A_277 : i32
          %dma_start3A_279 = arith.constant 0 : i32
          %dma_start3A_280 = tpu.memref_slice %arg9[%add3A_278, %dma_start3A_279] : memref<320x128xf32, #tpu.memory_space<vmem>> -> memref<1x64xf32, #tpu.memory_space<vmem>>
          %dma_start3A_281 = tpu.memref_squeeze %dma_start3A_280 : memref<1x64xf32, #tpu.memory_space<vmem>> -> memref<64xf32, #tpu.memory_space<vmem>>
          %dma_start3A_282 = arith.constant 0 : i32
          %dma_start3A_283 = tpu.memref_slice %arg4[%squeeze3A_274, %dma_start3A_282] : memref<1000000x64xf32, #tpu.memory_space<hbm>> -> memref<1x64xf32, #tpu.memory_space<hbm>>
          %dma_start3A_284 = tpu.memref_squeeze %dma_start3A_283 : memref<1x64xf32, #tpu.memory_space<hbm>> -> memref<64xf32, #tpu.memory_space<hbm>>
          %dma_start3A_285 = arith.constant 0 : i32
          %dma_start3A_286 = tpu.memref_slice %arg9[%add3A_278, %dma_start3A_285] : memref<320x128xf32, #tpu.memory_space<vmem>> -> memref<1x64xf32, #tpu.memory_space<vmem>>
          %dma_start3A_287 = tpu.memref_squeeze %dma_start3A_286 : memref<1x64xf32, #tpu.memory_space<vmem>> -> memref<64xf32, #tpu.memory_space<vmem>>
          %dma_start3A_288 = arith.constant 0 : i32
          %dma_start3A_289 = tpu.memref_slice %arg4[%squeeze3A_274, %dma_start3A_288] : memref<1000000x64xf32, #tpu.memory_space<hbm>> -> memref<1x64xf32, #tpu.memory_space<hbm>>
          %dma_start3A_290 = tpu.memref_squeeze %dma_start3A_289 : memref<1x64xf32, #tpu.memory_space<hbm>> -> memref<64xf32, #tpu.memory_space<hbm>>
          tpu.enqueue_dma source(%dma_start3A_290 : memref<64xf32, #tpu.memory_space<hbm>>) target(%dma_start3A_287 : memref<64xf32, #tpu.memory_space<vmem>>) target_semaphore(%arg12 : memref<!tpu.dma_semaphore, #tpu.memory_space<semaphore_mem>>)
          %slice3A_291 = vector.extract_strided_slice %get3A_130 {offsets = [9], sizes = [1], strides = [1]} : vector<16xi32> to vector<1xi32>
          %squeeze3A_292 = vector.extract %slice3A_291[0] : i32 from vector<1xi32>
          %mul3A_293 = arith.constant 16 : i32
          %mul3A_294 = arith.muli %scan3A_123, %mul3A_293 : i32
          %add3A_295 = arith.constant 9 : i32
          %add3A_296 = arith.addi %mul3A_294, %add3A_295 : i32
          %dma_start3A_297 = arith.constant 0 : i32
          %dma_start3A_298 = tpu.memref_slice %arg9[%add3A_296, %dma_start3A_297] : memref<320x128xf32, #tpu.memory_space<vmem>> -> memref<1x64xf32, #tpu.memory_space<vmem>>
          %dma_start3A_299 = tpu.memref_squeeze %dma_start3A_298 : memref<1x64xf32, #tpu.memory_space<vmem>> -> memref<64xf32, #tpu.memory_space<vmem>>
          %dma_start3A_300 = arith.constant 0 : i32
          %dma_start3A_301 = tpu.memref_slice %arg4[%squeeze3A_292, %dma_start3A_300] : memref<1000000x64xf32, #tpu.memory_space<hbm>> -> memref<1x64xf32, #tpu.memory_space<hbm>>
          %dma_start3A_302 = tpu.memref_squeeze %dma_start3A_301 : memref<1x64xf32, #tpu.memory_space<hbm>> -> memref<64xf32, #tpu.memory_space<hbm>>
          %dma_start3A_303 = arith.constant 0 : i32
          %dma_start3A_304 = tpu.memref_slice %arg9[%add3A_296, %dma_start3A_303] : memref<320x128xf32, #tpu.memory_space<vmem>> -> memref<1x64xf32, #tpu.memory_space<vmem>>
          %dma_start3A_305 = tpu.memref_squeeze %dma_start3A_304 : memref<1x64xf32, #tpu.memory_space<vmem>> -> memref<64xf32, #tpu.memory_space<vmem>>
          %dma_start3A_306 = arith.constant 0 : i32
          %dma_start3A_307 = tpu.memref_slice %arg4[%squeeze3A_292, %dma_start3A_306] : memref<1000000x64xf32, #tpu.memory_space<hbm>> -> memref<1x64xf32, #tpu.memory_space<hbm>>
          %dma_start3A_308 = tpu.memref_squeeze %dma_start3A_307 : memref<1x64xf32, #tpu.memory_space<hbm>> -> memref<64xf32, #tpu.memory_space<hbm>>
          tpu.enqueue_dma source(%dma_start3A_308 : memref<64xf32, #tpu.memory_space<hbm>>) target(%dma_start3A_305 : memref<64xf32, #tpu.memory_space<vmem>>) target_semaphore(%arg12 : memref<!tpu.dma_semaphore, #tpu.memory_space<semaphore_mem>>)
          %slice3A_309 = vector.extract_strided_slice %get3A_130 {offsets = [10], sizes = [1], strides = [1]} : vector<16xi32> to vector<1xi32>
          %squeeze3A_310 = vector.extract %slice3A_309[0] : i32 from vector<1xi32>
          %mul3A_311 = arith.constant 16 : i32
          %mul3A_312 = arith.muli %scan3A_123, %mul3A_311 : i32
          %add3A_313 = arith.constant 10 : i32
          %add3A_314 = arith.addi %mul3A_312, %add3A_313 : i32
          %dma_start3A_315 = arith.constant 0 : i32
          %dma_start3A_316 = tpu.memref_slice %arg9[%add3A_314, %dma_start3A_315] : memref<320x128xf32, #tpu.memory_space<vmem>> -> memref<1x64xf32, #tpu.memory_space<vmem>>
          %dma_start3A_317 = tpu.memref_squeeze %dma_start3A_316 : memref<1x64xf32, #tpu.memory_space<vmem>> -> memref<64xf32, #tpu.memory_space<vmem>>
          %dma_start3A_318 = arith.constant 0 : i32
          %dma_start3A_319 = tpu.memref_slice %arg4[%squeeze3A_310, %dma_start3A_318] : memref<1000000x64xf32, #tpu.memory_space<hbm>> -> memref<1x64xf32, #tpu.memory_space<hbm>>
          %dma_start3A_320 = tpu.memref_squeeze %dma_start3A_319 : memref<1x64xf32, #tpu.memory_space<hbm>> -> memref<64xf32, #tpu.memory_space<hbm>>
          %dma_start3A_321 = arith.constant 0 : i32
          %dma_start3A_322 = tpu.memref_slice %arg9[%add3A_314, %dma_start3A_321] : memref<320x128xf32, #tpu.memory_space<vmem>> -> memref<1x64xf32, #tpu.memory_space<vmem>>
          %dma_start3A_323 = tpu.memref_squeeze %dma_start3A_322 : memref<1x64xf32, #tpu.memory_space<vmem>> -> memref<64xf32, #tpu.memory_space<vmem>>
          %dma_start3A_324 = arith.constant 0 : i32
          %dma_start3A_325 = tpu.memref_slice %arg4[%squeeze3A_310, %dma_start3A_324] : memref<1000000x64xf32, #tpu.memory_space<hbm>> -> memref<1x64xf32, #tpu.memory_space<hbm>>
          %dma_start3A_326 = tpu.memref_squeeze %dma_start3A_325 : memref<1x64xf32, #tpu.memory_space<hbm>> -> memref<64xf32, #tpu.memory_space<hbm>>
          tpu.enqueue_dma source(%dma_start3A_326 : memref<64xf32, #tpu.memory_space<hbm>>) target(%dma_start3A_323 : memref<64xf32, #tpu.memory_space<vmem>>) target_semaphore(%arg12 : memref<!tpu.dma_semaphore, #tpu.memory_space<semaphore_mem>>)
          %slice3A_327 = vector.extract_strided_slice %get3A_130 {offsets = [11], sizes = [1], strides = [1]} : vector<16xi32> to vector<1xi32>
          %squeeze3A_328 = vector.extract %slice3A_327[0] : i32 from vector<1xi32>
          %mul3A_329 = arith.constant 16 : i32
          %mul3A_330 = arith.muli %scan3A_123, %mul3A_329 : i32
          %add3A_331 = arith.constant 11 : i32
          %add3A_332 = arith.addi %mul3A_330, %add3A_331 : i32
          %dma_start3A_333 = arith.constant 0 : i32
          %dma_start3A_334 = tpu.memref_slice %arg9[%add3A_332, %dma_start3A_333] : memref<320x128xf32, #tpu.memory_space<vmem>> -> memref<1x64xf32, #tpu.memory_space<vmem>>
          %dma_start3A_335 = tpu.memref_squeeze %dma_start3A_334 : memref<1x64xf32, #tpu.memory_space<vmem>> -> memref<64xf32, #tpu.memory_space<vmem>>
          %dma_start3A_336 = arith.constant 0 : i32
          %dma_start3A_337 = tpu.memref_slice %arg4[%squeeze3A_328, %dma_start3A_336] : memref<1000000x64xf32, #tpu.memory_space<hbm>> -> memref<1x64xf32, #tpu.memory_space<hbm>>
          %dma_start3A_338 = tpu.memref_squeeze %dma_start3A_337 : memref<1x64xf32, #tpu.memory_space<hbm>> -> memref<64xf32, #tpu.memory_space<hbm>>
          %dma_start3A_339 = arith.constant 0 : i32
          %dma_start3A_340 = tpu.memref_slice %arg9[%add3A_332, %dma_start3A_339] : memref<320x128xf32, #tpu.memory_space<vmem>> -> memref<1x64xf32, #tpu.memory_space<vmem>>
          %dma_start3A_341 = tpu.memref_squeeze %dma_start3A_340 : memref<1x64xf32, #tpu.memory_space<vmem>> -> memref<64xf32, #tpu.memory_space<vmem>>
          %dma_start3A_342 = arith.constant 0 : i32
          %dma_start3A_343 = tpu.memref_slice %arg4[%squeeze3A_328, %dma_start3A_342] : memref<1000000x64xf32, #tpu.memory_space<hbm>> -> memref<1x64xf32, #tpu.memory_space<hbm>>
          %dma_start3A_344 = tpu.memref_squeeze %dma_start3A_343 : memref<1x64xf32, #tpu.memory_space<hbm>> -> memref<64xf32, #tpu.memory_space<hbm>>
          tpu.enqueue_dma source(%dma_start3A_344 : memref<64xf32, #tpu.memory_space<hbm>>) target(%dma_start3A_341 : memref<64xf32, #tpu.memory_space<vmem>>) target_semaphore(%arg12 : memref<!tpu.dma_semaphore, #tpu.memory_space<semaphore_mem>>)
          %slice3A_345 = vector.extract_strided_slice %get3A_130 {offsets = [12], sizes = [1], strides = [1]} : vector<16xi32> to vector<1xi32>
          %squeeze3A_346 = vector.extract %slice3A_345[0] : i32 from vector<1xi32>
          %mul3A_347 = arith.constant 16 : i32
          %mul3A_348 = arith.muli %scan3A_123, %mul3A_347 : i32
          %add3A_349 = arith.constant 12 : i32
          %add3A_350 = arith.addi %mul3A_348, %add3A_349 : i32
          %dma_start3A_351 = arith.constant 0 : i32
          %dma_start3A_352 = tpu.memref_slice %arg9[%add3A_350, %dma_start3A_351] : memref<320x128xf32, #tpu.memory_space<vmem>> -> memref<1x64xf32, #tpu.memory_space<vmem>>
          %dma_start3A_353 = tpu.memref_squeeze %dma_start3A_352 : memref<1x64xf32, #tpu.memory_space<vmem>> -> memref<64xf32, #tpu.memory_space<vmem>>
          %dma_start3A_354 = arith.constant 0 : i32
          %dma_start3A_355 = tpu.memref_slice %arg4[%squeeze3A_346, %dma_start3A_354] : memref<1000000x64xf32, #tpu.memory_space<hbm>> -> memref<1x64xf32, #tpu.memory_space<hbm>>
          %dma_start3A_356 = tpu.memref_squeeze %dma_start3A_355 : memref<1x64xf32, #tpu.memory_space<hbm>> -> memref<64xf32, #tpu.memory_space<hbm>>
          %dma_start3A_357 = arith.constant 0 : i32
          %dma_start3A_358 = tpu.memref_slice %arg9[%add3A_350, %dma_start3A_357] : memref<320x128xf32, #tpu.memory_space<vmem>> -> memref<1x64xf32, #tpu.memory_space<vmem>>
          %dma_start3A_359 = tpu.memref_squeeze %dma_start3A_358 : memref<1x64xf32, #tpu.memory_space<vmem>> -> memref<64xf32, #tpu.memory_space<vmem>>
          %dma_start3A_360 = arith.constant 0 : i32
          %dma_start3A_361 = tpu.memref_slice %arg4[%squeeze3A_346, %dma_start3A_360] : memref<1000000x64xf32, #tpu.memory_space<hbm>> -> memref<1x64xf32, #tpu.memory_space<hbm>>
          %dma_start3A_362 = tpu.memref_squeeze %dma_start3A_361 : memref<1x64xf32, #tpu.memory_space<hbm>> -> memref<64xf32, #tpu.memory_space<hbm>>
          tpu.enqueue_dma source(%dma_start3A_362 : memref<64xf32, #tpu.memory_space<hbm>>) target(%dma_start3A_359 : memref<64xf32, #tpu.memory_space<vmem>>) target_semaphore(%arg12 : memref<!tpu.dma_semaphore, #tpu.memory_space<semaphore_mem>>)
          %slice3A_363 = vector.extract_strided_slice %get3A_130 {offsets = [13], sizes = [1], strides = [1]} : vector<16xi32> to vector<1xi32>
          %squeeze3A_364 = vector.extract %slice3A_363[0] : i32 from vector<1xi32>
          %mul3A_365 = arith.constant 16 : i32
          %mul3A_366 = arith.muli %scan3A_123, %mul3A_365 : i32
          %add3A_367 = arith.constant 13 : i32
          %add3A_368 = arith.addi %mul3A_366, %add3A_367 : i32
          %dma_start3A_369 = arith.constant 0 : i32
          %dma_start3A_370 = tpu.memref_slice %arg9[%add3A_368, %dma_start3A_369] : memref<320x128xf32, #tpu.memory_space<vmem>> -> memref<1x64xf32, #tpu.memory_space<vmem>>
          %dma_start3A_371 = tpu.memref_squeeze %dma_start3A_370 : memref<1x64xf32, #tpu.memory_space<vmem>> -> memref<64xf32, #tpu.memory_space<vmem>>
          %dma_start3A_372 = arith.constant 0 : i32
          %dma_start3A_373 = tpu.memref_slice %arg4[%squeeze3A_364, %dma_start3A_372] : memref<1000000x64xf32, #tpu.memory_space<hbm>> -> memref<1x64xf32, #tpu.memory_space<hbm>>
          %dma_start3A_374 = tpu.memref_squeeze %dma_start3A_373 : memref<1x64xf32, #tpu.memory_space<hbm>> -> memref<64xf32, #tpu.memory_space<hbm>>
          %dma_start3A_375 = arith.constant 0 : i32
          %dma_start3A_376 = tpu.memref_slice %arg9[%add3A_368, %dma_start3A_375] : memref<320x128xf32, #tpu.memory_space<vmem>> -> memref<1x64xf32, #tpu.memory_space<vmem>>
          %dma_start3A_377 = tpu.memref_squeeze %dma_start3A_376 : memref<1x64xf32, #tpu.memory_space<vmem>> -> memref<64xf32, #tpu.memory_space<vmem>>
          %dma_start3A_378 = arith.constant 0 : i32
          %dma_start3A_379 = tpu.memref_slice %arg4[%squeeze3A_364, %dma_start3A_378] : memref<1000000x64xf32, #tpu.memory_space<hbm>> -> memref<1x64xf32, #tpu.memory_space<hbm>>
          %dma_start3A_380 = tpu.memref_squeeze %dma_start3A_379 : memref<1x64xf32, #tpu.memory_space<hbm>> -> memref<64xf32, #tpu.memory_space<hbm>>
          tpu.enqueue_dma source(%dma_start3A_380 : memref<64xf32, #tpu.memory_space<hbm>>) target(%dma_start3A_377 : memref<64xf32, #tpu.memory_space<vmem>>) target_semaphore(%arg12 : memref<!tpu.dma_semaphore, #tpu.memory_space<semaphore_mem>>)
          %slice3A_381 = vector.extract_strided_slice %get3A_130 {offsets = [14], sizes = [1], strides = [1]} : vector<16xi32> to vector<1xi32>
          %squeeze3A_382 = vector.extract %slice3A_381[0] : i32 from vector<1xi32>
          %mul3A_383 = arith.constant 16 : i32
          %mul3A_384 = arith.muli %scan3A_123, %mul3A_383 : i32
          %add3A_385 = arith.constant 14 : i32
          %add3A_386 = arith.addi %mul3A_384, %add3A_385 : i32
          %dma_start3A_387 = arith.constant 0 : i32
          %dma_start3A_388 = tpu.memref_slice %arg9[%add3A_386, %dma_start3A_387] : memref<320x128xf32, #tpu.memory_space<vmem>> -> memref<1x64xf32, #tpu.memory_space<vmem>>
          %dma_start3A_389 = tpu.memref_squeeze %dma_start3A_388 : memref<1x64xf32, #tpu.memory_space<vmem>> -> memref<64xf32, #tpu.memory_space<vmem>>
          %dma_start3A_390 = arith.constant 0 : i32
          %dma_start3A_391 = tpu.memref_slice %arg4[%squeeze3A_382, %dma_start3A_390] : memref<1000000x64xf32, #tpu.memory_space<hbm>> -> memref<1x64xf32, #tpu.memory_space<hbm>>
          %dma_start3A_392 = tpu.memref_squeeze %dma_start3A_391 : memref<1x64xf32, #tpu.memory_space<hbm>> -> memref<64xf32, #tpu.memory_space<hbm>>
          %dma_start3A_393 = arith.constant 0 : i32
          %dma_start3A_394 = tpu.memref_slice %arg9[%add3A_386, %dma_start3A_393] : memref<320x128xf32, #tpu.memory_space<vmem>> -> memref<1x64xf32, #tpu.memory_space<vmem>>
          %dma_start3A_395 = tpu.memref_squeeze %dma_start3A_394 : memref<1x64xf32, #tpu.memory_space<vmem>> -> memref<64xf32, #tpu.memory_space<vmem>>
          %dma_start3A_396 = arith.constant 0 : i32
          %dma_start3A_397 = tpu.memref_slice %arg4[%squeeze3A_382, %dma_start3A_396] : memref<1000000x64xf32, #tpu.memory_space<hbm>> -> memref<1x64xf32, #tpu.memory_space<hbm>>
          %dma_start3A_398 = tpu.memref_squeeze %dma_start3A_397 : memref<1x64xf32, #tpu.memory_space<hbm>> -> memref<64xf32, #tpu.memory_space<hbm>>
          tpu.enqueue_dma source(%dma_start3A_398 : memref<64xf32, #tpu.memory_space<hbm>>) target(%dma_start3A_395 : memref<64xf32, #tpu.memory_space<vmem>>) target_semaphore(%arg12 : memref<!tpu.dma_semaphore, #tpu.memory_space<semaphore_mem>>)
          %slice3A_399 = vector.extract_strided_slice %get3A_130 {offsets = [15], sizes = [1], strides = [1]} : vector<16xi32> to vector<1xi32>
          %squeeze3A_400 = vector.extract %slice3A_399[0] : i32 from vector<1xi32>
          %mul3A_401 = arith.constant 16 : i32
          %mul3A_402 = arith.muli %scan3A_123, %mul3A_401 : i32
          %add3A_403 = arith.constant 15 : i32
          %add3A_404 = arith.addi %mul3A_402, %add3A_403 : i32
          %dma_start3A_405 = arith.constant 0 : i32
          %dma_start3A_406 = tpu.memref_slice %arg9[%add3A_404, %dma_start3A_405] : memref<320x128xf32, #tpu.memory_space<vmem>> -> memref<1x64xf32, #tpu.memory_space<vmem>>
          %dma_start3A_407 = tpu.memref_squeeze %dma_start3A_406 : memref<1x64xf32, #tpu.memory_space<vmem>> -> memref<64xf32, #tpu.memory_space<vmem>>
          %dma_start3A_408 = arith.constant 0 : i32
          %dma_start3A_409 = tpu.memref_slice %arg4[%squeeze3A_400, %dma_start3A_408] : memref<1000000x64xf32, #tpu.memory_space<hbm>> -> memref<1x64xf32, #tpu.memory_space<hbm>>
          %dma_start3A_410 = tpu.memref_squeeze %dma_start3A_409 : memref<1x64xf32, #tpu.memory_space<hbm>> -> memref<64xf32, #tpu.memory_space<hbm>>
          %dma_start3A_411 = arith.constant 0 : i32
          %dma_start3A_412 = tpu.memref_slice %arg9[%add3A_404, %dma_start3A_411] : memref<320x128xf32, #tpu.memory_space<vmem>> -> memref<1x64xf32, #tpu.memory_space<vmem>>
          %dma_start3A_413 = tpu.memref_squeeze %dma_start3A_412 : memref<1x64xf32, #tpu.memory_space<vmem>> -> memref<64xf32, #tpu.memory_space<vmem>>
          %dma_start3A_414 = arith.constant 0 : i32
          %dma_start3A_415 = tpu.memref_slice %arg4[%squeeze3A_400, %dma_start3A_414] : memref<1000000x64xf32, #tpu.memory_space<hbm>> -> memref<1x64xf32, #tpu.memory_space<hbm>>
          %dma_start3A_416 = tpu.memref_squeeze %dma_start3A_415 : memref<1x64xf32, #tpu.memory_space<hbm>> -> memref<64xf32, #tpu.memory_space<hbm>>
          tpu.enqueue_dma source(%dma_start3A_416 : memref<64xf32, #tpu.memory_space<hbm>>) target(%dma_start3A_413 : memref<64xf32, #tpu.memory_space<vmem>>) target_semaphore(%arg12 : memref<!tpu.dma_semaphore, #tpu.memory_space<semaphore_mem>>)
          %scan3A_417 = arith.constant 0 : i32
          scf.yield %scan3A_417 : i32
        }
        %scan3A_122 = arith.constant 20 : i32
      } else {
      }
      %dma_wait3A_98 = tpu.memref_slice %arg8[%mul3A_86] : memref<6400xi32, #tpu.memory_space<vmem>> -> memref<320xi32, #tpu.memory_space<vmem>>
      %dma_wait3A_99 = arith.constant 0 : i32
      %dma_wait3A_100 = arith.constant 0 : i32
      %dma_wait3A_101 = tpu.memref_slice %arg11[%dma_wait3A_99, %dma_wait3A_100] : memref<200x128xf32, #tpu.memory_space<vmem_shared>> -> memref<200x128xf32, #tpu.memory_space<vmem_shared>>
      tpu.wait_indirect_dma semaphore(%arg14 : memref<!tpu.dma_semaphore, #tpu.memory_space<semaphore_mem>>) src(%dma_wait3A_101 : memref<200x128xf32, #tpu.memory_space<vmem_shared>>) dst(%arg10 : memref<320x128xf32, #tpu.memory_space<vmem>>)
      %mul3A_102 = arith.constant 320 : i32
      %mul3A_103 = arith.muli %add3A_72, %mul3A_102 : i32
      %add3A_104 = arith.addi %mul3A_2, %mul3A_103 : i32
      %dma_start3A_105 = arith.constant 0 : i32
      %dma_start3A_106 = tpu.memref_slice %arg6[%add3A_104, %dma_start3A_105] : memref<204800x128xf32, #tpu.memory_space<hbm>> -> memref<320x128xf32, #tpu.memory_space<hbm>>
      %dma_start3A_107 = arith.constant 0 : i32
      %dma_start3A_108 = tpu.memref_slice %arg6[%add3A_104, %dma_start3A_107] : memref<204800x128xf32, #tpu.memory_space<hbm>> -> memref<320x128xf32, #tpu.memory_space<hbm>>
      tpu.enqueue_dma source(%arg10 : memref<320x128xf32, #tpu.memory_space<vmem>>) target(%dma_start3A_108 : memref<320x128xf32, #tpu.memory_space<hbm>>) target_semaphore(%arg16 : memref<!tpu.dma_semaphore, #tpu.memory_space<semaphore_mem>>)
      %scan3A_109 = arith.constant 0 : i32
      scf.yield %scan3A_109 : i32
    }
    %scan3A_17 = arith.constant 10 : i32
    %dma_wait3A = arith.constant 0 : i32
    %dma_wait3A_18 = arith.constant 0 : i32
    %dma_wait3A_19 = tpu.memref_slice %arg6[%dma_wait3A, %dma_wait3A_18] : memref<204800x128xf32, #tpu.memory_space<hbm>> -> memref<320x128xf32, #tpu.memory_space<hbm>>
    %dma_wait3A_20 = arith.constant 0 : i32
    %dma_wait3A_21 = arith.constant 0 : i32
    %dma_wait3A_22 = tpu.memref_slice %arg6[%dma_wait3A_20, %dma_wait3A_21] : memref<204800x128xf32, #tpu.memory_space<hbm>> -> memref<320x128xf32, #tpu.memory_space<hbm>>
    tpu.wait_dma2 semaphore(%arg15 : memref<!tpu.dma_semaphore, #tpu.memory_space<semaphore_mem>>) src(%arg9 : memref<320x128xf32, #tpu.memory_space<vmem>>) dst(%dma_wait3A_22 : memref<320x128xf32, #tpu.memory_space<hbm>>)
    %dma_wait3A_23 = arith.constant 0 : i32
    %dma_wait3A_24 = arith.constant 0 : i32
    %dma_wait3A_25 = tpu.memref_slice %arg6[%dma_wait3A_23, %dma_wait3A_24] : memref<204800x128xf32, #tpu.memory_space<hbm>> -> memref<320x128xf32, #tpu.memory_space<hbm>>
    %dma_wait3A_26 = arith.constant 0 : i32
    %dma_wait3A_27 = arith.constant 0 : i32
    %dma_wait3A_28 = tpu.memref_slice %arg6[%dma_wait3A_26, %dma_wait3A_27] : memref<204800x128xf32, #tpu.memory_space<hbm>> -> memref<320x128xf32, #tpu.memory_space<hbm>>
    tpu.wait_dma2 semaphore(%arg16 : memref<!tpu.dma_semaphore, #tpu.memory_space<semaphore_mem>>) src(%arg10 : memref<320x128xf32, #tpu.memory_space<vmem>>) dst(%dma_wait3A_28 : memref<320x128xf32, #tpu.memory_space<hbm>>)
    return
  }
}

</mosaic_0001>

<sc_bundles>
// kernel: kernel.3.cloned.1.call-start
scs
__scs_entry_jumppad:
0x0: {  	(pc) =	sbr.rel $0x88, $3  }
0x1: {  	(tag) =	ssettag $0x0;
	lr =	simm.s32 $0x1  }
0x2: {  	[smem:$0x3F9E] =	sst lr;
	_ =	strace $0xD0000000  }
0x3: {  	_ = 	snop  }
0x4: {  	_ = 	snop  }
0x5: {  	_ = 	snop  }
0x6: {  	_ = 	snop  }
0x7: {  	_ = 	snop  }
__scs_overlays_trampoline_lowered:
0x8: {  	[smem:$0x3FAD] =	sst s0  }
0x9: {  	[smem:$0x3FAE] =	sst s1  }
0xa: {  	[smem:$0x3FAF] =	sst s2  }
0xb: {  	[smem:$0x3FB0] =	sst s3  }
0xc: {  	[smem:$0x3FB1] =	sst s4  }
0xd: {  	[smem:$0x3FB2] =	sst s5  }
0xe: {  	[smem:$0x3FB3] =	sst s6  }
0xf: {  	[smem:$0x3FB4] =	sst s7  }
0x10: {  	[smem:$0x3FB5] =	sst s8  }
0x11: {  	[smem:$0x3FB6] =	sst s9;
	s0 =	simm.s32 @!p0 $0x0  }
0x12: {  	s1 =	sld [smem:$0x3F9C];
	s0 =	simm.s32 @p0 $0x1  }
0x13: {  	[smem:$0x3FB7] =	sst s0;
	s0 =	simm.s32 @!p1 $0x0  }
0x14: {  	s2 =	sld [smem:$0x3F9B];
	s0 =	simm.s32 @p1 $0x1  }
0x15: {  	[smem:$0x3FB8] =	sst s0;
	s0 =	simm.s32 @!p2 $0x0  }
0x16: {  	s3 =	sld [smem:$0x3FDB];
	s0 =	simm.s32 @p2 $0x1  }
0x17: {  	s4 =	simm.s32 $0x1BF5;
	[smem:$0x3FBA] =	sst s0  }
0x18: {  	s0 =	sld [smem:$0x3F9D];
	_ =	swait.ge [sflag:s4], $0x0  }
0x19: {  	s7 =	sld [smem:$0x3F9E]  }
0x1a: {  	s8 =	sadd.s32 $0xFFFFE003, lr  }
0x1b: {  	s9 =	sadd.s32 $0xFFFFFEF7, lr;
	s5 =	simm.s32 $0xFFFFFFFF;
	p2 =	slt.u32 s8, $0xFFFFF086  }
0x1c: {  	p1 =	slt.u32 s9, $0xF7A;
	s5 =	simm.s32 @!p2 $0x0  }
0x1d: {  	s5 =	simm.s32 @p1 $0x1;
	p0 =	seq.s32 s7, s2  }
0x1e: {  	s7 =	smul.u32 @!p0 $0xF7A, s2;
	p2 =	seq.s32 @!p0 s5, $0x0  }
0x1f: {  	s9 =	smul.u32 $0xF7A, s1;
	s8 =	simm.s32 @!p0 $0x1BF5;
	p2 =	por !p2, p0  }
0x20: {  	[sflag:s8] =	ssyncset.s32 @!p0 $0xFFFFF086;
	s6 =	sadd.s32 @!p0 s3, s7;
	s7 =	simm.s32 @!p0 $0x108  }
0x21: {  	s3 =	sadd.s32 s3, s9;
	s6 =	sadd.s32 @!p0 $0x88, s6;
	s7 =	simm.s32 @p2 $0x1082  }
0x22: {  	[simem:s7], [sflag:s8] =	dma.local @!p0 [hbm:s6], $0xF7A  }
0x23: {  	s9 =	sor.u32 $0xD0000000, s2;
	s6 =	simm.s32 $0x108;
	_ =	swait.ge @!p0 [sflag:s8], $0x0  }
0x24: {  	s3 =	sadd.s32 $0x88, s3;
	s6 =	simm.s32 @!p1 $0x1082;
	[sflag:s4] =	ssyncset.s32 $0xFFFFF086  }
0x25: {  	[simem:s6], [sflag:s4] =	dma.local [hbm:s3], $0xF7A  }
0x26: {  	[smem:$0x3F9E] =	sst s1;
	(tag) =	ssettag s2;
	_ =	strace s9  }
0x27: {  	s1 =	sld [smem:$0x3FAE]  }
0x28: {  	s2 =	sld [smem:$0x3FAF]  }
0x29: {  	s4 =	sld [smem:$0x3FB1]  }
0x2a: {  	p0 =	seq.s32 s5, $0x0;
	s5 =	sld [smem:$0x3FB2]  }
0x2b: {  	s6 =	sld [smem:$0x3FB3]  }
0x2c: {  	s7 =	sld [smem:$0x3FB4]  }
0x2d: {  	s3 =	simm.s32 $0x108;
	s8 =	sld [smem:$0x3FB5]  }
0x2e: {  	s3 =	simm.s32 @!p0 $0x1082;
	s9 =	sld [smem:$0x3FB6]  }
0x2f: {  	lr =	sadd.s32 s0, s3;
	s0 =	sld [smem:$0x3FAD]  }
0x30: {  	s3 =	sld [smem:$0x3FB0]  }
0x31: {  	[smem:$0x3FB9] =	sst s10  }
0x32: {  	s10 =	sld [smem:$0x3FB7];
	_ =	sdelay $0x3  }
0x33: {  	p0 =	seq.s32 s10, $0x1;
	s10 =	sld [smem:$0x3FB9];
	_ =	sdelay $0x3  }
0x34: {  	[smem:$0x3FB9] =	sst s10  }
0x35: {  	s10 =	sld [smem:$0x3FB8];
	_ =	sdelay $0x3  }
0x36: {  	p1 =	seq.s32 s10, $0x1;
	s10 =	sld [smem:$0x3FB9];
	_ =	sdelay $0x3  }
0x37: {  	[smem:$0x3FB9] =	sst s10  }
0x38: {  	s10 =	sld [smem:$0x3FBA]  }
0x39: {  	_ = 	snop;
	(pc) =	sbr.ind lr, $3  }
0x3a: {  	_ = 	snop  }
0x3b: {  	_ = 	snop  }
0x3c: {  	p2 =	seq.s32 s10, $0x1;
	s10 =	sld [smem:$0x3FB9]  }
0x3d: {  	_ =	shalt  }
0x3e: {  	_ =	shalt  }
0x3f: {  	_ =	shalt  }
0x40: {  	_ =	shalt  }
0x41: {  	_ =	shalt  }
0x42: {  	_ =	shalt  }
0x43: {  	_ =	shalt  }
0x44: {  	_ =	shalt  }
0x45: {  	_ =	shalt  }
0x46: {  	_ =	shalt  }
0x47: {  	_ =	shalt  }
0x48: {  	_ =	shalt  }
0x49: {  	_ =	shalt  }
0x4a: {  	_ =	shalt  }
0x4b: {  	_ =	shalt  }
0x4c: {  	_ =	shalt  }
0x4d: {  	_ =	shalt  }
0x4e: {  	_ =	shalt  }
0x4f: {  	_ =	shalt  }
0x50: {  	_ =	shalt  }
0x51: {  	_ =	shalt  }
0x52: {  	_ =	shalt  }
0x53: {  	_ =	shalt  }
0x54: {  	_ =	shalt  }
0x55: {  	_ =	shalt  }
0x56: {  	_ =	shalt  }
0x57: {  	_ =	shalt  }
0x58: {  	_ =	shalt  }
0x59: {  	_ =	shalt  }
0x5a: {  	_ =	shalt  }
0x5b: {  	_ =	shalt  }
0x5c: {  	_ =	shalt  }
0x5d: {  	_ =	shalt  }
0x5e: {  	_ =	shalt  }
0x5f: {  	_ =	shalt  }
0x60: {  	_ =	shalt  }
0x61: {  	_ =	shalt  }
0x62: {  	_ =	shalt  }
0x63: {  	_ =	shalt  }
0x64: {  	_ =	shalt  }
0x65: {  	_ =	shalt  }
0x66: {  	_ =	shalt  }
0x67: {  	_ =	shalt  }
0x68: {  	_ =	shalt  }
0x69: {  	_ =	shalt  }
0x6a: {  	_ =	shalt  }
0x6b: {  	_ =	shalt  }
0x6c: {  	_ =	shalt  }
0x6d: {  	_ =	shalt  }
0x6e: {  	_ =	shalt  }
0x6f: {  	_ =	shalt  }
0x70: {  	_ =	shalt  }
0x71: {  	_ =	shalt  }
0x72: {  	_ =	shalt  }
0x73: {  	_ =	shalt  }
0x74: {  	_ =	shalt  }
0x75: {  	_ =	shalt  }
0x76: {  	_ =	shalt  }
0x77: {  	_ =	shalt  }
0x78: {  	_ =	shalt  }
0x79: {  	_ =	shalt  }
0x7a: {  	_ =	shalt  }
0x7b: {  	_ =	shalt  }
0x7c: {  	_ =	shalt  }
0x7d: {  	_ =	shalt  }
0x7e: {  	_ =	shalt  }
0x7f: {  	_ =	shalt  }
0x80: {  	_ =	shalt  }
0x81: {  	_ =	shalt  }
0x82: {  	_ =	shalt  }
0x83: {  	_ =	shalt  }
0x84: {  	_ =	shalt  }
0x85: {  	_ =	shalt  }
0x86: {  	_ =	shalt  }
0x87: {  	_ =	shalt  }
.Lfunc_end0:
.L_simem_size_0:
called_computation.1_lowered:
.L_overlay_start_0:
0x88: {  	s2 =	sld [smem:$0x3FD9]  }
0x89: {  	s3 =	sld [smem:$0x3FFE];
	_ =	sdelay $0x1  }
0x8a: {  	s1 =	srdreg.scid  }
0x8b: {  	s0 =	sand.u32 $0x1, s1  }
0x8c: {  	s17 =	sshll.u32 s0, $0xA;
	s2 =	sadd.s32 s3, s2  }
0x8d: {  	s2 =	sadd.s32 s2, s17  }
0x8e: {  	[smem:$0x3FC5] =	sst s2  }
0x8f: {  	_ = 	snop  }
0x90: {  	s2 =	sld [smem:$0x3FD0];
	(tm) =	ssettm $0x1  }
0x91: {  	s18 =	sld [smem:$0x3FFB];
	_ =	sdelay $0x3  }
0x92: {  	_ =	strace s18  }
0x93: {  	s3 =	sld [smem:$0x3FFC];
	_ =	sdelay $0x3  }
0x94: {  	_ =	strace s3  }
0x95: {  	s3 =	sld [smem:$0x3FFD];
	_ =	sdelay $0x3  }
0x96: {  	_ =	strace s3  }
0x97: {  	_ =	strace $0x8FFFFFFF  }
0x98: {  	s19 =	sld [smem:$0x3FDB];
	_ =	sdelay $0x1  }
0x99: {  	s4 =	simm.s32 $_scs_section_size  }
0x9a: {  	s5 =	simm.s32 $_size__tile_overlayer_lowered;
	s6 =	simm.s32 $_tile_overlayer_lowered  }
0x9b: {  	s22 =	simm.s32 $0x1BFF;
	s21 =	sshll.u32 s6, $0x1;
	s3 =	sadd.s32 s4, s19  }
0x9c: {  	s7 =	simm.s32 $0x0;
	s20 =	sshll.u32 s5, $0x1;
	s5 =	sadd.s32 s21, s3  }
0x9d: {  	[timem:s7], [sflag:s22] =	dma.local [hbm:s5], s20  }
0x9e: {  	_ =	swait.ge [sflag:s22], s20  }
0x9f: {  	s4 =	ssub.s32 $0x0, s20;
	[sflag:s22] =	ssyncset.done $0x0  }
0xa0: {  	[sflag:s22] =	ssyncadd.s32 s4;
	_ =	sdelay $0x1  }
0xa1: {  	s23 =	simm.s32 $0x1B8B  }
0xa2: {  	_ =	swait.ge [sflag:s23], $0x1  }
0xa3: {  	[sflag:s23] =	ssyncset.done $0x0  }
0xa4: {  	s25 =	simm.s32 $0x1B8E;
	s24 =	sld [smem:$0x3FFE];
	[sflag:s23] =	ssyncadd.s32 $0xFFFFFFFF  }
0xa5: {  	s26 =	simm.s32 $execute0_lowered;
	[smem:$0x3FD2] =	sst s25  }
0xa6: {  	s5 =	sshll.u32 s26, $0x1;
	_ =	strace $0x80000046;
	[dreg:$0x1] =	wrdreg $0xFFFFFFFF  }
0xa7: {  	s28 =	simm.s32 $_size_execute0_lowered;
	s3 =	sadd.s32 s3, s5;
	[dreg:$0x0] =	wrdreg $0x0  }
0xa8: {  	s5 =	sshll.u32 s28, $0x1;
	[dreg:$0x2] =	wrdreg s3  }
0xa9: {  	[dreg:$0x3] =	wrdreg s5  }
0xaa: {  	[dreg:$0x4] =	wrdreg $0xC0  }
0xab: {  	_ =	task [dreg:s7], $0x5FFFF  }
0xac: {  	[dreg:$0x1] =	wrdreg $0xFFFFFFFF  }
0xad: {  	[dreg:$0x0] =	wrdreg $0x60  }
0xae: {  	[dreg:$0x2] =	wrdreg s2  }
0xaf: {  	[dreg:$0x3] =	wrdreg s24  }
0xb0: {  	[dreg:$0x4] =	wrdreg $0x172000  }
0xb1: {  	[dreg:$0x5] =	wrdreg $0x9  }
0xb2: {  	_ =	task.clear_ibuf [dreg:s7], $0x6FFFF;
	_ =	strace $0x90000046  }
0xb3: {  	s29 =	simm.s32 $0x9;
	_ =	strace $0x80000048  }
0xb4: {  	_ =	swait.ge [sflag:s29], $0x1  }
0xb5: {  	[sflag:s29] =	ssyncadd.s32 $0xFFFFFFFF  }
0xb6: {  	_ =	strace $0x90000048  }
0xb7: {  	_ =	sfence  }
0xb8: {  	s30 =	sld [smem:$0x0];
	_ =	sdelay $0x2  }
0xb9: {  	s31 =	sshll.u32 s1, $0xD;
	s1 =	sshrl.u32 s1, $0x2  }
0xba: {  	s3 =	sand.u32 $0x4000, s31;
	s1 =	sadd.s32 s1, s30  }
0xbb: {  	s0 =	sor.u32 s3, s0;
	s1 =	sshll.u32 s1, $0x11  }
0xbc: {  	s0 =	sor.u32 s1, s0  }
0xbd: {  	s0 =	sadd.s32 $0x8F2B, s0  }
0xbe: {  	[sflag:s0] =	ssyncadd.remote.s32 $0x1  }
0xbf: {  	_ =	sfence.sel $0xFFFF  }
0xc0: {  	[dreg:$0x0] =	wrdreg $0xFFFFFFFF;
	(pc) =	sbr.abs _section_cstart, $3  }
0xc1: {  	[dreg:$0x1] =	wrdreg $0xFFFFFFFF  }
0xc2: {  	_ =	task.clear_ibuf [dreg:s7], $0x2FFFF;
	_ =	strace $0x9FFFFFFF  }
0xc3: {  	(tm) =	ssettm $0x7FFFFFFF  }
tec
execute0_lowered:
.L_overlay_start_1:
0x0: {  	(tag) =	ssettag $0x1  }
0x1: {  	s0 =	rddreg [dreg:$0x0];
	s1 =	srdreg.scid  }
0x2: {  	s5 =	stileid.u32;
	s6 =	rddreg [dreg:$0x1]  }
0x3: {  	s13 =	simm.s32 $0x80;
	s14 =	simm.s32 $0x400;
	s15 =	simm.s32 $0x1  }
0x4: {  	s16 =	simm.s32 $0x140;
	s17 =	simm.s32 $0x3200;
	s18 =	simm.s32 $0x3  }
0x5: {  	s19 =	simm.s32 $0x2;
	s20 =	simm.s32 $0xD200;
	s4 =	sand.u32 $0x1, s1  }
0x6: {  	s2 =	sshll.u32 s5, $0x1;
	s1 =	rddreg [dreg:$0x2];
	s11 =	sadd.s32 $0xA00, s6  }
0x7: {  	s3 =	sor.u32 s4, s2;
	s2 =	simm.s32 $0x0;
	s8 =	ssub.s32 $0x2, s4  }
0x8: {  	s3 =	smul.u32 $0x1900, s3;
	[smem:$0x7FF] =	sst s2;
	s10 =	sshrl.u32 s8, $0x1  }
0x9: {  	_ =	strace $0x80000047;
	[dreg:$0x4] =	wrdreg s11;
	s10 =	ssub.s32 s8, s10  }
.Ltmp0:
0xa: {  	s7 =	sshrl.u32 s3, $0x3;
	s31 =	smax.u32 s10, $0x1;
	(pc) =	sbr.rel .LBB2_1-.Ltmp0, $4  }
0xb: {  	s9 =	sadd.s32 s7, s6;
	s0 =	sadd.s32 s0, s7;
	[dreg:$0x7] =	wrdreg s31  }
0xc: {  	p0 =	sne.s32 s5, $0x0;
	[dreg:$0x5] =	wrdreg s0;
	s30 =	sadd.s32 $0x1800, s9  }
0xd: {  	s4 =	sadd.s32 $0x7C00, s6;
	s0 =	sshrl.u32 @!p0 s1, $0x3;
	[dreg:$0x6] =	wrdreg s30  }
0xe: {  	s6 =	sadd.s32 $0xF4A000, s6;
	s7 =	simm.s32 $0x0;
	[dreg:$0x8] =	wrdreg s0  }
.LBB2_11:
0xf: {  	s0 =	simm.s32 $0x4  }
0x10: {  	_ =	swait.ge [sflag:s0], $0xA000  }
0x11: {  	[sflag:s0] =	ssyncset.done $0x0  }
0x12: {  	s5 =	simm.s32 $0x5;
	[sflag:s0] =	ssyncadd.s32 $0xFFFF6000  }
0x13: {  	_ =	swait.ge [sflag:s5], $0xA000  }
0x14: {  	s7 =	rddreg [dreg:$0x9]  }
0x15: {  	s31 =	rddreg [dreg:$0x7];
	s7 =	sadd.s32 $0x1, s7  }
0x16: {  	p1 =	sne.s32 s7, s31  }
.Ltmp1:
0x17: {  	_ = 	snop;
	(pc) =	sbr.rel @!p1 .LBB2_12-.Ltmp1, $3  }
0x18: {  	_ =	sdelay $0x1  }
0x19: {  	[sflag:s5] =	ssyncset.done $0x0  }
0x1a: {  	[sflag:s5] =	ssyncadd.s32 $0xFFFF6000  }
.LBB2_1:
0x1b: {  	[dreg:$0x9] =	wrdreg s7  }
0x1c: {  	s5 =	rddreg [dreg:$0x4]  }
0x1d: {  	s0 =	simm.s32 @!p0 $0x1C06;
	s7 =	rddreg [dreg:$0x8]  }
0x1e: {  	[spmem:s7], [sflag:s0] =	dma.local @!p0 [hbm:s5], $0xC80  }
0x1f: {  	s0 =	simm.s32 @!p0 $0x6  }
0x20: {  	_ =	swait.ge @!p0 [sflag:s0], $0xC80  }
0x21: {  	[sflag:s0] =	ssyncset.done @!p0 $0x0  }
0x22: {  	[sflag:s0] =	ssyncadd.s32 @!p0 $0xFFFFF380  }
0x23: {  	[bflag:$0x0] =	sbarrier.arrive $0xFFFF  }
0x24: {  	s29 =	simm.s32 $0x6;
	s28 =	rddreg [dreg:$0x5]  }
0x25: {  	[tilespmem:s2], [sflag:$0x6] =	stream.linear.gather [hbm4b:s28+s2], $0x1900, $0x38;
	[tilespmem:$0x17840] =	vst v63  }
0x26: {  	_ =	swait.ge [sflag:s29], $0x1900  }
0x27: {  	[sflag:s29] =	ssyncset.done $0x0  }
0x28: {  	s31 =	simm.s32 $0x1900;
	s30 =	rddreg [dreg:$0x6];
	[sflag:s29] =	ssyncadd.s32 $0xFFFFE700  }
0x29: {  	[tilespmem:s31], [sflag:$0x6] =	stream.linear.gather [hbm4b:s30+s2], $0x1900, $0x38;
	[tilespmem:$0x17840] =	vst v63  }
0x2a: {  	_ =	swait.ge [sflag:s29], $0x1900  }
0x2b: {  	[sflag:s29] =	ssyncset.done $0x0  }
0x2c: {  	[sflag:s29] =	ssyncadd.s32 $0xFFFFE700  }
0x2d: {  	v0 =	vld [tilespmem:s2+$0x0];
	_ =	sdelay $0x4  }
0x2e: {  	v0 =	vshll.u32 v0, $0x4  }
0x2f: {  	(v2sf) =	vpush v0, $0x0;
	_ =	sdelay $0x1  }
0x30: {  	(v2sf) =	vpush v0, $0x1;
	_ =	sdelay $0x3  }
0x31: {  	(v2sf) =	vpush v0, $0x2;
	_ =	sdelay $0x3  }
0x32: {  	(v2sf) =	vpush v0, $0x3;
	_ =	sdelay $0x3  }
0x33: {  	(v2sf) =	vpush v0, $0x4  }
0x34: {  	s7 =	spop (v2sf)  }
0x35: {  	s0 =	sand.u32 $0x1FFFFFF0, s7  }
0x36: {  	s12 =	simm.s32 $0x3200;
	s8 =	spop (v2sf);
	s0 =	sadd.s32 s4, s0  }
0x37: {  	(v2sf) =	vpush v0, $0x5;
	[tilespmem:s12], [sflag:$0x1] =	stream.strided.gather [hbm4b:s0+s13], $0x0, s14, s13, $0x38;
	[tilespmem:$0x17840] =	vst v63  }
0x38: {  	s5 =	sand.u32 $0x1FFFFFF0, s8  }
0x39: {  	[tilespmem:s12], [sflag:$0x1] =	stream.linear.gather [hbm4b:s0+s2], $0x40, $0x38;
	[tilespmem:$0x17840] =	vst v63  }
0x3a: {  	s9 =	simm.s32 $0x3280;
	s10 =	spop (v2sf);
	s5 =	sadd.s32 s4, s5  }
0x3b: {  	(v2sf) =	vpush v0, $0x6;
	[tilespmem:s9], [sflag:$0x1] =	stream.strided.gather [hbm4b:s5+s13], $0x0, s14, s13, $0x38;
	[tilespmem:$0x17840] =	vst v63  }
0x3c: {  	s12 =	sand.u32 $0x1FFFFFF0, s10  }
0x3d: {  	[tilespmem:s9], [sflag:$0x1] =	stream.linear.gather [hbm4b:s5+s2], $0x40, $0x38;
	[tilespmem:$0x17840] =	vst v63  }
0x3e: {  	s21 =	simm.s32 $0x3300;
	s11 =	spop (v2sf);
	s12 =	sadd.s32 s4, s12  }
0x3f: {  	(v2sf) =	vpush v0, $0x7;
	[tilespmem:s21], [sflag:$0x1] =	stream.strided.gather [hbm4b:s12+s13], $0x0, s14, s13, $0x38;
	[tilespmem:$0x17840] =	vst v63  }
0x40: {  	s0 =	sand.u32 $0x1FFFFFF0, s11  }
0x41: {  	[tilespmem:s21], [sflag:$0x1] =	stream.linear.gather [hbm4b:s12+s2], $0x40, $0x38;
	[tilespmem:$0x17840] =	vst v63  }
0x42: {  	s23 =	simm.s32 $0x3380;
	s22 =	spop (v2sf);
	s0 =	sadd.s32 s4, s0  }
0x43: {  	(v2sf) =	vpush v0, $0x8;
	[tilespmem:s23], [sflag:$0x1] =	stream.strided.gather [hbm4b:s0+s13], $0x0, s14, s13, $0x38;
	[tilespmem:$0x17840] =	vst v63  }
0x44: {  	s5 =	sand.u32 $0x1FFFFFF0, s22  }
0x45: {  	[tilespmem:s23], [sflag:$0x1] =	stream.linear.gather [hbm4b:s0+s2], $0x40, $0x38;
	[tilespmem:$0x17840] =	vst v63  }
0x46: {  	s25 =	simm.s32 $0x3400;
	s5 =	sadd.s32 s4, s5;
	s24 =	spop (v2sf)  }
0x47: {  	(v2sf) =	vpush v0, $0x9;
	[tilespmem:s25], [sflag:$0x1] =	stream.strided.gather [hbm4b:s5+s13], $0x0, s14, s13, $0x38;
	[tilespmem:$0x17840] =	vst v63  }
0x48: {  	s0 =	sand.u32 $0x1FFFFFF0, s24  }
0x49: {  	[tilespmem:s25], [sflag:$0x1] =	stream.linear.gather [hbm4b:s5+s2], $0x40, $0x38;
	[tilespmem:$0x17840] =	vst v63  }
0x4a: {  	s28 =	simm.s32 $0x3480;
	s26 =	spop (v2sf);
	s0 =	sadd.s32 s4, s0  }
0x4b: {  	(v2sf) =	vpush v0, $0xA;
	[tilespmem:s28], [sflag:$0x1] =	stream.strided.gather [hbm4b:s0+s13], $0x0, s14, s13, $0x38;
	[tilespmem:$0x17840] =	vst v63  }
0x4c: {  	s5 =	sand.u32 $0x1FFFFFF0, s26  }
0x4d: {  	[tilespmem:s28], [sflag:$0x1] =	stream.linear.gather [hbm4b:s0+s2], $0x40, $0x38;
	[tilespmem:$0x17840] =	vst v63  }
0x4e: {  	s30 =	simm.s32 $0x3500;
	s29 =	spop (v2sf);
	s5 =	sadd.s32 s4, s5  }
0x4f: {  	(v2sf) =	vpush v0, $0xB;
	[tilespmem:s30], [sflag:$0x1] =	stream.strided.gather [hbm4b:s5+s13], $0x0, s14, s13, $0x38;
	[tilespmem:$0x17840] =	vst v63  }
0x50: {  	s0 =	sand.u32 $0x1FFFFFF0, s29  }
0x51: {  	[tilespmem:s30], [sflag:$0x1] =	stream.linear.gather [hbm4b:s5+s2], $0x40, $0x38;
	[tilespmem:$0x17840] =	vst v63  }
0x52: {  	s7 =	simm.s32 $0x3580;
	s31 =	spop (v2sf);
	s0 =	sadd.s32 s4, s0  }
0x53: {  	(v2sf) =	vpush v0, $0xC;
	[tilespmem:s7], [sflag:$0x1] =	stream.strided.gather [hbm4b:s0+s13], $0x0, s14, s13, $0x38;
	[tilespmem:$0x17840] =	vst v63  }
0x54: {  	s5 =	sand.u32 $0x1FFFFFF0, s31  }
0x55: {  	[tilespmem:s7], [sflag:$0x1] =	stream.linear.gather [hbm4b:s0+s2], $0x40, $0x38;
	[tilespmem:$0x17840] =	vst v63  }
0x56: {  	s9 =	simm.s32 $0x3600;
	s8 =	spop (v2sf);
	s5 =	sadd.s32 s4, s5  }
0x57: {  	(v2sf) =	vpush v0, $0xD;
	[tilespmem:s9], [sflag:$0x1] =	stream.strided.gather [hbm4b:s5+s13], $0x0, s14, s13, $0x38;
	[tilespmem:$0x17840] =	vst v63  }
0x58: {  	s0 =	sand.u32 $0x1FFFFFF0, s8  }
0x59: {  	[tilespmem:s9], [sflag:$0x1] =	stream.linear.gather [hbm4b:s5+s2], $0x40, $0x38;
	[tilespmem:$0x17840] =	vst v63  }
0x5a: {  	s11 =	simm.s32 $0x3680;
	s10 =	spop (v2sf);
	s0 =	sadd.s32 s4, s0  }
0x5b: {  	(v2sf) =	vpush v0, $0xE;
	[tilespmem:s11], [sflag:$0x1] =	stream.strided.gather [hbm4b:s0+s13], $0x0, s14, s13, $0x38;
	[tilespmem:$0x17840] =	vst v63  }
0x5c: {  	s5 =	sand.u32 $0x1FFFFFF0, s10  }
0x5d: {  	[tilespmem:s11], [sflag:$0x1] =	stream.linear.gather [hbm4b:s0+s2], $0x40, $0x38;
	[tilespmem:$0x17840] =	vst v63  }
0x5e: {  	s22 =	simm.s32 $0x3700;
	s21 =	spop (v2sf);
	s5 =	sadd.s32 s4, s5  }
0x5f: {  	(v2sf) =	vpush v0, $0xF;
	[tilespmem:s22], [sflag:$0x1] =	stream.strided.gather [hbm4b:s5+s13], $0x0, s14, s13, $0x38;
	[tilespmem:$0x17840] =	vst v63  }
0x60: {  	s0 =	sand.u32 $0x1FFFFFF0, s21  }
0x61: {  	[tilespmem:s22], [sflag:$0x1] =	stream.linear.gather [hbm4b:s5+s2], $0x40, $0x38;
	[tilespmem:$0x17840] =	vst v63  }
0x62: {  	s24 =	simm.s32 $0x3780;
	s23 =	spop (v2sf);
	s0 =	sadd.s32 s4, s0  }
0x63: {  	[tilespmem:s24], [sflag:$0x1] =	stream.strided.gather [hbm4b:s0+s13], $0x0, s14, s13, $0x38;
	[tilespmem:$0x17840] =	vst v63  }
0x64: {  	s5 =	sand.u32 $0x1FFFFFF0, s23  }
0x65: {  	[tilespmem:s24], [sflag:$0x1] =	stream.linear.gather [hbm4b:s0+s2], $0x40, $0x38;
	[tilespmem:$0x17840] =	vst v63  }
0x66: {  	s26 =	simm.s32 $0x3800;
	s25 =	spop (v2sf);
	s5 =	sadd.s32 s4, s5  }
0x67: {  	[tilespmem:s26], [sflag:$0x1] =	stream.strided.gather [hbm4b:s5+s13], $0x0, s14, s13, $0x38;
	[tilespmem:$0x17840] =	vst v63  }
0x68: {  	s0 =	sand.u32 $0x1FFFFFF0, s25  }
0x69: {  	[tilespmem:s26], [sflag:$0x1] =	stream.linear.gather [hbm4b:s5+s2], $0x40, $0x38;
	[tilespmem:$0x17840] =	vst v63  }
0x6a: {  	s29 =	simm.s32 $0x3880;
	s28 =	spop (v2sf);
	s0 =	sadd.s32 s4, s0  }
0x6b: {  	[tilespmem:s29], [sflag:$0x1] =	stream.strided.gather [hbm4b:s0+s13], $0x0, s14, s13, $0x38;
	[tilespmem:$0x17840] =	vst v63  }
0x6c: {  	s5 =	sand.u32 $0x1FFFFFF0, s28  }
0x6d: {  	[tilespmem:s29], [sflag:$0x1] =	stream.linear.gather [hbm4b:s0+s2], $0x40, $0x38;
	[tilespmem:$0x17840] =	vst v63  }
0x6e: {  	s31 =	simm.s32 $0x3900;
	s30 =	spop (v2sf);
	s5 =	sadd.s32 s4, s5  }
0x6f: {  	[tilespmem:s31], [sflag:$0x1] =	stream.strided.gather [hbm4b:s5+s13], $0x0, s14, s13, $0x38;
	[tilespmem:$0x17840] =	vst v63  }
0x70: {  	s24 =	sand.u32 $0x1FFFFFF0, s30;
	s25 =	simm.s32 $0x2000;
	s26 =	simm.s32 $0x0  }
0x71: {  	[tilespmem:s31], [sflag:$0x1] =	stream.linear.gather [hbm4b:s5+s2], $0x40, $0x38;
	[tilespmem:$0x17840] =	vst v63  }
0x72: {  	s0 =	simm.s32 $0x3980;
	s5 =	sadd.s32 s4, s24;
	s24 =	simm.s32 $0x0  }
0x73: {  	[tilespmem:s0], [sflag:$0x1] =	stream.strided.gather [hbm4b:s5+s13], $0x0, s14, s13, $0x38;
	[tilespmem:$0x17840] =	vst v63  }
.LBB2_2:
0x74: {  	p1 =	sne.s32 s25, $0x26000  }
0x75: {  	s26 =	sadd.s32 $0x10, s26;
	s12 =	smov.u32 s25;
	s25 =	sadd.s32 $0x2000, s25  }
0x76: {  	[tilespmem:s0], [sflag:$0x1] =	stream.linear.gather [hbm4b:s5+s24], $0x40, $0x38;
	[tilespmem:$0x17840] =	vst v63  }
0x77: {  	v0 =	vld [tilespmem:s26+$0x0];
	_ =	sdelay $0x4  }
0x78: {  	v0 =	vshll.u32 v0, $0x4  }
0x79: {  	(v2sf) =	vpush v0, $0x0  }
0x7a: {  	(v2sf) =	vpush v0, $0x1  }
0x7b: {  	(v2sf) =	vpush v0, $0x2;
	_ =	sdelay $0x2  }
0x7c: {  	(v2sf) =	vpush v0, $0x3;
	_ =	sdelay $0x1  }
0x7d: {  	(v2sf) =	vpush v0, $0x4;
	_ =	sdelay $0x1  }
0x7e: {  	(v2sf) =	vpush v0, $0x5;
	_ =	sdelay $0x1  }
0x7f: {  	(v2sf) =	vpush v0, $0x6;
	_ =	sdelay $0x1  }
0x80: {  	(v2sf) =	vpush v0, $0x7;
	_ =	sdelay $0x1  }
0x81: {  	s24 =	simm.s32 $0x0;
	s5 =	spop (v2sf);
	(v2sf) =	vpush v0, $0x8  }
0x82: {  	s0 =	sshra.s32 s12, $0x2;
	s5 =	sand.u32 $0x1FFFFFF0, s5;
	s12 =	spop (v2sf)  }
0x83: {  	s28 =	sadd.s32 $0x3280, s0;
	s5 =	sadd.s32 s4, s5;
	s29 =	spop (v2sf);
	(v2sf) =	vpush v0, $0x9  }
0x84: {  	s30 =	sadd.s32 $0x3200, s0;
	s12 =	sand.u32 $0x1FFFFFF0, s12;
	s29 =	sand.u32 $0x1FFFFFF0, s29  }
0x85: {  	[tilespmem:s30], [sflag:$0x1] =	stream.strided.gather [hbm4b:s5+s13], $0x0, s14, s13, $0x38;
	(v2sf) =	vpush v0, $0xA;
	[tilespmem:$0x17840] =	vst v63  }
0x86: {  	s31 =	spop (v2sf)  }
0x87: {  	[tilespmem:s30], [sflag:$0x1] =	stream.linear.gather [hbm4b:s5+s24], $0x40, $0x38;
	(v2sf) =	vpush v0, $0xB;
	[tilespmem:$0x17840] =	vst v63  }
0x88: {  	s5 =	sadd.s32 s4, s12;
	s12 =	sand.u32 $0x1FFFFFF0, s31;
	s30 =	spop (v2sf)  }
0x89: {  	[tilespmem:s28], [sflag:$0x1] =	stream.strided.gather [hbm4b:s5+s13], $0x0, s14, s13, $0x38;
	(v2sf) =	vpush v0, $0xC;
	[tilespmem:$0x17840] =	vst v63  }
0x8a: {  	s31 =	sadd.s32 $0x3300, s0;
	s30 =	sand.u32 $0x1FFFFFF0, s30;
	s7 =	spop (v2sf)  }
0x8b: {  	[tilespmem:s28], [sflag:$0x1] =	stream.linear.gather [hbm4b:s5+s24], $0x40, $0x38;
	[tilespmem:$0x17840] =	vst v63  }
0x8c: {  	s5 =	sadd.s32 s4, s29;
	s7 =	sand.u32 $0x1FFFFFF0, s7;
	s28 =	spop (v2sf)  }
0x8d: {  	[tilespmem:s31], [sflag:$0x1] =	stream.strided.gather [hbm4b:s5+s13], $0x0, s14, s13, $0x38;
	(v2sf) =	vpush v0, $0xD;
	[tilespmem:$0x17840] =	vst v63  }
0x8e: {  	s29 =	sadd.s32 $0x3380, s0;
	s28 =	sand.u32 $0x1FFFFFF0, s28;
	s8 =	spop (v2sf)  }
0x8f: {  	[tilespmem:s31], [sflag:$0x1] =	stream.linear.gather [hbm4b:s5+s24], $0x40, $0x38;
	[tilespmem:$0x17840] =	vst v63  }
0x90: {  	s5 =	sadd.s32 s4, s12;
	s8 =	sand.u32 $0x1FFFFFF0, s8;
	s12 =	spop (v2sf)  }
0x91: {  	[tilespmem:s29], [sflag:$0x1] =	stream.strided.gather [hbm4b:s5+s13], $0x0, s14, s13, $0x38;
	(v2sf) =	vpush v0, $0xE;
	[tilespmem:$0x17840] =	vst v63  }
0x92: {  	s31 =	sadd.s32 $0x3400, s0;
	s12 =	sand.u32 $0x1FFFFFF0, s12;
	s9 =	spop (v2sf)  }
0x93: {  	[tilespmem:s29], [sflag:$0x1] =	stream.linear.gather [hbm4b:s5+s24], $0x40, $0x38;
	[tilespmem:$0x17840] =	vst v63  }
0x94: {  	s5 =	sadd.s32 s4, s30;
	s9 =	sand.u32 $0x1FFFFFF0, s9;
	s29 =	spop (v2sf)  }
0x95: {  	[tilespmem:s31], [sflag:$0x1] =	stream.strided.gather [hbm4b:s5+s13], $0x0, s14, s13, $0x38;
	(v2sf) =	vpush v0, $0xF;
	[tilespmem:$0x17840] =	vst v63  }
0x96: {  	s30 =	sadd.s32 $0x3480, s0;
	s29 =	sand.u32 $0x1FFFFFF0, s29;
	s10 =	spop (v2sf)  }
0x97: {  	[tilespmem:s31], [sflag:$0x1] =	stream.linear.gather [hbm4b:s5+s24], $0x40, $0x38;
	[tilespmem:$0x17840] =	vst v63  }
0x98: {  	s5 =	sadd.s32 s4, s7;
	s7 =	sand.u32 $0x1FFFFFF0, s10;
	s10 =	spop (v2sf)  }
0x99: {  	[tilespmem:s30], [sflag:$0x1] =	stream.strided.gather [hbm4b:s5+s13], $0x0, s14, s13, $0x38;
	[tilespmem:$0x17840] =	vst v63  }
0x9a: {  	s28 =	sadd.s32 s4, s28;
	s31 =	sadd.s32 $0x3500, s0;
	s10 =	sand.u32 $0x1FFFFFF0, s10  }
0x9b: {  	[tilespmem:s30], [sflag:$0x1] =	stream.linear.gather [hbm4b:s5+s24], $0x40, $0x38;
	[tilespmem:$0x17840] =	vst v63  }
0x9c: {  	s5 =	spop (v2sf)  }
0x9d: {  	[tilespmem:s31], [sflag:$0x1] =	stream.strided.gather [hbm4b:s28+s13], $0x0, s14, s13, $0x38;
	[tilespmem:$0x17840] =	vst v63  }
0x9e: {  	s8 =	sadd.s32 s4, s8;
	s30 =	sadd.s32 $0x3580, s0;
	s5 =	sand.u32 $0x1FFFFFF0, s5  }
0x9f: {  	[tilespmem:s31], [sflag:$0x1] =	stream.linear.gather [hbm4b:s28+s24], $0x40, $0x38;
	[tilespmem:$0x17840] =	vst v63  }
0xa0: {  	s28 =	spop (v2sf)  }
0xa1: {  	[tilespmem:s30], [sflag:$0x1] =	stream.strided.gather [hbm4b:s8+s13], $0x0, s14, s13, $0x38;
	[tilespmem:$0x17840] =	vst v63  }
0xa2: {  	s12 =	sadd.s32 s4, s12;
	s31 =	sadd.s32 $0x3600, s0;
	s28 =	sand.u32 $0x1FFFFFF0, s28  }
0xa3: {  	[tilespmem:s30], [sflag:$0x1] =	stream.linear.gather [hbm4b:s8+s24], $0x40, $0x38;
	[tilespmem:$0x17840] =	vst v63  }
0xa4: {  	s8 =	spop (v2sf)  }
0xa5: {  	[tilespmem:s31], [sflag:$0x1] =	stream.strided.gather [hbm4b:s12+s13], $0x0, s14, s13, $0x38;
	[tilespmem:$0x17840] =	vst v63  }
0xa6: {  	s9 =	sadd.s32 s4, s9;
	s30 =	sadd.s32 $0x3680, s0;
	s8 =	sand.u32 $0x1FFFFFF0, s8  }
0xa7: {  	[tilespmem:s31], [sflag:$0x1] =	stream.linear.gather [hbm4b:s12+s24], $0x40, $0x38;
	[tilespmem:$0x17840] =	vst v63  }
0xa8: {  	_ = 	snop  }
0xa9: {  	[tilespmem:s30], [sflag:$0x1] =	stream.strided.gather [hbm4b:s9+s13], $0x0, s14, s13, $0x38;
	[tilespmem:$0x17840] =	vst v63  }
0xaa: {  	s29 =	sadd.s32 s4, s29;
	s12 =	sadd.s32 $0x3700, s0  }
0xab: {  	[tilespmem:s30], [sflag:$0x1] =	stream.linear.gather [hbm4b:s9+s24], $0x40, $0x38;
	[tilespmem:$0x17840] =	vst v63  }
0xac: {  	_ = 	snop  }
0xad: {  	[tilespmem:s12], [sflag:$0x1] =	stream.strided.gather [hbm4b:s29+s13], $0x0, s14, s13, $0x38;
	[tilespmem:$0x17840] =	vst v63  }
0xae: {  	s7 =	sadd.s32 s4, s7;
	s9 =	sadd.s32 $0x3780, s0  }
0xaf: {  	[tilespmem:s12], [sflag:$0x1] =	stream.linear.gather [hbm4b:s29+s24], $0x40, $0x38;
	[tilespmem:$0x17840] =	vst v63  }
0xb0: {  	_ = 	snop  }
0xb1: {  	[tilespmem:s9], [sflag:$0x1] =	stream.strided.gather [hbm4b:s7+s13], $0x0, s14, s13, $0x38;
	[tilespmem:$0x17840] =	vst v63  }
0xb2: {  	s10 =	sadd.s32 s4, s10;
	s12 =	sadd.s32 $0x3800, s0  }
0xb3: {  	[tilespmem:s9], [sflag:$0x1] =	stream.linear.gather [hbm4b:s7+s24], $0x40, $0x38;
	[tilespmem:$0x17840] =	vst v63  }
0xb4: {  	_ = 	snop  }
0xb5: {  	[tilespmem:s12], [sflag:$0x1] =	stream.strided.gather [hbm4b:s10+s13], $0x0, s14, s13, $0x38;
	[tilespmem:$0x17840] =	vst v63  }
0xb6: {  	s5 =	sadd.s32 s4, s5;
	s7 =	sadd.s32 $0x3880, s0  }
0xb7: {  	[tilespmem:s12], [sflag:$0x1] =	stream.linear.gather [hbm4b:s10+s24], $0x40, $0x38;
	[tilespmem:$0x17840] =	vst v63  }
0xb8: {  	_ = 	snop  }
0xb9: {  	[tilespmem:s7], [sflag:$0x1] =	stream.strided.gather [hbm4b:s5+s13], $0x0, s14, s13, $0x38;
	[tilespmem:$0x17840] =	vst v63  }
0xba: {  	s9 =	sadd.s32 $0x3900, s0;
	s10 =	sadd.s32 s4, s28  }
0xbb: {  	[tilespmem:s7], [sflag:$0x1] =	stream.linear.gather [hbm4b:s5+s24], $0x40, $0x38;
	[tilespmem:$0x17840] =	vst v63  }
0xbc: {  	_ = 	snop  }
0xbd: {  	[tilespmem:s9], [sflag:$0x1] =	stream.strided.gather [hbm4b:s10+s13], $0x0, s14, s13, $0x38;
	[tilespmem:$0x17840] =	vst v63  }
.Ltmp2:
0xbe: {  	_ = 	snop;
	(pc) =	sbr.rel @p1 .LBB2_2-.Ltmp2, $4  }
0xbf: {  	s0 =	sadd.s32 $0x3980, s0;
	s5 =	sadd.s32 s4, s8  }
0xc0: {  	[tilespmem:s9], [sflag:$0x1] =	stream.linear.gather [hbm4b:s10+s24], $0x40, $0x38;
	[tilespmem:$0x17840] =	vst v63  }
0xc1: {  	_ = 	snop  }
0xc2: {  	[tilespmem:s0], [sflag:$0x1] =	stream.strided.gather [hbm4b:s5+s13], $0x0, s14, s13, $0x38;
	[tilespmem:$0x17840] =	vst v63  }
.Ltmp3:
0xc3: {  	(pc) =	sbr.rel .LBB2_4-.Ltmp3, $3  }
0xc4: {  	_ =	sdelay $0x1  }
0xc5: {  	[tilespmem:s0], [sflag:$0x1] =	stream.linear.gather [hbm4b:s5+s24], $0x40, $0x38;
	[tilespmem:$0x17840] =	vst v63  }
0xc6: {  	s25 =	simm.s32 $0x140;
	s26 =	simm.s32 $0x280  }
.LBB2_10:
0xc7: {  	s24 =	sadd.s32 $0x1, s24  }
0xc8: {  	p1 =	sne.s32 s24, $0xA  }
.Ltmp4:
0xc9: {  	_ = 	snop;
	(pc) =	sbr.rel @!p1 .LBB2_11-.Ltmp4, $4  }
0xca: {  	_ =	swait.ge [sflag:s18], $0xA000;
	s0 =	sadd.s32 s3, s28  }
0xcb: {  	s25 =	sadd.s32 $0x280, s25;
	[sflag:s18] =	ssyncset.done $0x0;
	s0 =	sshll.u32 s0, $0x4  }
0xcc: {  	s26 =	sadd.s32 $0x280, s26;
	[sflag:s18] =	ssyncadd.s32 $0xFFFF6000;
	s0 =	sadd.s32 s6, s0  }
0xcd: {  	[hbm4b:s0+s2] =	stream.linear.scatter [tilespmem:s20], [sflag:$0x5], $0xA000, $0x38;
	[tilespmem:$0x17840] =	vst v63  }
.LBB2_4:
0xce: {  	_ =	swait.ge [sflag:s15], $0x5000;
	s28 =	smul.u32 $0x280, s24  }
0xcf: {  	[sflag:s15] =	ssyncset.done $0x0  }
0xd0: {  	p1 =	seq.s32 s24, $0x0;
	[sflag:s15] =	ssyncadd.s32 $0xFFFFB000;
	s0 =	sadd.s32 $0x1900, s28  }
0xd1: {  	[tilespmem:s17], [sflag:$0x3] =	stream.indirect.gather.add.f32 [spmem:s1], $0x80, s0, s16, $0xb8;
	[tilespmem:$0x17840] =	vst v63  }
0xd2: {  	s0 =	simm.s32 @!p1 $0x5  }
0xd3: {  	_ =	swait.ge @!p1 [sflag:s0], $0xA000  }
0xd4: {  	[sflag:s0] =	ssyncset.done @!p1 $0x0  }
0xd5: {  	[sflag:s0] =	ssyncadd.s32 @!p1 $0xFFFF6000  }
0xd6: {  	v0 =	vld [tilespmem:s25+$0x0];
	_ =	sdelay $0x4  }
0xd7: {  	v0 =	vshll.u32 v0, $0x4  }
0xd8: {  	(v2sf) =	vpush v0, $0x0;
	_ =	sdelay $0x1  }
0xd9: {  	(v2sf) =	vpush v0, $0x1;
	_ =	sdelay $0x3  }
0xda: {  	(v2sf) =	vpush v0, $0x2;
	_ =	sdelay $0x3  }
0xdb: {  	(v2sf) =	vpush v0, $0x3;
	_ =	sdelay $0x3  }
0xdc: {  	(v2sf) =	vpush v0, $0x4  }
0xdd: {  	s11 =	spop (v2sf)  }
0xde: {  	s0 =	sand.u32 $0x1FFFFFF0, s11  }
0xdf: {  	s7 =	simm.s32 $0xD200;
	s5 =	spop (v2sf);
	s0 =	sadd.s32 s4, s0  }
0xe0: {  	(v2sf) =	vpush v0, $0x5;
	[tilespmem:s7], [sflag:$0x2] =	stream.strided.gather [hbm4b:s0+s13], $0x0, s14, s13, $0x38;
	[tilespmem:$0x17840] =	vst v63  }
0xe1: {  	s5 =	sand.u32 $0x1FFFFFF0, s5  }
0xe2: {  	[tilespmem:s7], [sflag:$0x2] =	stream.linear.gather [hbm4b:s0+s2], $0x40, $0x38;
	[tilespmem:$0x17840] =	vst v63  }
0xe3: {  	s12 =	simm.s32 $0xD280;
	s21 =	spop (v2sf);
	s5 =	sadd.s32 s4, s5  }
0xe4: {  	(v2sf) =	vpush v0, $0x6;
	[tilespmem:s12], [sflag:$0x2] =	stream.strided.gather [hbm4b:s5+s13], $0x0, s14, s13, $0x38;
	[tilespmem:$0x17840] =	vst v63  }
0xe5: {  	s7 =	sand.u32 $0x1FFFFFF0, s21  }
0xe6: {  	[tilespmem:s12], [sflag:$0x2] =	stream.linear.gather [hbm4b:s5+s2], $0x40, $0x38;
	[tilespmem:$0x17840] =	vst v63  }
0xe7: {  	s23 =	simm.s32 $0xD300;
	s22 =	spop (v2sf);
	s7 =	sadd.s32 s4, s7  }
0xe8: {  	(v2sf) =	vpush v0, $0x7;
	[tilespmem:s23], [sflag:$0x2] =	stream.strided.gather [hbm4b:s7+s13], $0x0, s14, s13, $0x38;
	[tilespmem:$0x17840] =	vst v63  }
0xe9: {  	s0 =	sand.u32 $0x1FFFFFF0, s22  }
0xea: {  	[tilespmem:s23], [sflag:$0x2] =	stream.linear.gather [hbm4b:s7+s2], $0x40, $0x38;
	[tilespmem:$0x17840] =	vst v63  }
0xeb: {  	s9 =	simm.s32 $0xD380;
	s8 =	spop (v2sf);
	s0 =	sadd.s32 s4, s0  }
0xec: {  	(v2sf) =	vpush v0, $0x8;
	[tilespmem:s9], [sflag:$0x2] =	stream.strided.gather [hbm4b:s0+s13], $0x0, s14, s13, $0x38;
	[tilespmem:$0x17840] =	vst v63  }
0xed: {  	s5 =	sand.u32 $0x1FFFFFF0, s8  }
0xee: {  	[tilespmem:s9], [sflag:$0x2] =	stream.linear.gather [hbm4b:s0+s2], $0x40, $0x38;
	[tilespmem:$0x17840] =	vst v63  }
0xef: {  	s11 =	simm.s32 $0xD400;
	s5 =	sadd.s32 s4, s5;
	s10 =	spop (v2sf)  }
0xf0: {  	(v2sf) =	vpush v0, $0x9;
	[tilespmem:s11], [sflag:$0x2] =	stream.strided.gather [hbm4b:s5+s13], $0x0, s14, s13, $0x38;
	[tilespmem:$0x17840] =	vst v63  }
0xf1: {  	s0 =	sand.u32 $0x1FFFFFF0, s10  }
0xf2: {  	[tilespmem:s11], [sflag:$0x2] =	stream.linear.gather [hbm4b:s5+s2], $0x40, $0x38;
	[tilespmem:$0x17840] =	vst v63  }
0xf3: {  	s21 =	simm.s32 $0xD480;
	s12 =	spop (v2sf);
	s0 =	sadd.s32 s4, s0  }
0xf4: {  	(v2sf) =	vpush v0, $0xA;
	[tilespmem:s21], [sflag:$0x2] =	stream.strided.gather [hbm4b:s0+s13], $0x0, s14, s13, $0x38;
	[tilespmem:$0x17840] =	vst v63  }
0xf5: {  	s5 =	sand.u32 $0x1FFFFFF0, s12  }
0xf6: {  	[tilespmem:s21], [sflag:$0x2] =	stream.linear.gather [hbm4b:s0+s2], $0x40, $0x38;
	[tilespmem:$0x17840] =	vst v63  }
0xf7: {  	s23 =	simm.s32 $0xD500;
	s22 =	spop (v2sf);
	s5 =	sadd.s32 s4, s5  }
0xf8: {  	(v2sf) =	vpush v0, $0xB;
	[tilespmem:s23], [sflag:$0x2] =	stream.strided.gather [hbm4b:s5+s13], $0x0, s14, s13, $0x38;
	[tilespmem:$0x17840] =	vst v63  }
0xf9: {  	s0 =	sand.u32 $0x1FFFFFF0, s22  }
0xfa: {  	[tilespmem:s23], [sflag:$0x2] =	stream.linear.gather [hbm4b:s5+s2], $0x40, $0x38;
	[tilespmem:$0x17840] =	vst v63  }
0xfb: {  	s9 =	simm.s32 $0xD580;
	s8 =	spop (v2sf);
	s0 =	sadd.s32 s4, s0  }
0xfc: {  	(v2sf) =	vpush v0, $0xC;
	[tilespmem:s9], [sflag:$0x2] =	stream.strided.gather [hbm4b:s0+s13], $0x0, s14, s13, $0x38;
	[tilespmem:$0x17840] =	vst v63  }
0xfd: {  	s5 =	sand.u32 $0x1FFFFFF0, s8  }
0xfe: {  	[tilespmem:s9], [sflag:$0x2] =	stream.linear.gather [hbm4b:s0+s2], $0x40, $0x38;
	[tilespmem:$0x17840] =	vst v63  }
0xff: {  	s11 =	simm.s32 $0xD600;
	s10 =	spop (v2sf);
	s5 =	sadd.s32 s4, s5  }
0x100: {  	(v2sf) =	vpush v0, $0xD;
	[tilespmem:s11], [sflag:$0x2] =	stream.strided.gather [hbm4b:s5+s13], $0x0, s14, s13, $0x38;
	[tilespmem:$0x17840] =	vst v63  }
0x101: {  	s0 =	sand.u32 $0x1FFFFFF0, s10  }
0x102: {  	[tilespmem:s11], [sflag:$0x2] =	stream.linear.gather [hbm4b:s5+s2], $0x40, $0x38;
	[tilespmem:$0x17840] =	vst v63  }
0x103: {  	s21 =	simm.s32 $0xD680;
	s12 =	spop (v2sf);
	s0 =	sadd.s32 s4, s0  }
0x104: {  	(v2sf) =	vpush v0, $0xE;
	[tilespmem:s21], [sflag:$0x2] =	stream.strided.gather [hbm4b:s0+s13], $0x0, s14, s13, $0x38;
	[tilespmem:$0x17840] =	vst v63  }
0x105: {  	s5 =	sand.u32 $0x1FFFFFF0, s12  }
0x106: {  	[tilespmem:s21], [sflag:$0x2] =	stream.linear.gather [hbm4b:s0+s2], $0x40, $0x38;
	[tilespmem:$0x17840] =	vst v63  }
0x107: {  	s23 =	simm.s32 $0xD700;
	s22 =	spop (v2sf);
	s5 =	sadd.s32 s4, s5  }
0x108: {  	(v2sf) =	vpush v0, $0xF;
	[tilespmem:s23], [sflag:$0x2] =	stream.strided.gather [hbm4b:s5+s13], $0x0, s14, s13, $0x38;
	[tilespmem:$0x17840] =	vst v63  }
0x109: {  	s0 =	sand.u32 $0x1FFFFFF0, s22  }
0x10a: {  	[tilespmem:s23], [sflag:$0x2] =	stream.linear.gather [hbm4b:s5+s2], $0x40, $0x38;
	[tilespmem:$0x17840] =	vst v63  }
0x10b: {  	s8 =	spop (v2sf);
	s9 =	simm.s32 $0xD780;
	s0 =	sadd.s32 s4, s0  }
0x10c: {  	[tilespmem:s9], [sflag:$0x2] =	stream.strided.gather [hbm4b:s0+s13], $0x0, s14, s13, $0x38;
	[tilespmem:$0x17840] =	vst v63  }
0x10d: {  	s5 =	sand.u32 $0x1FFFFFF0, s8  }
0x10e: {  	[tilespmem:s9], [sflag:$0x2] =	stream.linear.gather [hbm4b:s0+s2], $0x40, $0x38;
	[tilespmem:$0x17840] =	vst v63  }
0x10f: {  	s11 =	simm.s32 $0xD800;
	s10 =	spop (v2sf);
	s5 =	sadd.s32 s4, s5  }
0x110: {  	[tilespmem:s11], [sflag:$0x2] =	stream.strided.gather [hbm4b:s5+s13], $0x0, s14, s13, $0x38;
	[tilespmem:$0x17840] =	vst v63  }
0x111: {  	s0 =	sand.u32 $0x1FFFFFF0, s10  }
0x112: {  	[tilespmem:s11], [sflag:$0x2] =	stream.linear.gather [hbm4b:s5+s2], $0x40, $0x38;
	[tilespmem:$0x17840] =	vst v63  }
0x113: {  	s21 =	simm.s32 $0xD880;
	s12 =	spop (v2sf);
	s0 =	sadd.s32 s4, s0  }
0x114: {  	[tilespmem:s21], [sflag:$0x2] =	stream.strided.gather [hbm4b:s0+s13], $0x0, s14, s13, $0x38;
	[tilespmem:$0x17840] =	vst v63  }
0x115: {  	s5 =	sand.u32 $0x1FFFFFF0, s12  }
0x116: {  	[tilespmem:s21], [sflag:$0x2] =	stream.linear.gather [hbm4b:s0+s2], $0x40, $0x38;
	[tilespmem:$0x17840] =	vst v63  }
0x117: {  	s23 =	simm.s32 $0xD900;
	s22 =	spop (v2sf);
	s5 =	sadd.s32 s4, s5  }
0x118: {  	[tilespmem:s23], [sflag:$0x2] =	stream.strided.gather [hbm4b:s5+s13], $0x0, s14, s13, $0x38;
	[tilespmem:$0x17840] =	vst v63  }
0x119: {  	s29 =	sshllo.u32 s24, $0x1;
	s30 =	simm.s32 $0x2000;
	s8 =	sand.u32 $0x1FFFFFF0, s22  }
0x11a: {  	[tilespmem:s23], [sflag:$0x2] =	stream.linear.gather [hbm4b:s5+s2], $0x40, $0x38;
	[tilespmem:$0x17840] =	vst v63  }
0x11b: {  	s31 =	smov.u32 s25;
	s0 =	simm.s32 $0xD980;
	s5 =	sadd.s32 s4, s8  }
0x11c: {  	[tilespmem:s0], [sflag:$0x2] =	stream.strided.gather [hbm4b:s5+s13], $0x0, s14, s13, $0x38;
	[tilespmem:$0x17840] =	vst v63  }
.LBB2_5:
0x11d: {  	p1 =	sne.s32 s30, $0x26000  }
0x11e: {  	s31 =	sadd.s32 $0x10, s31;
	s7 =	smov.u32 s30;
	s30 =	sadd.s32 $0x2000, s30  }
0x11f: {  	[tilespmem:s0], [sflag:$0x2] =	stream.linear.gather [hbm4b:s5+s2], $0x40, $0x38;
	[tilespmem:$0x17840] =	vst v63  }
0x120: {  	v0 =	vld [tilespmem:s31+$0x0];
	_ =	sdelay $0x4  }
0x121: {  	v0 =	vshll.u32 v0, $0x4  }
0x122: {  	(v2sf) =	vpush v0, $0x0  }
0x123: {  	(v2sf) =	vpush v0, $0x1  }
0x124: {  	(v2sf) =	vpush v0, $0x2;
	_ =	sdelay $0x2  }
0x125: {  	(v2sf) =	vpush v0, $0x3;
	_ =	sdelay $0x1  }
0x126: {  	(v2sf) =	vpush v0, $0x4;
	_ =	sdelay $0x1  }
0x127: {  	(v2sf) =	vpush v0, $0x5;
	_ =	sdelay $0x1  }
0x128: {  	(v2sf) =	vpush v0, $0x6;
	_ =	sdelay $0x1  }
0x129: {  	(v2sf) =	vpush v0, $0x7;
	_ =	sdelay $0x1  }
0x12a: {  	s5 =	spop (v2sf);
	(v2sf) =	vpush v0, $0x8  }
0x12b: {  	s0 =	sshra.s32 s7, $0x2;
	s5 =	sand.u32 $0x1FFFFFF0, s5;
	s7 =	spop (v2sf)  }
0x12c: {  	s8 =	sadd.s32 $0xD280, s0;
	s5 =	sadd.s32 s4, s5;
	s9 =	spop (v2sf);
	(v2sf) =	vpush v0, $0x9  }
0x12d: {  	s10 =	sadd.s32 $0xD200, s0;
	s7 =	sand.u32 $0x1FFFFFF0, s7;
	s9 =	sand.u32 $0x1FFFFFF0, s9  }
0x12e: {  	[tilespmem:s10], [sflag:$0x2] =	stream.strided.gather [hbm4b:s5+s13], $0x0, s14, s13, $0x38;
	(v2sf) =	vpush v0, $0xA;
	[tilespmem:$0x17840] =	vst v63  }
0x12f: {  	s12 =	spop (v2sf)  }
0x130: {  	[tilespmem:s10], [sflag:$0x2] =	stream.linear.gather [hbm4b:s5+s2], $0x40, $0x38;
	(v2sf) =	vpush v0, $0xB;
	[tilespmem:$0x17840] =	vst v63  }
0x131: {  	s5 =	sadd.s32 s4, s7;
	s7 =	sand.u32 $0x1FFFFFF0, s12;
	s10 =	spop (v2sf)  }
0x132: {  	[tilespmem:s8], [sflag:$0x2] =	stream.strided.gather [hbm4b:s5+s13], $0x0, s14, s13, $0x38;
	(v2sf) =	vpush v0, $0xC;
	[tilespmem:$0x17840] =	vst v63  }
0x133: {  	s12 =	sadd.s32 $0xD300, s0;
	s10 =	sand.u32 $0x1FFFFFF0, s10;
	s22 =	spop (v2sf)  }
0x134: {  	[tilespmem:s8], [sflag:$0x2] =	stream.linear.gather [hbm4b:s5+s2], $0x40, $0x38;
	[tilespmem:$0x17840] =	vst v63  }
0x135: {  	s5 =	sadd.s32 s4, s9;
	s8 =	sand.u32 $0x1FFFFFF0, s22;
	s9 =	spop (v2sf)  }
0x136: {  	[tilespmem:s12], [sflag:$0x2] =	stream.strided.gather [hbm4b:s5+s13], $0x0, s14, s13, $0x38;
	(v2sf) =	vpush v0, $0xD;
	[tilespmem:$0x17840] =	vst v63  }
0x137: {  	s22 =	sadd.s32 $0xD380, s0;
	s9 =	sand.u32 $0x1FFFFFF0, s9;
	s11 =	spop (v2sf)  }
0x138: {  	[tilespmem:s12], [sflag:$0x2] =	stream.linear.gather [hbm4b:s5+s2], $0x40, $0x38;
	[tilespmem:$0x17840] =	vst v63  }
0x139: {  	s5 =	sadd.s32 s4, s7;
	s7 =	sand.u32 $0x1FFFFFF0, s11;
	s11 =	spop (v2sf)  }
0x13a: {  	[tilespmem:s22], [sflag:$0x2] =	stream.strided.gather [hbm4b:s5+s13], $0x0, s14, s13, $0x38;
	(v2sf) =	vpush v0, $0xE;
	[tilespmem:$0x17840] =	vst v63  }
0x13b: {  	s12 =	sadd.s32 $0xD400, s0;
	s11 =	sand.u32 $0x1FFFFFF0, s11;
	s23 =	spop (v2sf)  }
0x13c: {  	[tilespmem:s22], [sflag:$0x2] =	stream.linear.gather [hbm4b:s5+s2], $0x40, $0x38;
	[tilespmem:$0x17840] =	vst v63  }
0x13d: {  	s5 =	sadd.s32 s4, s10;
	s10 =	sand.u32 $0x1FFFFFF0, s23;
	s22 =	spop (v2sf)  }
0x13e: {  	[tilespmem:s12], [sflag:$0x2] =	stream.strided.gather [hbm4b:s5+s13], $0x0, s14, s13, $0x38;
	(v2sf) =	vpush v0, $0xF;
	[tilespmem:$0x17840] =	vst v63  }
0x13f: {  	s23 =	sadd.s32 $0xD480, s0;
	s22 =	sand.u32 $0x1FFFFFF0, s22;
	s21 =	spop (v2sf)  }
0x140: {  	[tilespmem:s12], [sflag:$0x2] =	stream.linear.gather [hbm4b:s5+s2], $0x40, $0x38;
	[tilespmem:$0x17840] =	vst v63  }
0x141: {  	s5 =	sadd.s32 s4, s8;
	s8 =	sand.u32 $0x1FFFFFF0, s21;
	s12 =	spop (v2sf)  }
0x142: {  	[tilespmem:s23], [sflag:$0x2] =	stream.strided.gather [hbm4b:s5+s13], $0x0, s14, s13, $0x38;
	[tilespmem:$0x17840] =	vst v63  }
0x143: {  	s9 =	sadd.s32 s4, s9;
	s21 =	sadd.s32 $0xD500, s0;
	s12 =	sand.u32 $0x1FFFFFF0, s12  }
0x144: {  	[tilespmem:s23], [sflag:$0x2] =	stream.linear.gather [hbm4b:s5+s2], $0x40, $0x38;
	[tilespmem:$0x17840] =	vst v63  }
0x145: {  	s5 =	spop (v2sf)  }
0x146: {  	[tilespmem:s21], [sflag:$0x2] =	stream.strided.gather [hbm4b:s9+s13], $0x0, s14, s13, $0x38;
	[tilespmem:$0x17840] =	vst v63  }
0x147: {  	s7 =	sadd.s32 s4, s7;
	s23 =	sadd.s32 $0xD580, s0;
	s5 =	sand.u32 $0x1FFFFFF0, s5  }
0x148: {  	[tilespmem:s21], [sflag:$0x2] =	stream.linear.gather [hbm4b:s9+s2], $0x40, $0x38;
	[tilespmem:$0x17840] =	vst v63  }
0x149: {  	s9 =	spop (v2sf)  }
0x14a: {  	[tilespmem:s23], [sflag:$0x2] =	stream.strided.gather [hbm4b:s7+s13], $0x0, s14, s13, $0x38;
	[tilespmem:$0x17840] =	vst v63  }
0x14b: {  	s11 =	sadd.s32 s4, s11;
	s21 =	sadd.s32 $0xD600, s0;
	s9 =	sand.u32 $0x1FFFFFF0, s9  }
0x14c: {  	[tilespmem:s23], [sflag:$0x2] =	stream.linear.gather [hbm4b:s7+s2], $0x40, $0x38;
	[tilespmem:$0x17840] =	vst v63  }
0x14d: {  	s7 =	spop (v2sf)  }
0x14e: {  	[tilespmem:s21], [sflag:$0x2] =	stream.strided.gather [hbm4b:s11+s13], $0x0, s14, s13, $0x38;
	[tilespmem:$0x17840] =	vst v63  }
0x14f: {  	s10 =	sadd.s32 s4, s10;
	s23 =	sadd.s32 $0xD680, s0;
	s7 =	sand.u32 $0x1FFFFFF0, s7  }
0x150: {  	[tilespmem:s21], [sflag:$0x2] =	stream.linear.gather [hbm4b:s11+s2], $0x40, $0x38;
	[tilespmem:$0x17840] =	vst v63  }
0x151: {  	_ = 	snop  }
0x152: {  	[tilespmem:s23], [sflag:$0x2] =	stream.strided.gather [hbm4b:s10+s13], $0x0, s14, s13, $0x38;
	[tilespmem:$0x17840] =	vst v63  }
0x153: {  	s11 =	sadd.s32 $0xD700, s0;
	s21 =	sadd.s32 s4, s22  }
0x154: {  	[tilespmem:s23], [sflag:$0x2] =	stream.linear.gather [hbm4b:s10+s2], $0x40, $0x38;
	[tilespmem:$0x17840] =	vst v63  }
0x155: {  	_ = 	snop  }
0x156: {  	[tilespmem:s11], [sflag:$0x2] =	stream.strided.gather [hbm4b:s21+s13], $0x0, s14, s13, $0x38;
	[tilespmem:$0x17840] =	vst v63  }
0x157: {  	s8 =	sadd.s32 s4, s8;
	s10 =	sadd.s32 $0xD780, s0  }
0x158: {  	[tilespmem:s11], [sflag:$0x2] =	stream.linear.gather [hbm4b:s21+s2], $0x40, $0x38;
	[tilespmem:$0x17840] =	vst v63  }
0x159: {  	_ = 	snop  }
0x15a: {  	[tilespmem:s10], [sflag:$0x2] =	stream.strided.gather [hbm4b:s8+s13], $0x0, s14, s13, $0x38;
	[tilespmem:$0x17840] =	vst v63  }
0x15b: {  	s12 =	sadd.s32 s4, s12;
	s11 =	sadd.s32 $0xD800, s0  }
0x15c: {  	[tilespmem:s10], [sflag:$0x2] =	stream.linear.gather [hbm4b:s8+s2], $0x40, $0x38;
	[tilespmem:$0x17840] =	vst v63  }
0x15d: {  	_ = 	snop  }
0x15e: {  	[tilespmem:s11], [sflag:$0x2] =	stream.strided.gather [hbm4b:s12+s13], $0x0, s14, s13, $0x38;
	[tilespmem:$0x17840] =	vst v63  }
0x15f: {  	s5 =	sadd.s32 s4, s5;
	s8 =	sadd.s32 $0xD880, s0  }
0x160: {  	[tilespmem:s11], [sflag:$0x2] =	stream.linear.gather [hbm4b:s12+s2], $0x40, $0x38;
	[tilespmem:$0x17840] =	vst v63  }
0x161: {  	_ = 	snop  }
0x162: {  	[tilespmem:s8], [sflag:$0x2] =	stream.strided.gather [hbm4b:s5+s13], $0x0, s14, s13, $0x38;
	[tilespmem:$0x17840] =	vst v63  }
0x163: {  	s9 =	sadd.s32 s4, s9;
	s10 =	sadd.s32 $0xD900, s0  }
0x164: {  	[tilespmem:s8], [sflag:$0x2] =	stream.linear.gather [hbm4b:s5+s2], $0x40, $0x38;
	[tilespmem:$0x17840] =	vst v63  }
0x165: {  	_ = 	snop  }
0x166: {  	[tilespmem:s10], [sflag:$0x2] =	stream.strided.gather [hbm4b:s9+s13], $0x0, s14, s13, $0x38;
	[tilespmem:$0x17840] =	vst v63  }
.Ltmp5:
0x167: {  	_ = 	snop;
	(pc) =	sbr.rel @p1 .LBB2_5-.Ltmp5, $4  }
0x168: {  	s0 =	sadd.s32 $0xD980, s0;
	s5 =	sadd.s32 s4, s7  }
0x169: {  	[tilespmem:s10], [sflag:$0x2] =	stream.linear.gather [hbm4b:s9+s2], $0x40, $0x38;
	[tilespmem:$0x17840] =	vst v63  }
0x16a: {  	_ = 	snop  }
0x16b: {  	[tilespmem:s0], [sflag:$0x2] =	stream.strided.gather [hbm4b:s5+s13], $0x0, s14, s13, $0x38;
	[tilespmem:$0x17840] =	vst v63  }
0x16c: {  	[tilespmem:s0], [sflag:$0x2] =	stream.linear.gather [hbm4b:s5+s2], $0x40, $0x38;
	[tilespmem:$0x17840] =	vst v63  }
0x16d: {  	s30 =	sadd.s32 s3, s28;
	_ =	swait.ge [sflag:s18], $0xA000  }
0x16e: {  	s0 =	sshll.u32 s30, $0x4;
	[sflag:s18] =	ssyncset.done $0x0  }
0x16f: {  	p1 =	seq.s32 s24, $0x9;
	s0 =	sadd.s32 s6, s0;
	[sflag:s18] =	ssyncadd.s32 $0xFFFF6000  }
0x170: {  	[hbm4b:s0+s2] =	stream.linear.scatter [tilespmem:s17], [sflag:$0x4], $0xA000, $0x38;
	[tilespmem:$0x17840] =	vst v63  }
.Ltmp6:
0x171: {  	_ = 	snop;
	(pc) =	sbr.rel @p1 .LBB2_10-.Ltmp6, $4  }
0x172: {  	s28 =	smul.u32 $0x140, s29;
	_ =	swait.ge [sflag:s19], $0x5000  }
0x173: {  	[sflag:s19] =	ssyncset.done $0x0  }
0x174: {  	s31 =	sadd.s32 $0x1900, s28;
	[sflag:s19] =	ssyncadd.s32 $0xFFFFB000  }
0x175: {  	[tilespmem:s20], [sflag:$0x3] =	stream.indirect.gather.add.f32 [spmem:s1], $0x80, s31, s16, $0xb8;
	[tilespmem:$0x17840] =	vst v63  }
0x176: {  	s7 =	simm.s32 $0x4  }
0x177: {  	s0 =	simm.s32 $0x0;
	s5 =	sadd.s32 $0x0, s26;
	_ =	swait.ge [sflag:s7], $0xA000  }
0x178: {  	s5 =	sand.u32 $0xFF80, s5;
	s0 =	sand.u32 $0x70, s0;
	[sflag:s7] =	ssyncset.done $0x0  }
0x179: {  	s0 =	sor.u32 s0, s5;
	[sflag:s7] =	ssyncadd.s32 $0xFFFF6000  }
0x17a: {  	v0 =	vld [tilespmem:s0+$0x0];
	_ =	sdelay $0x4  }
0x17b: {  	v0 =	vshll.u32 v0, $0x4  }
0x17c: {  	(v2sf) =	vpush v0, $0x0;
	_ =	sdelay $0x1  }
0x17d: {  	(v2sf) =	vpush v0, $0x1;
	_ =	sdelay $0x3  }
0x17e: {  	(v2sf) =	vpush v0, $0x2;
	_ =	sdelay $0x3  }
0x17f: {  	(v2sf) =	vpush v0, $0x3;
	_ =	sdelay $0x3  }
0x180: {  	(v2sf) =	vpush v0, $0x4  }
0x181: {  	s9 =	spop (v2sf)  }
0x182: {  	s0 =	sand.u32 $0x1FFFFFF0, s9  }
0x183: {  	s11 =	simm.s32 $0x3200;
	s10 =	spop (v2sf);
	s0 =	sadd.s32 s4, s0  }
0x184: {  	(v2sf) =	vpush v0, $0x5;
	[tilespmem:s11], [sflag:$0x1] =	stream.strided.gather [hbm4b:s0+s13], $0x0, s14, s13, $0x38;
	[tilespmem:$0x17840] =	vst v63  }
0x185: {  	s5 =	sand.u32 $0x1FFFFFF0, s10  }
0x186: {  	[tilespmem:s11], [sflag:$0x1] =	stream.linear.gather [hbm4b:s0+s2], $0x40, $0x38;
	[tilespmem:$0x17840] =	vst v63  }
0x187: {  	s12 =	simm.s32 $0x3280;
	s21 =	spop (v2sf);
	s5 =	sadd.s32 s4, s5  }
0x188: {  	(v2sf) =	vpush v0, $0x6;
	[tilespmem:s12], [sflag:$0x1] =	stream.strided.gather [hbm4b:s5+s13], $0x0, s14, s13, $0x38;
	[tilespmem:$0x17840] =	vst v63  }
0x189: {  	s7 =	sand.u32 $0x1FFFFFF0, s21  }
0x18a: {  	[tilespmem:s12], [sflag:$0x1] =	stream.linear.gather [hbm4b:s5+s2], $0x40, $0x38;
	[tilespmem:$0x17840] =	vst v63  }
0x18b: {  	s23 =	simm.s32 $0x3300;
	s22 =	spop (v2sf);
	s7 =	sadd.s32 s4, s7  }
0x18c: {  	(v2sf) =	vpush v0, $0x7;
	[tilespmem:s23], [sflag:$0x1] =	stream.strided.gather [hbm4b:s7+s13], $0x0, s14, s13, $0x38;
	[tilespmem:$0x17840] =	vst v63  }
0x18d: {  	s0 =	sand.u32 $0x1FFFFFF0, s22  }
0x18e: {  	[tilespmem:s23], [sflag:$0x1] =	stream.linear.gather [hbm4b:s7+s2], $0x40, $0x38;
	[tilespmem:$0x17840] =	vst v63  }
0x18f: {  	s9 =	simm.s32 $0x3380;
	s8 =	spop (v2sf);
	s0 =	sadd.s32 s4, s0  }
0x190: {  	(v2sf) =	vpush v0, $0x8;
	[tilespmem:s9], [sflag:$0x1] =	stream.strided.gather [hbm4b:s0+s13], $0x0, s14, s13, $0x38;
	[tilespmem:$0x17840] =	vst v63  }
0x191: {  	s5 =	sand.u32 $0x1FFFFFF0, s8  }
0x192: {  	[tilespmem:s9], [sflag:$0x1] =	stream.linear.gather [hbm4b:s0+s2], $0x40, $0x38;
	[tilespmem:$0x17840] =	vst v63  }
0x193: {  	s11 =	simm.s32 $0x3400;
	s5 =	sadd.s32 s4, s5;
	s10 =	spop (v2sf)  }
0x194: {  	(v2sf) =	vpush v0, $0x9;
	[tilespmem:s11], [sflag:$0x1] =	stream.strided.gather [hbm4b:s5+s13], $0x0, s14, s13, $0x38;
	[tilespmem:$0x17840] =	vst v63  }
0x195: {  	s0 =	sand.u32 $0x1FFFFFF0, s10  }
0x196: {  	[tilespmem:s11], [sflag:$0x1] =	stream.linear.gather [hbm4b:s5+s2], $0x40, $0x38;
	[tilespmem:$0x17840] =	vst v63  }
0x197: {  	s21 =	simm.s32 $0x3480;
	s12 =	spop (v2sf);
	s0 =	sadd.s32 s4, s0  }
0x198: {  	(v2sf) =	vpush v0, $0xA;
	[tilespmem:s21], [sflag:$0x1] =	stream.strided.gather [hbm4b:s0+s13], $0x0, s14, s13, $0x38;
	[tilespmem:$0x17840] =	vst v63  }
0x199: {  	s5 =	sand.u32 $0x1FFFFFF0, s12  }
0x19a: {  	[tilespmem:s21], [sflag:$0x1] =	stream.linear.gather [hbm4b:s0+s2], $0x40, $0x38;
	[tilespmem:$0x17840] =	vst v63  }
0x19b: {  	s23 =	simm.s32 $0x3500;
	s22 =	spop (v2sf);
	s5 =	sadd.s32 s4, s5  }
0x19c: {  	(v2sf) =	vpush v0, $0xB;
	[tilespmem:s23], [sflag:$0x1] =	stream.strided.gather [hbm4b:s5+s13], $0x0, s14, s13, $0x38;
	[tilespmem:$0x17840] =	vst v63  }
0x19d: {  	s0 =	sand.u32 $0x1FFFFFF0, s22  }
0x19e: {  	[tilespmem:s23], [sflag:$0x1] =	stream.linear.gather [hbm4b:s5+s2], $0x40, $0x38;
	[tilespmem:$0x17840] =	vst v63  }
0x19f: {  	s9 =	simm.s32 $0x3580;
	s8 =	spop (v2sf);
	s0 =	sadd.s32 s4, s0  }
0x1a0: {  	(v2sf) =	vpush v0, $0xC;
	[tilespmem:s9], [sflag:$0x1] =	stream.strided.gather [hbm4b:s0+s13], $0x0, s14, s13, $0x38;
	[tilespmem:$0x17840] =	vst v63  }
0x1a1: {  	s5 =	sand.u32 $0x1FFFFFF0, s8  }
0x1a2: {  	[tilespmem:s9], [sflag:$0x1] =	stream.linear.gather [hbm4b:s0+s2], $0x40, $0x38;
	[tilespmem:$0x17840] =	vst v63  }
0x1a3: {  	s11 =	simm.s32 $0x3600;
	s10 =	spop (v2sf);
	s5 =	sadd.s32 s4, s5  }
0x1a4: {  	(v2sf) =	vpush v0, $0xD;
	[tilespmem:s11], [sflag:$0x1] =	stream.strided.gather [hbm4b:s5+s13], $0x0, s14, s13, $0x38;
	[tilespmem:$0x17840] =	vst v63  }
0x1a5: {  	s0 =	sand.u32 $0x1FFFFFF0, s10  }
0x1a6: {  	[tilespmem:s11], [sflag:$0x1] =	stream.linear.gather [hbm4b:s5+s2], $0x40, $0x38;
	[tilespmem:$0x17840] =	vst v63  }
0x1a7: {  	s21 =	simm.s32 $0x3680;
	s12 =	spop (v2sf);
	s0 =	sadd.s32 s4, s0  }
0x1a8: {  	(v2sf) =	vpush v0, $0xE;
	[tilespmem:s21], [sflag:$0x1] =	stream.strided.gather [hbm4b:s0+s13], $0x0, s14, s13, $0x38;
	[tilespmem:$0x17840] =	vst v63  }
0x1a9: {  	s5 =	sand.u32 $0x1FFFFFF0, s12  }
0x1aa: {  	[tilespmem:s21], [sflag:$0x1] =	stream.linear.gather [hbm4b:s0+s2], $0x40, $0x38;
	[tilespmem:$0x17840] =	vst v63  }
0x1ab: {  	s23 =	simm.s32 $0x3700;
	s22 =	spop (v2sf);
	s5 =	sadd.s32 s4, s5  }
0x1ac: {  	(v2sf) =	vpush v0, $0xF;
	[tilespmem:s23], [sflag:$0x1] =	stream.strided.gather [hbm4b:s5+s13], $0x0, s14, s13, $0x38;
	[tilespmem:$0x17840] =	vst v63  }
0x1ad: {  	s0 =	sand.u32 $0x1FFFFFF0, s22  }
0x1ae: {  	[tilespmem:s23], [sflag:$0x1] =	stream.linear.gather [hbm4b:s5+s2], $0x40, $0x38;
	[tilespmem:$0x17840] =	vst v63  }
0x1af: {  	s8 =	simm.s32 $0x3780;
	s7 =	spop (v2sf);
	s0 =	sadd.s32 s4, s0  }
0x1b0: {  	[tilespmem:s8], [sflag:$0x1] =	stream.strided.gather [hbm4b:s0+s13], $0x0, s14, s13, $0x38;
	[tilespmem:$0x17840] =	vst v63  }
0x1b1: {  	s5 =	sand.u32 $0x1FFFFFF0, s7  }
0x1b2: {  	[tilespmem:s8], [sflag:$0x1] =	stream.linear.gather [hbm4b:s0+s2], $0x40, $0x38;
	[tilespmem:$0x17840] =	vst v63  }
0x1b3: {  	s10 =	simm.s32 $0x3800;
	s9 =	spop (v2sf);
	s5 =	sadd.s32 s4, s5  }
0x1b4: {  	[tilespmem:s10], [sflag:$0x1] =	stream.strided.gather [hbm4b:s5+s13], $0x0, s14, s13, $0x38;
	[tilespmem:$0x17840] =	vst v63  }
0x1b5: {  	s0 =	sand.u32 $0x1FFFFFF0, s9  }
0x1b6: {  	[tilespmem:s10], [sflag:$0x1] =	stream.linear.gather [hbm4b:s5+s2], $0x40, $0x38;
	[tilespmem:$0x17840] =	vst v63  }
0x1b7: {  	s12 =	simm.s32 $0x3880;
	s11 =	spop (v2sf);
	s0 =	sadd.s32 s4, s0  }
0x1b8: {  	[tilespmem:s12], [sflag:$0x1] =	stream.strided.gather [hbm4b:s0+s13], $0x0, s14, s13, $0x38;
	[tilespmem:$0x17840] =	vst v63  }
0x1b9: {  	s5 =	sand.u32 $0x1FFFFFF0, s11  }
0x1ba: {  	[tilespmem:s12], [sflag:$0x1] =	stream.linear.gather [hbm4b:s0+s2], $0x40, $0x38;
	[tilespmem:$0x17840] =	vst v63  }
0x1bb: {  	s21 =	simm.s32 $0x3900;
	s22 =	spop (v2sf);
	s5 =	sadd.s32 s4, s5  }
0x1bc: {  	[tilespmem:s21], [sflag:$0x1] =	stream.strided.gather [hbm4b:s5+s13], $0x0, s14, s13, $0x38;
	[tilespmem:$0x17840] =	vst v63  }
0x1bd: {  	s29 =	simm.s32 $0x2000;
	s31 =	simm.s32 $0x4000;
	s23 =	sand.u32 $0x1FFFFFF0, s22  }
0x1be: {  	[tilespmem:s21], [sflag:$0x1] =	stream.linear.gather [hbm4b:s5+s2], $0x40, $0x38;
	[tilespmem:$0x17840] =	vst v63  }
0x1bf: {  	s30 =	simm.s32 $0x10;
	s0 =	simm.s32 $0x3980;
	s5 =	sadd.s32 s4, s23  }
.LBB2_8:
0x1c0: {  	p1 =	sne.s32 s31, $0x26000  }
0x1c1: {  	s7 =	sadd.s32 s30, s26;
	s8 =	smov.u32 s31;
	s31 =	sadd.s32 $0x2000, s31  }
0x1c2: {  	[tilespmem:s0], [sflag:$0x1] =	stream.strided.gather [hbm4b:s5+s13], $0x0, s14, s13, $0x38;
	[tilespmem:$0x17840] =	vst v63  }
0x1c3: {  	s9 =	sand.u32 $0x70, s30;
	s7 =	sand.u32 $0xFF80, s7  }
0x1c4: {  	[tilespmem:s0], [sflag:$0x1] =	stream.linear.gather [hbm4b:s5+s2], $0x40, $0x38;
	[tilespmem:$0x17840] =	vst v63  }
0x1c5: {  	s0 =	sor.u32 s9, s7  }
0x1c6: {  	v0 =	vld [tilespmem:s0+$0x0];
	_ =	sdelay $0x4  }
0x1c7: {  	v0 =	vshll.u32 v0, $0x4  }
0x1c8: {  	(v2sf) =	vpush v0, $0x0  }
0x1c9: {  	(v2sf) =	vpush v0, $0x1;
	_ =	sdelay $0x2  }
0x1ca: {  	(v2sf) =	vpush v0, $0x2;
	_ =	sdelay $0x1  }
0x1cb: {  	(v2sf) =	vpush v0, $0x3;
	_ =	sdelay $0x1  }
0x1cc: {  	(v2sf) =	vpush v0, $0x4;
	_ =	sdelay $0x3  }
0x1cd: {  	(v2sf) =	vpush v0, $0x5;
	_ =	sdelay $0x2  }
0x1ce: {  	s12 =	sshra.s32 s29, $0x2;
	s29 =	smov.u32 s8;
	s0 =	spop (v2sf)  }
0x1cf: {  	s5 =	sadd.s32 $0x3280, s12;
	s0 =	sand.u32 $0x1FFFFFF0, s0;
	s7 =	spop (v2sf);
	(v2sf) =	vpush v0, $0x6  }
0x1d0: {  	s8 =	sadd.s32 $0x3200, s12;
	s9 =	sadd.s32 s4, s0;
	s7 =	sand.u32 $0x1FFFFFF0, s7  }
0x1d1: {  	[tilespmem:s8], [sflag:$0x1] =	stream.strided.gather [hbm4b:s9+s13], $0x0, s14, s13, $0x38;
	[tilespmem:$0x17840] =	vst v63  }
0x1d2: {  	s0 =	sadd.s32 $0x3980, s12;
	s10 =	spop (v2sf)  }
0x1d3: {  	[tilespmem:s8], [sflag:$0x1] =	stream.linear.gather [hbm4b:s9+s2], $0x40, $0x38;
	(v2sf) =	vpush v0, $0x7;
	[tilespmem:$0x17840] =	vst v63  }
0x1d4: {  	s7 =	sadd.s32 s4, s7;
	s8 =	sand.u32 $0x1FFFFFF0, s10;
	s9 =	spop (v2sf)  }
0x1d5: {  	[tilespmem:s5], [sflag:$0x1] =	stream.strided.gather [hbm4b:s7+s13], $0x0, s14, s13, $0x38;
	[tilespmem:$0x17840] =	vst v63  }
0x1d6: {  	s9 =	sand.u32 $0x1FFFFFF0, s9;
	s10 =	spop (v2sf)  }
0x1d7: {  	[tilespmem:s5], [sflag:$0x1] =	stream.linear.gather [hbm4b:s7+s2], $0x40, $0x38;
	(v2sf) =	vpush v0, $0x8;
	[tilespmem:$0x17840] =	vst v63  }
0x1d8: {  	s5 =	sadd.s32 $0x3300, s12;
	s7 =	sadd.s32 s4, s8;
	s8 =	sand.u32 $0x1FFFFFF0, s10  }
0x1d9: {  	[tilespmem:s5], [sflag:$0x1] =	stream.strided.gather [hbm4b:s7+s13], $0x0, s14, s13, $0x38;
	[tilespmem:$0x17840] =	vst v63  }
0x1da: {  	s10 =	spop (v2sf)  }
0x1db: {  	[tilespmem:s5], [sflag:$0x1] =	stream.linear.gather [hbm4b:s7+s2], $0x40, $0x38;
	(v2sf) =	vpush v0, $0x9;
	[tilespmem:$0x17840] =	vst v63  }
0x1dc: {  	s5 =	sadd.s32 $0x3380, s12;
	s7 =	sadd.s32 s4, s9;
	s9 =	sand.u32 $0x1FFFFFF0, s10  }
0x1dd: {  	[tilespmem:s5], [sflag:$0x1] =	stream.strided.gather [hbm4b:s7+s13], $0x0, s14, s13, $0x38;
	[tilespmem:$0x17840] =	vst v63  }
0x1de: {  	s10 =	spop (v2sf)  }
0x1df: {  	[tilespmem:s5], [sflag:$0x1] =	stream.linear.gather [hbm4b:s7+s2], $0x40, $0x38;
	(v2sf) =	vpush v0, $0xA;
	[tilespmem:$0x17840] =	vst v63  }
0x1e0: {  	s5 =	sadd.s32 $0x3400, s12;
	s7 =	sadd.s32 s4, s8;
	s8 =	sand.u32 $0x1FFFFFF0, s10  }
0x1e1: {  	[tilespmem:s5], [sflag:$0x1] =	stream.strided.gather [hbm4b:s7+s13], $0x0, s14, s13, $0x38;
	[tilespmem:$0x17840] =	vst v63  }
0x1e2: {  	s10 =	spop (v2sf)  }
0x1e3: {  	[tilespmem:s5], [sflag:$0x1] =	stream.linear.gather [hbm4b:s7+s2], $0x40, $0x38;
	(v2sf) =	vpush v0, $0xB;
	[tilespmem:$0x17840] =	vst v63  }
0x1e4: {  	s5 =	sadd.s32 $0x3480, s12;
	s7 =	sadd.s32 s4, s9;
	s9 =	sand.u32 $0x1FFFFFF0, s10  }
0x1e5: {  	[tilespmem:s5], [sflag:$0x1] =	stream.strided.gather [hbm4b:s7+s13], $0x0, s14, s13, $0x38;
	[tilespmem:$0x17840] =	vst v63  }
0x1e6: {  	s10 =	spop (v2sf)  }
0x1e7: {  	[tilespmem:s5], [sflag:$0x1] =	stream.linear.gather [hbm4b:s7+s2], $0x40, $0x38;
	(v2sf) =	vpush v0, $0xC;
	[tilespmem:$0x17840] =	vst v63  }
0x1e8: {  	s5 =	sadd.s32 $0x3500, s12;
	s7 =	sadd.s32 s4, s8;
	s8 =	sand.u32 $0x1FFFFFF0, s10  }
0x1e9: {  	[tilespmem:s5], [sflag:$0x1] =	stream.strided.gather [hbm4b:s7+s13], $0x0, s14, s13, $0x38;
	[tilespmem:$0x17840] =	vst v63  }
0x1ea: {  	s10 =	spop (v2sf)  }
0x1eb: {  	[tilespmem:s5], [sflag:$0x1] =	stream.linear.gather [hbm4b:s7+s2], $0x40, $0x38;
	(v2sf) =	vpush v0, $0xD;
	[tilespmem:$0x17840] =	vst v63  }
0x1ec: {  	s5 =	sadd.s32 $0x3580, s12;
	s7 =	sadd.s32 s4, s9;
	s9 =	sand.u32 $0x1FFFFFF0, s10  }
0x1ed: {  	[tilespmem:s5], [sflag:$0x1] =	stream.strided.gather [hbm4b:s7+s13], $0x0, s14, s13, $0x38;
	[tilespmem:$0x17840] =	vst v63  }
0x1ee: {  	s10 =	spop (v2sf)  }
0x1ef: {  	[tilespmem:s5], [sflag:$0x1] =	stream.linear.gather [hbm4b:s7+s2], $0x40, $0x38;
	(v2sf) =	vpush v0, $0xE;
	[tilespmem:$0x17840] =	vst v63  }
0x1f0: {  	s5 =	sadd.s32 $0x3600, s12;
	s7 =	sadd.s32 s4, s8;
	s8 =	sand.u32 $0x1FFFFFF0, s10  }
0x1f1: {  	[tilespmem:s5], [sflag:$0x1] =	stream.strided.gather [hbm4b:s7+s13], $0x0, s14, s13, $0x38;
	[tilespmem:$0x17840] =	vst v63  }
0x1f2: {  	s10 =	spop (v2sf)  }
0x1f3: {  	[tilespmem:s5], [sflag:$0x1] =	stream.linear.gather [hbm4b:s7+s2], $0x40, $0x38;
	(v2sf) =	vpush v0, $0xF;
	[tilespmem:$0x17840] =	vst v63  }
0x1f4: {  	s5 =	sadd.s32 $0x3680, s12;
	s7 =	sadd.s32 s4, s9;
	s9 =	sand.u32 $0x1FFFFFF0, s10  }
0x1f5: {  	[tilespmem:s5], [sflag:$0x1] =	stream.strided.gather [hbm4b:s7+s13], $0x0, s14, s13, $0x38;
	[tilespmem:$0x17840] =	vst v63  }
0x1f6: {  	s10 =	spop (v2sf)  }
0x1f7: {  	[tilespmem:s5], [sflag:$0x1] =	stream.linear.gather [hbm4b:s7+s2], $0x40, $0x38;
	[tilespmem:$0x17840] =	vst v63  }
0x1f8: {  	s5 =	sadd.s32 $0x3700, s12;
	s7 =	sadd.s32 s4, s8;
	s8 =	sand.u32 $0x1FFFFFF0, s10  }
0x1f9: {  	[tilespmem:s5], [sflag:$0x1] =	stream.strided.gather [hbm4b:s7+s13], $0x0, s14, s13, $0x38;
	[tilespmem:$0x17840] =	vst v63  }
0x1fa: {  	s10 =	spop (v2sf)  }
0x1fb: {  	[tilespmem:s5], [sflag:$0x1] =	stream.linear.gather [hbm4b:s7+s2], $0x40, $0x38;
	[tilespmem:$0x17840] =	vst v63  }
0x1fc: {  	s5 =	sadd.s32 $0x3780, s12;
	s7 =	sadd.s32 s4, s9;
	s9 =	sand.u32 $0x1FFFFFF0, s10  }
0x1fd: {  	[tilespmem:s5], [sflag:$0x1] =	stream.strided.gather [hbm4b:s7+s13], $0x0, s14, s13, $0x38;
	[tilespmem:$0x17840] =	vst v63  }
0x1fe: {  	s10 =	spop (v2sf)  }
0x1ff: {  	[tilespmem:s5], [sflag:$0x1] =	stream.linear.gather [hbm4b:s7+s2], $0x40, $0x38;
	[tilespmem:$0x17840] =	vst v63  }
0x200: {  	s5 =	sadd.s32 $0x3800, s12;
	s7 =	sadd.s32 s4, s8;
	s8 =	sand.u32 $0x1FFFFFF0, s10  }
0x201: {  	[tilespmem:s5], [sflag:$0x1] =	stream.strided.gather [hbm4b:s7+s13], $0x0, s14, s13, $0x38;
	[tilespmem:$0x17840] =	vst v63  }
0x202: {  	s10 =	spop (v2sf)  }
0x203: {  	[tilespmem:s5], [sflag:$0x1] =	stream.linear.gather [hbm4b:s7+s2], $0x40, $0x38;
	[tilespmem:$0x17840] =	vst v63  }
0x204: {  	s9 =	sadd.s32 s4, s9;
	s7 =	sadd.s32 $0x3880, s12;
	s5 =	sand.u32 $0x1FFFFFF0, s10  }
0x205: {  	[tilespmem:s7], [sflag:$0x1] =	stream.strided.gather [hbm4b:s9+s13], $0x0, s14, s13, $0x38;
	[tilespmem:$0x17840] =	vst v63  }
0x206: {  	s5 =	sadd.s32 s4, s5  }
0x207: {  	[tilespmem:s7], [sflag:$0x1] =	stream.linear.gather [hbm4b:s9+s2], $0x40, $0x38;
	[tilespmem:$0x17840] =	vst v63  }
.Ltmp7:
0x208: {  	_ = 	snop;
	(pc) =	sbr.rel @p1 .LBB2_8-.Ltmp7, $4  }
0x209: {  	s8 =	sadd.s32 s4, s8;
	s7 =	sadd.s32 $0x3900, s12  }
0x20a: {  	[tilespmem:s7], [sflag:$0x1] =	stream.strided.gather [hbm4b:s8+s13], $0x0, s14, s13, $0x38;
	[tilespmem:$0x17840] =	vst v63  }
0x20b: {  	s30 =	sadd.s32 $0x10, s30  }
0x20c: {  	[tilespmem:s7], [sflag:$0x1] =	stream.linear.gather [hbm4b:s8+s2], $0x40, $0x38;
	[tilespmem:$0x17840] =	vst v63  }
0x20d: {  	s7 =	sadd.s32 s30, s26  }
0x20e: {  	[tilespmem:s0], [sflag:$0x1] =	stream.strided.gather [hbm4b:s5+s13], $0x0, s14, s13, $0x38;
	[tilespmem:$0x17840] =	vst v63  }
0x20f: {  	s8 =	sand.u32 $0x70, s30;
	s7 =	sand.u32 $0xFF80, s7  }
0x210: {  	[tilespmem:s0], [sflag:$0x1] =	stream.linear.gather [hbm4b:s5+s2], $0x40, $0x38;
	[tilespmem:$0x17840] =	vst v63  }
0x211: {  	s7 =	sor.u32 s8, s7  }
0x212: {  	v0 =	vld [tilespmem:s7+$0x0];
	_ =	sdelay $0x4  }
0x213: {  	v0 =	vshll.u32 v0, $0x4  }
0x214: {  	(v2sf) =	vpush v0, $0x0;
	_ =	sdelay $0x1  }
0x215: {  	(v2sf) =	vpush v0, $0x1;
	_ =	sdelay $0x3  }
0x216: {  	(v2sf) =	vpush v0, $0x2;
	_ =	sdelay $0x3  }
0x217: {  	(v2sf) =	vpush v0, $0x3;
	_ =	sdelay $0x3  }
0x218: {  	(v2sf) =	vpush v0, $0x4  }
0x219: {  	s8 =	spop (v2sf)  }
0x21a: {  	s0 =	sshra.s32 s29, $0x2;
	s5 =	sand.u32 $0x1FFFFFF0, s8  }
0x21b: {  	s10 =	sadd.s32 $0x3200, s0;
	s9 =	spop (v2sf);
	s5 =	sadd.s32 s4, s5  }
0x21c: {  	(v2sf) =	vpush v0, $0x5;
	[tilespmem:s10], [sflag:$0x1] =	stream.strided.gather [hbm4b:s5+s13], $0x0, s14, s13, $0x38;
	[tilespmem:$0x17840] =	vst v63  }
0x21d: {  	s7 =	sand.u32 $0x1FFFFFF0, s9  }
0x21e: {  	[tilespmem:s10], [sflag:$0x1] =	stream.linear.gather [hbm4b:s5+s2], $0x40, $0x38;
	[tilespmem:$0x17840] =	vst v63  }
0x21f: {  	s11 =	sadd.s32 $0x3280, s0;
	s12 =	spop (v2sf);
	s7 =	sadd.s32 s4, s7  }
0x220: {  	(v2sf) =	vpush v0, $0x6;
	[tilespmem:s11], [sflag:$0x1] =	stream.strided.gather [hbm4b:s7+s13], $0x0, s14, s13, $0x38;
	[tilespmem:$0x17840] =	vst v63  }
0x221: {  	s8 =	sand.u32 $0x1FFFFFF0, s12  }
0x222: {  	[tilespmem:s11], [sflag:$0x1] =	stream.linear.gather [hbm4b:s7+s2], $0x40, $0x38;
	[tilespmem:$0x17840] =	vst v63  }
0x223: {  	s22 =	sadd.s32 $0x3300, s0;
	s21 =	spop (v2sf);
	s8 =	sadd.s32 s4, s8  }
0x224: {  	(v2sf) =	vpush v0, $0x7;
	[tilespmem:s22], [sflag:$0x1] =	stream.strided.gather [hbm4b:s8+s13], $0x0, s14, s13, $0x38;
	[tilespmem:$0x17840] =	vst v63  }
0x225: {  	s5 =	sand.u32 $0x1FFFFFF0, s21  }
0x226: {  	[tilespmem:s22], [sflag:$0x1] =	stream.linear.gather [hbm4b:s8+s2], $0x40, $0x38;
	[tilespmem:$0x17840] =	vst v63  }
0x227: {  	s29 =	sadd.s32 $0x3380, s0;
	s23 =	spop (v2sf);
	s5 =	sadd.s32 s4, s5  }
0x228: {  	(v2sf) =	vpush v0, $0x8;
	[tilespmem:s29], [sflag:$0x1] =	stream.strided.gather [hbm4b:s5+s13], $0x0, s14, s13, $0x38;
	[tilespmem:$0x17840] =	vst v63  }
0x229: {  	s7 =	sand.u32 $0x1FFFFFF0, s23  }
0x22a: {  	[tilespmem:s29], [sflag:$0x1] =	stream.linear.gather [hbm4b:s5+s2], $0x40, $0x38;
	[tilespmem:$0x17840] =	vst v63  }
0x22b: {  	s31 =	sadd.s32 $0x3400, s0;
	s7 =	sadd.s32 s4, s7;
	s30 =	spop (v2sf)  }
0x22c: {  	(v2sf) =	vpush v0, $0x9;
	[tilespmem:s31], [sflag:$0x1] =	stream.strided.gather [hbm4b:s7+s13], $0x0, s14, s13, $0x38;
	[tilespmem:$0x17840] =	vst v63  }
0x22d: {  	s5 =	sand.u32 $0x1FFFFFF0, s30  }
0x22e: {  	[tilespmem:s31], [sflag:$0x1] =	stream.linear.gather [hbm4b:s7+s2], $0x40, $0x38;
	[tilespmem:$0x17840] =	vst v63  }
0x22f: {  	s10 =	sadd.s32 $0x3480, s0;
	s9 =	spop (v2sf);
	s5 =	sadd.s32 s4, s5  }
0x230: {  	(v2sf) =	vpush v0, $0xA;
	[tilespmem:s10], [sflag:$0x1] =	stream.strided.gather [hbm4b:s5+s13], $0x0, s14, s13, $0x38;
	[tilespmem:$0x17840] =	vst v63  }
0x231: {  	s7 =	sand.u32 $0x1FFFFFF0, s9  }
0x232: {  	[tilespmem:s10], [sflag:$0x1] =	stream.linear.gather [hbm4b:s5+s2], $0x40, $0x38;
	[tilespmem:$0x17840] =	vst v63  }
0x233: {  	s12 =	sadd.s32 $0x3500, s0;
	s11 =	spop (v2sf);
	s7 =	sadd.s32 s4, s7  }
0x234: {  	(v2sf) =	vpush v0, $0xB;
	[tilespmem:s12], [sflag:$0x1] =	stream.strided.gather [hbm4b:s7+s13], $0x0, s14, s13, $0x38;
	[tilespmem:$0x17840] =	vst v63  }
0x235: {  	s5 =	sand.u32 $0x1FFFFFF0, s11  }
0x236: {  	[tilespmem:s12], [sflag:$0x1] =	stream.linear.gather [hbm4b:s7+s2], $0x40, $0x38;
	[tilespmem:$0x17840] =	vst v63  }
0x237: {  	s22 =	sadd.s32 $0x3580, s0;
	s21 =	spop (v2sf);
	s5 =	sadd.s32 s4, s5  }
0x238: {  	(v2sf) =	vpush v0, $0xC;
	[tilespmem:s22], [sflag:$0x1] =	stream.strided.gather [hbm4b:s5+s13], $0x0, s14, s13, $0x38;
	[tilespmem:$0x17840] =	vst v63  }
0x239: {  	s7 =	sand.u32 $0x1FFFFFF0, s21  }
0x23a: {  	[tilespmem:s22], [sflag:$0x1] =	stream.linear.gather [hbm4b:s5+s2], $0x40, $0x38;
	[tilespmem:$0x17840] =	vst v63  }
0x23b: {  	s29 =	sadd.s32 $0x3600, s0;
	s23 =	spop (v2sf);
	s7 =	sadd.s32 s4, s7  }
0x23c: {  	(v2sf) =	vpush v0, $0xD;
	[tilespmem:s29], [sflag:$0x1] =	stream.strided.gather [hbm4b:s7+s13], $0x0, s14, s13, $0x38;
	[tilespmem:$0x17840] =	vst v63  }
0x23d: {  	s5 =	sand.u32 $0x1FFFFFF0, s23  }
0x23e: {  	[tilespmem:s29], [sflag:$0x1] =	stream.linear.gather [hbm4b:s7+s2], $0x40, $0x38;
	[tilespmem:$0x17840] =	vst v63  }
0x23f: {  	s31 =	sadd.s32 $0x3680, s0;
	s30 =	spop (v2sf);
	s5 =	sadd.s32 s4, s5  }
0x240: {  	(v2sf) =	vpush v0, $0xE;
	[tilespmem:s31], [sflag:$0x1] =	stream.strided.gather [hbm4b:s5+s13], $0x0, s14, s13, $0x38;
	[tilespmem:$0x17840] =	vst v63  }
0x241: {  	s7 =	sand.u32 $0x1FFFFFF0, s30  }
0x242: {  	[tilespmem:s31], [sflag:$0x1] =	stream.linear.gather [hbm4b:s5+s2], $0x40, $0x38;
	[tilespmem:$0x17840] =	vst v63  }
0x243: {  	s10 =	sadd.s32 $0x3700, s0;
	s9 =	spop (v2sf);
	s7 =	sadd.s32 s4, s7  }
0x244: {  	[tilespmem:s10], [sflag:$0x1] =	stream.strided.gather [hbm4b:s7+s13], $0x0, s14, s13, $0x38;
	[tilespmem:$0x17840] =	vst v63  }
0x245: {  	s5 =	sand.u32 $0x1FFFFFF0, s9  }
0x246: {  	(v2sf) =	vpush v0, $0xF;
	[tilespmem:s10], [sflag:$0x1] =	stream.linear.gather [hbm4b:s7+s2], $0x40, $0x38;
	[tilespmem:$0x17840] =	vst v63  }
0x247: {  	s12 =	sadd.s32 $0x3780, s0;
	s11 =	spop (v2sf);
	s5 =	sadd.s32 s4, s5  }
0x248: {  	[tilespmem:s12], [sflag:$0x1] =	stream.strided.gather [hbm4b:s5+s13], $0x0, s14, s13, $0x38;
	[tilespmem:$0x17840] =	vst v63  }
0x249: {  	s7 =	sand.u32 $0x1FFFFFF0, s11  }
0x24a: {  	[tilespmem:s12], [sflag:$0x1] =	stream.linear.gather [hbm4b:s5+s2], $0x40, $0x38;
	[tilespmem:$0x17840] =	vst v63  }
0x24b: {  	s22 =	sadd.s32 $0x3800, s0;
	s21 =	spop (v2sf);
	s7 =	sadd.s32 s4, s7  }
0x24c: {  	[tilespmem:s22], [sflag:$0x1] =	stream.strided.gather [hbm4b:s7+s13], $0x0, s14, s13, $0x38;
	[tilespmem:$0x17840] =	vst v63  }
0x24d: {  	s5 =	sand.u32 $0x1FFFFFF0, s21  }
0x24e: {  	[tilespmem:s22], [sflag:$0x1] =	stream.linear.gather [hbm4b:s7+s2], $0x40, $0x38;
	[tilespmem:$0x17840] =	vst v63  }
0x24f: {  	s29 =	sadd.s32 $0x3880, s0;
	s23 =	spop (v2sf);
	s5 =	sadd.s32 s4, s5  }
0x250: {  	[tilespmem:s29], [sflag:$0x1] =	stream.strided.gather [hbm4b:s5+s13], $0x0, s14, s13, $0x38;
	[tilespmem:$0x17840] =	vst v63  }
0x251: {  	s7 =	sand.u32 $0x1FFFFFF0, s23  }
0x252: {  	[tilespmem:s29], [sflag:$0x1] =	stream.linear.gather [hbm4b:s5+s2], $0x40, $0x38;
	[tilespmem:$0x17840] =	vst v63  }
0x253: {  	s31 =	sadd.s32 $0x3900, s0;
	s7 =	sadd.s32 s4, s7  }
0x254: {  	[tilespmem:s31], [sflag:$0x1] =	stream.strided.gather [hbm4b:s7+s13], $0x0, s14, s13, $0x38;
	[tilespmem:$0x17840] =	vst v63  }
0x255: {  	s30 =	spop (v2sf)  }
0x256: {  	[tilespmem:s31], [sflag:$0x1] =	stream.linear.gather [hbm4b:s7+s2], $0x40, $0x38;
	[tilespmem:$0x17840] =	vst v63  }
.Ltmp8:
0x257: {  	s5 =	sand.u32 $0x1FFFFFF0, s30;
	(pc) =	sbr.rel .LBB2_10-.Ltmp8, $4  }
0x258: {  	s0 =	sadd.s32 $0x3980, s0;
	s5 =	sadd.s32 s4, s5  }
0x259: {  	[tilespmem:s0], [sflag:$0x1] =	stream.strided.gather [hbm4b:s5+s13], $0x0, s14, s13, $0x38;
	[tilespmem:$0x17840] =	vst v63  }
0x25a: {  	_ = 	snop  }
0x25b: {  	[tilespmem:s0], [sflag:$0x1] =	stream.linear.gather [hbm4b:s5+s2], $0x40, $0x38;
	[tilespmem:$0x17840] =	vst v63  }
.LBB2_12:
0x25c: {  	_ =	sfence.sel $0x180000  }
0x25d: {  	[bflag:$0x0] =	sbarrier.arrive $0xFFFF  }
0x25e: {  	_ =	strace $0x90000047  }
0x25f: {  	[bflag:$0x2] =	sbarrier.arrive $0xFFFF  }
0x260: {  	s0 =	rddreg [dreg:$0x3]  }
0x261: {  	s0 =	sadd.s32 @!p0 $0x100000, s0  }
0x262: {  	[sflag:s0] =	ssyncadd.tile.s32 @!p0 $0x1;
	_ =	shalt  }
.Lfunc_end2:
_tile_overlayer_lowered:
.L_overlay_start_2:
0x263: {  	(tag) =	ssettag $0x2  }
0x264: {  	s0 =	rddreg [dreg:$0x0];
	s2 =	stileid.u32  }
0x265: {  	s1 =	rddreg [dreg:$0x1];
	p0 =	sne.s32 s2, $0x0  }
0x266: {  	s3 =	rddreg [dreg:$0x2];
	[bflag:$0x3] =	sbarrier.arrive $0xFFFF;
	s2 =	simm.s32 @!p0 $0x1C06  }
0x267: {  	[timem:s3], [sflag:s2] =	dma.local @!p0 [hbm:s0], s1  }
0x268: {  	s0 =	simm.s32 @!p0 $0x6  }
0x269: {  	_ =	swait.ge @!p0 [sflag:s0], s1  }
0x26a: {  	s1 =	ssub.s32 @!p0 $0x0, s1;
	[sflag:s0] =	ssyncset.done @!p0 $0x0  }
0x26b: {  	[sflag:s0] =	ssyncadd.s32 @!p0 s1  }
0x26c: {  	[bflag:$0x3] =	sbarrier.arrive $0xFFFF  }
0x26d: {  	_ =	shalt  }

// kernel: sparse-core-data-format-call.cloned.1.call-start
scs
called_computation_lowered:
.L_overlay_start_0:
0x0: {  	s2 =	sld [smem:$0x3FD9]  }
0x1: {  	s3 =	sld [smem:$0x3FFE];
	_ =	sdelay $0x1  }
0x2: {  	s1 =	srdreg.scid  }
0x3: {  	s0 =	sand.u32 $0x1, s1  }
0x4: {  	s18 =	sshll.u32 s0, $0xA;
	s2 =	sadd.s32 s3, s2  }
0x5: {  	s2 =	sadd.s32 s2, s18  }
0x6: {  	[smem:$0x3FC5] =	sst s2  }
0x7: {  	_ = 	snop  }
0x8: {  	s2 =	sld [smem:$0x3FD0];
	(tm) =	ssettm $0x1  }
0x9: {  	s19 =	sld [smem:$0x3FFB];
	_ =	sdelay $0x3  }
0xa: {  	_ =	strace s19  }
0xb: {  	s3 =	sld [smem:$0x3FFC];
	_ =	sdelay $0x3  }
0xc: {  	_ =	strace s3  }
0xd: {  	s3 =	sld [smem:$0x3FFD];
	_ =	sdelay $0x3  }
0xe: {  	_ =	strace s3  }
0xf: {  	_ =	strace $0x8FFFFFFF  }
0x10: {  	s20 =	sld [smem:$0x3FDB];
	_ =	sdelay $0x1  }
0x11: {  	s4 =	simm.s32 $_scs_section_size  }
0x12: {  	s5 =	simm.s32 $_size__tile_overlayer_lowered;
	s6 =	simm.s32 $_tile_overlayer_lowered  }
0x13: {  	s23 =	simm.s32 $0x1BFF;
	s22 =	sshll.u32 s6, $0x1;
	s3 =	sadd.s32 s4, s20  }
0x14: {  	s7 =	simm.s32 $0x0;
	s21 =	sshll.u32 s5, $0x1;
	s5 =	sadd.s32 s22, s3  }
0x15: {  	[timem:s7], [sflag:s23] =	dma.local [hbm:s5], s21  }
0x16: {  	_ =	swait.ge [sflag:s23], s21  }
0x17: {  	s4 =	ssub.s32 $0x0, s21;
	[sflag:s23] =	ssyncset.done $0x0  }
0x18: {  	[sflag:s23] =	ssyncadd.s32 s4;
	_ =	sdelay $0x1  }
0x19: {  	s24 =	simm.s32 $0x1B8B  }
0x1a: {  	_ =	swait.ge [sflag:s24], $0x1  }
0x1b: {  	[sflag:s24] =	ssyncset.done $0x0  }
0x1c: {  	s26 =	simm.s32 $0x1B8E;
	s25 =	sld [smem:$0x3FFE];
	[sflag:s24] =	ssyncadd.s32 $0xFFFFFFFF  }
0x1d: {  	s27 =	simm.s32 $execute0_lowered;
	[smem:$0x3FD2] =	sst s26  }
0x1e: {  	s5 =	sshll.u32 s27, $0x1;
	_ =	strace $0x80000049;
	[dreg:$0x1] =	wrdreg $0xFFFFFFFF  }
0x1f: {  	s28 =	simm.s32 $_size_execute0_lowered;
	s3 =	sadd.s32 s3, s5;
	[dreg:$0x0] =	wrdreg $0x0  }
0x20: {  	s5 =	sshll.u32 s28, $0x1;
	[dreg:$0x2] =	wrdreg s3  }
0x21: {  	[dreg:$0x3] =	wrdreg s5  }
0x22: {  	[dreg:$0x4] =	wrdreg $0xC0  }
0x23: {  	_ =	task [dreg:s7], $0x5FFFF  }
0x24: {  	[dreg:$0x1] =	wrdreg $0xFFFFFFFF  }
0x25: {  	[dreg:$0x0] =	wrdreg $0x60  }
0x26: {  	[dreg:$0x2] =	wrdreg s25  }
0x27: {  	[dreg:$0x3] =	wrdreg s2  }
0x28: {  	[dreg:$0x4] =	wrdreg $0x9  }
0x29: {  	_ =	task.clear_ibuf [dreg:s7], $0x5FFFF;
	_ =	strace $0x90000049  }
0x2a: {  	s29 =	simm.s32 $0x9;
	_ =	strace $0x8000004B  }
0x2b: {  	_ =	swait.ge [sflag:s29], $0x1  }
0x2c: {  	[sflag:s29] =	ssyncadd.s32 $0xFFFFFFFF  }
0x2d: {  	_ =	strace $0x9000004B  }
0x2e: {  	_ =	sfence  }
0x2f: {  	s30 =	sld [smem:$0x0];
	_ =	sdelay $0x2  }
0x30: {  	s31 =	sshll.u32 s1, $0xD;
	s1 =	sshrl.u32 s1, $0x2  }
0x31: {  	s3 =	sand.u32 $0x4000, s31;
	s1 =	sadd.s32 s1, s30  }
0x32: {  	s0 =	sor.u32 s3, s0;
	s1 =	sshll.u32 s1, $0x11  }
0x33: {  	s0 =	sor.u32 s1, s0  }
0x34: {  	s0 =	sadd.s32 $0x8F2B, s0  }
0x35: {  	[sflag:s0] =	ssyncadd.remote.s32 $0x1  }
0x36: {  	_ =	sfence.sel $0xFFFF  }
0x37: {  	[dreg:$0x0] =	wrdreg $0xFFFFFFFF;
	(pc) =	sbr.abs _section_cstart, $3  }
0x38: {  	[dreg:$0x1] =	wrdreg $0xFFFFFFFF  }
0x39: {  	_ =	task.clear_ibuf [dreg:s7], $0x2FFFF;
	_ =	strace $0x9FFFFFFF  }
0x3a: {  	(tm) =	ssettm $0x7FFFFFFF  }
0x3b: {  	_ =	shalt  }
tec
execute0_lowered:
.L_overlay_start_1:
0x0: {  	(tag) =	ssettag $0x1  }
0x1: {  	s0 =	stileid.u32;
	s6 =	rddreg [dreg:$0x0]  }
0x2: {  	s2 =	rddreg [dreg:$0x1];
	s5 =	srdreg.scid  }
0x3: {  	s31 =	simm.s32 $0x2;
	s13 =	simm.s32 $0x0;
	s1 =	sshll.u32 s0, $0x7  }
0x4: {  	s14 =	simm.s32 $0x0;
	s12 =	simm.s32 $0x0;
	s3 =	sand.u32 $0x380, s1  }
0x5: {  	s5 =	sshll.u32 s5, $0x4;
	s6 =	sadd.s32 $0xF4A000, s6;
	s4 =	ssub.s32 $0x400, s3  }
0x6: {  	s1 =	rddreg [dreg:$0x2];
	_ =	strace $0x8000004A;
	s7 =	sand.u32 $0x380, s4  }
0x7: {  	s5 =	sand.u32 $0x10, s5;
	p0 =	sne.s32 s7, $0x0;
	s7 =	simm.s32 $0x1  }
.Ltmp0:
0x8: {  	s8 =	sshrl.u32 s4, $0xA;
	s7 =	simm.s32 @!p0 $0x0;
	(pc) =	sbr.rel .LBB1_1-.Ltmp0, $4  }
0x9: {  	s9 =	sor.u32 s0, s5;
	s4 =	simm.s32 $0x1;
	s30 =	sadd.s32 s7, s8  }
0xa: {  	s11 =	smov.u32 s3;
	[sflag:s4] =	ssyncpa.u1 $0x0;
	s5 =	smul.u32 $0x32, s30  }
0xb: {  	[sflag:s31] =	ssyncpa.u1 $0x0;
	p0 =	por $0x0, $0x0;
	s7 =	sshrl.u32 s9, $0x3  }
0xc: {  	s9 =	simm.s32 $0x2000;
	s10 =	smov.u32 s7;
	s8 =	sor.u32 $0x1, s5  }
.LBB1_4:
0xd: {  	s17 =	sand.u32 $0x1F80, s14;
	s13 =	sshll.u32 s13, $0xD  }
0xe: {  	[tilespmem:s16+$0x810 ss:$0x81] =	vst.msk $0xffff, v2;
	s18 =	sshrl.u32 s14, $0x3;
	s31 =	sand.u32 $0x7, s14;
	s17 =	sadd.s32 s2, s17  }
0xf: {  	[tilespmem:s16+$0x1020 ss:$0x81] =	vst.msk $0xffff, v0;
	s18 =	sand.u32 $0xF, s18;
	s14 =	sshll.u32 s31, $0x12;
	s13 =	sadd.s32 s13, s17  }
0x10: {  	[tilespmem:s16+$0x0 ss:$0x81] =	vst.msk $0xffff, v1;
	s14 =	sor.u32 $0x400, s14;
	s13 =	sadd.s32 s18, s13  }
0x11: {  	[hbm4b:s13+s14] =	stream.strided.scatter [tilespmem:s15], [sflag:$0x2], $0x2000, s9, s14, $0x20;
	[tilespmem:$0x8080] =	vst v63  }
.LBB1_5:
0x12: {  	s15 =	sadd.s32 $0x4, s10  }
0x13: {  	s13 =	sadd.s32 $0x400, s11;
	s17 =	smov.u32 s11;
	p2 =	sgt.s32 s15, $0xC7  }
0x14: {  	s17 =	smov.u32 @p2 s13  }
0x15: {  	s15 =	smov.u32 @p2 s7;
	p2 =	sgt.s32 s17, $0x3FF  }
0x16: {  	s17 =	smov.u32 @p2 s3;
	p2 =	sne.s32 s12, s8  }
.Ltmp1:
0x17: {  	p1 =	slt.u32 s12, $0x2;
	(pc) =	sbr.rel @!p2 .LBB1_6-.Ltmp1, $4  }
0x18: {  	s16 =	simm.s32 @!p1 $0x2  }
0x19: {  	s14 =	smov.u32 s11;
	p0 =	por !p0, !p0;
	_ =	swait.ge @!p1 [sflag:s16], $0x2000  }
0x1a: {  	s13 =	smov.u32 s10;
	[sflag:s16] =	ssyncset.done @!p1 $0x0;
	s10 =	smov.u32 s15  }
0x1b: {  	s12 =	sadd.s32 $0x1, s12;
	[sflag:s16] =	ssyncadd.s32 @!p1 $0xFFFFE000;
	s11 =	smov.u32 s17  }
.LBB1_1:
0x1c: {  	p1 =	sge.u32 s12, s5  }
0x1d: {  	s15 =	sand.u32 @!p1 $0x1FFFFFF, s10  }
0x1e: {  	s16 =	smulhi.u32 @!p1 $0x147AE15, s15;
	_ =	sdelay $0x1  }
0x1f: {  	s16 =	smul.u32 @!p1 $0xC8, s16  }
0x20: {  	s17 =	sxor.u32 @!p1 $0xFFFFFFFF, s12;
	s18 =	smul.u32 @!p1 $0xC80, s11  }
0x21: {  	s31 =	sadd.s32 $0xFFFFFFFF, s12;
	s17 =	sshll.u32 @!p1 s17, $0xD;
	s15 =	ssub.s32 @!p1 s15, s16  }
0x22: {  	s16 =	sand.u32 @!p1 $0x2000, s17;
	s17 =	sadd.s32 @!p1 s6, s18;
	s15 =	sshll.u32 @!p1 s15, $0x4  }
0x23: {  	s18 =	simm.s32 @!p1 $0x6400;
	s15 =	sadd.s32 @!p1 s15, s17;
	s17 =	simm.s32 @!p1 $0x40  }
0x24: {  	[tilespmem:s16], [sflag:$0x1] =	stream.strided.gather @!p1 [hbm4b:s15+s17], $0x2000, s18, s17, $0x38;
	[tilespmem:$0x8080] =	vst v63  }
0x25: {  	p1 =	sge.u32 s31, s5  }
.Ltmp2:
0x26: {  	_ = 	snop;
	(pc) =	sbr.rel @p1 .LBB1_5-.Ltmp2, $1  }
0x27: {  	_ =	sdelay $0x3  }
0x28: {  	s15 =	simm.s32 $0x1  }
0x29: {  	_ =	swait.ge [sflag:s4], $0x2000;
	s15 =	simm.s32 @!p0 $0x0  }
0x2a: {  	[sflag:s4] =	ssyncset.done $0x0;
	s16 =	sshll.u32 s15, $0xD  }
0x2b: {  	[sflag:s4] =	ssyncadd.s32 $0xFFFFE000;
	s19 =	sor.u32 $0x20, s16  }
0x2c: {  	s15 =	smul.u32 $0x8100, s15;
	v3 =	vld [tilespmem:s19+$0x10]  }
0x2d: {  	s30 =	sand.u32 $0x1, s12;
	v2 =	vld [tilespmem:s19+$0xFFFFFFF0]  }
0x2e: {  	s16 =	smul.u32 $0x8100, s30;
	s15 =	sshrl.u32 s15, $0x2;
	v0 =	vld [tilespmem:s19+$0x0]  }
0x2f: {  	v1 =	vld [tilespmem:s19+$0xFFFFFFE0];
	s17 =	sor.u32 $0x4000, s15  }
0x30: {  	s31 =	sshrl.u32 s16, $0x2;
	s16 =	sadd.s32 $0x0, s17  }
0x31: {  	s18 =	simm.s32 $0x4;
	s19 =	sadd.s32 $0x40, s19;
	s15 =	sor.u32 $0x4000, s31;
	[tilespmem:s16+$0x1830 ss:$0x81] =	vst.msk $0xffff, v3  }
.LBB1_3:
0x32: {  	v3 =	vld [tilespmem:s19+$0x10];
	p1 =	sne.s32 s18, $0x1FC;
	[tilespmem:s16+$0x810 ss:$0x81] =	vst.msk $0xffff, v2;
	s20 =	smov.u32 s18;
	s18 =	sadd.s32 $0x4, s18  }
.Ltmp3:
0x33: {  	v2 =	vld [tilespmem:s19+$0xFFFFFFF0];
	[tilespmem:s16+$0x1020 ss:$0x81] =	vst.msk $0xffff, v0;
	(pc) =	sbr.rel @p1 .LBB1_3-.Ltmp3, $4  }
0x34: {  	v0 =	vld [tilespmem:s19+$0x0];
	[tilespmem:s16+$0x0 ss:$0x81] =	vst.msk $0xffff, v1  }
0x35: {  	s16 =	sshra.s32 s20, $0x2;
	v1 =	vld [tilespmem:s19+$0xFFFFFFE0]  }
0x36: {  	s16 =	sadd.s32 s16, s17  }
0x37: {  	s19 =	sadd.s32 $0x40, s19;
	[tilespmem:s16+$0x1830 ss:$0x81] =	vst.msk $0xffff, v3  }
.Ltmp4:
0x38: {  	_ = 	snop;
	(pc) =	sbr.rel .LBB1_4-.Ltmp4, $1  }
0x39: {  	_ =	sdelay $0x3  }
.LBB1_6:
0x3a: {  	_ =	sfence.sel $0x180000  }
0x3b: {  	s2 =	simm.s32 $0x1;
	[bflag:$0x0] =	sbarrier.arrive $0xFFFF  }
0x3c: {  	s31 =	simm.s32 $0x2;
	[sflag:s2] =	ssyncpa.u1 $0x1  }
0x3d: {  	[sflag:s31] =	ssyncpa.u1 $0x1  }
0x3e: {  	p0 =	sne.s32 s0, $0x0;
	_ =	strace $0x9000004A  }
0x3f: {  	s0 =	sadd.s32 @!p0 $0x100000, s1;
	[bflag:$0x2] =	sbarrier.arrive $0xFFFF  }
0x40: {  	[sflag:s0] =	ssyncadd.tile.s32 @!p0 $0x1;
	_ =	shalt  }
.Lfunc_end1:
_tile_overlayer_lowered:
.L_overlay_start_2:
0x41: {  	(tag) =	ssettag $0x2  }
0x42: {  	s0 =	rddreg [dreg:$0x0];
	s2 =	stileid.u32  }
0x43: {  	s1 =	rddreg [dreg:$0x1];
	p0 =	sne.s32 s2, $0x0  }
0x44: {  	s3 =	rddreg [dreg:$0x2];
	[bflag:$0x3] =	sbarrier.arrive $0xFFFF;
	s2 =	simm.s32 @!p0 $0x1C01  }
0x45: {  	[timem:s3], [sflag:s2] =	dma.local @!p0 [hbm:s0], s1  }
0x46: {  	s0 =	simm.s32 @!p0 $0x1  }
0x47: {  	_ =	swait.ge @!p0 [sflag:s0], s1  }
0x48: {  	s1 =	ssub.s32 @!p0 $0x0, s1;
	[sflag:s0] =	ssyncset.done @!p0 $0x0  }
0x49: {  	[sflag:s0] =	ssyncadd.s32 @!p0 s1  }
0x4a: {  	[bflag:$0x3] =	sbarrier.arrive $0xFFFF  }
0x4b: {  	_ =	shalt  }

</sc_bundles>
